<compile_context>
chip_gen: v7x
topology: tpu7x:2x2x1
jax: 0.10.2.dev20260603
libtpu: 0.0.44.dev20260713+nightly
codegen_flags: <defaults>
</compile_context>

<pallas_src>
import jax
import jax.numpy as jnp
from jax import lax
from jax.experimental import pallas as pl
from jax.experimental.pallas import tpu as pltpu
from jax.experimental.pallas import tpu_sc as plsc

N_ROWS = 4_000_000
NUM_SUBJ = 64
LANES = 16
CHUNK = 8192
GROUPS = CHUNK // LANES
NUM_TILES = 32
NUM_CHUNKS = (N_ROWS + CHUNK - 1) // CHUNK
TRIPS = (NUM_CHUNKS + NUM_TILES - 1) // NUM_TILES
ACC_WORDS = LANES * 4 * NUM_SUBJ


def _sc_segment_partials(params_ref, sidx_ref, out_ref,
                         par0, par1, idx0, idx1,
                         acc, sp0, sp1, si0, si1):
    wid = lax.axis_index("s") * 2 + lax.axis_index("c")
    lane = lax.iota(jnp.int32, LANES)
    lane256 = lane * 256
    ones = jnp.ones((LANES,), jnp.float32)
    pbufs = (par0, par1)
    ibufs = (idx0, idx1)
    psems = (sp0, sp1)
    isems = (si0, si1)

    def zero_body(i, _):
        acc[pl.ds(i * LANES, LANES)] = jnp.zeros((LANES,), jnp.float32)
        return 0
    lax.fori_loop(0, ACC_WORDS // LANES, zero_body, 0)

    def chunk_start(k):
        ci = wid + k * NUM_TILES
        nominal = ci * CHUNK
        start = jnp.minimum(nominal, N_ROWS - CHUNK)
        return start, nominal - start

    def issue(k):
        start, _ = chunk_start(k)
        b = k % 2
        cps = [
            pltpu.async_copy(params_ref.at[pl.ds(0, 3), pl.ds(start, CHUNK)],
                             pbufs[b], psems[b]),
            pltpu.async_copy(sidx_ref.at[pl.ds(start, CHUNK)],
                             ibufs[b], isems[b]),
        ]
        return cps

    def process(k):
        b = k % 2
        par_buf, idx_buf = pbufs[b], ibufs[b]
        if k < TRIPS - 1:
            @plsc.parallel_loop(0, CHUNK, LANES, unroll=4)
            def _(base):
                subj = idx_buf[pl.ds(base, LANES)]
                addr = lane + (subj << 4)
                for c in range(3):
                    v = par_buf[c, pl.ds(base, LANES)]
                    plsc.addupdate_scatter(acc, [addr + c * 1024], v)
                plsc.addupdate_scatter(acc, [addr + 3 * 1024], ones)
        else:
            _, delta = chunk_start(k)

            @plsc.parallel_loop(0, CHUNK, LANES, unroll=4)
            def _(base):
                msk = (base + lane) >= delta
                subj = idx_buf[pl.ds(base, LANES)]
                addr = lane + (subj << 4)
                for c in range(3):
                    v = par_buf[c, pl.ds(base, LANES)]
                    plsc.addupdate_scatter(acc, [addr + c * 1024], v,
                                           mask=msk)
                plsc.addupdate_scatter(acc, [addr + 3 * 1024], ones,
                                       mask=msk)

    cur = issue(0)
    for k in range(TRIPS):
        nxt = issue(k + 1) if k + 1 < TRIPS else None
        for cp in cur:
            cp.wait()
        process(k)
        cur = nxt

    pltpu.sync_copy(acc, out_ref.at[wid])


def _tc_stats(x_ref, out_ref):
    x = x_ref[...]
    t = jnp.sum(x, axis=0, keepdims=True)
    counts = t[:, 3 * NUM_SUBJ:4 * NUM_SUBJ]
    present = (counts > 0).astype(jnp.float32)
    m = jnp.sum(present)
    safe_counts = jnp.maximum(counts, 1.0)
    targets = (400.0, 25.0, 0.05)
    loss = jnp.float32(0.0)
    for c in range(3):
        s_c = t[:, c * NUM_SUBJ:(c + 1) * NUM_SUBJ]
        mean_c = s_c / safe_counts
        mom_c = jnp.sum(mean_c * present) / m
        var_c = jnp.sum(present * (mean_c - mom_c) ** 2) / (m - 1.0)
        std_c = jnp.sqrt(var_c)
        loss = loss + jnp.maximum(targets[c] - std_c, 0.0)
    loss = jnp.where(m < 2.0, jnp.float32(0.0), loss)
    out_ref[0, 0] = loss


def kernel(params, subject_idx):
    params3 = params.astype(jnp.float32).T
    sidx = subject_idx.astype(jnp.int32)

    mesh = plsc.VectorSubcoreMesh(core_axis_name="c", subcore_axis_name="s")
    partials = pl.kernel(
        _sc_segment_partials,
        out_type=jax.ShapeDtypeStruct((NUM_TILES, ACC_WORDS), jnp.float32),
        mesh=mesh,
        compiler_params=pltpu.CompilerParams(needs_layout_passes=False),
        scratch_types=[
            pltpu.VMEM((3, CHUNK), jnp.float32),
            pltpu.VMEM((3, CHUNK), jnp.float32),
            pltpu.VMEM((CHUNK,), jnp.int32),
            pltpu.VMEM((CHUNK,), jnp.int32),
            pltpu.VMEM((ACC_WORDS,), jnp.float32),
            pltpu.SemaphoreType.DMA,
            pltpu.SemaphoreType.DMA,
            pltpu.SemaphoreType.DMA,
            pltpu.SemaphoreType.DMA,
        ],
    )(params3, sidx)

    stacked = (partials.reshape(NUM_TILES, 4, NUM_SUBJ, LANES)
               .transpose(0, 3, 1, 2)
               .reshape(NUM_TILES * LANES, 4 * NUM_SUBJ))
    loss = pl.pallas_call(
        _tc_stats,
        out_shape=jax.ShapeDtypeStruct((1, 1), jnp.float32),
        out_specs=pl.BlockSpec(memory_space=pltpu.SMEM),
    )(stacked)
    return loss[0, 0]

# --- scband reference (transcript-rebuilt; emitter-appended) ---
"""Pipeline reference for scband-parameter-diversity-loss-26362509263251 (READ-ONLY COPY).

The authoritative reference and input builder live on the scoring server;
editing this copy changes nothing except your own understanding.
"""

import jax, jax.numpy as jnp
import numpy as np

N = 4_000_000
NUM_SUBJECTS = 64
WEIGHT = 1.0


def setup_inputs(seed: int = 0) -> dict:
    key = jax.random.key(seed)
    k1, k2 = jax.random.split(key)
    params = jax.random.normal(k1, (N, 3), dtype=jnp.float32)
    subject_idx = jax.random.randint(k2, (N,), 0, NUM_SUBJECTS)
    return {"params": params, "subject_idx": subject_idx}


def reference(params, subject_idx):
    # Per-subject mean via segment-sum (equivalent to the torch loop over unique subjects).
    sums = jax.ops.segment_sum(params, subject_idx, num_segments=NUM_SUBJECTS)
    counts = jax.ops.segment_sum(
        jnp.ones((params.shape[0],), dtype=params.dtype), subject_idx,
        num_segments=NUM_SUBJECTS)
    present = counts > 0
    means = sums / jnp.maximum(counts, 1.0)[:, None]
    pmask = present.astype(params.dtype)[:, None]
    m = jnp.sum(present.astype(params.dtype))
    # Unbiased std across present subjects (torch.std default, correction=1).
    mean_of_means = jnp.sum(means * pmask, axis=0) / m
    var = jnp.sum(pmask * (means - mean_of_means) ** 2, axis=0) / (m - 1.0)
    param_stds = jnp.sqrt(var)
    target_stds = jnp.array([400.0, 25.0, 0.05], dtype=params.dtype)
    diversity_loss = jnp.sum(jax.nn.relu(target_stds - param_stds)) * WEIGHT
    # Guard: fewer than 2 subjects -> zero loss (matches torch early return).
    return jnp.where(m < 2.0, jnp.array(0.0, dtype=params.dtype), diversity_loss)

if __name__ == "__main__":
    import jax
    _d = setup_inputs()
    print(jax.jit(kernel)(*tuple(_d.values())))

</pallas_src>

<mosaic_0001>
#map = affine_map<(d0, d1) -> (0, 0)>
#map1 = affine_map<(d0, d1) -> (0)>
module attributes {stable_mosaic.version = 14 : i64} {
  func.func @_sc_segment_partials(%arg0: i32, %arg1: i32, %arg2: memref<3x4000000xf32, #tpu.memory_space<hbm>>, %arg3: memref<4000000xi32, #tpu.memory_space<hbm>>, %arg4: memref<32x4096xf32, #tpu.memory_space<hbm>>, %arg5: memref<3x8192xf32, #tpu.memory_space<vmem>>, %arg6: memref<3x8192xf32, #tpu.memory_space<vmem>>, %arg7: memref<8192xi32, #tpu.memory_space<vmem>>, %arg8: memref<8192xi32, #tpu.memory_space<vmem>>, %arg9: memref<4096xf32, #tpu.memory_space<vmem>>, %arg10: memref<!tpu.dma_semaphore, #tpu.memory_space<semaphore_mem>>, %arg11: memref<!tpu.dma_semaphore, #tpu.memory_space<semaphore_mem>>, %arg12: memref<!tpu.dma_semaphore, #tpu.memory_space<semaphore_mem>>, %arg13: memref<!tpu.dma_semaphore, #tpu.memory_space<semaphore_mem>>) attributes {dimension_semantics = [#tpu.dimension_semantics<core_parallel>, #tpu.dimension_semantics<subcore_parallel>], iteration_bounds = array<i64: 2, 16>, scalar_prefetch = 0 : i64, scratch_operands = 9 : i64, tpu.core_type = #tpu.core_type<sc_vector_subcore>, window_params = [{transform_indices = #map}, {transform_indices = #map1}, {transform_indices = #map}]} {
    %mul3A = arith.constant 2 : i32
    %mul3A_0 = arith.muli %arg1, %mul3A : i32
    %add3A = arith.addi %mul3A_0, %arg0 : i32
    %iota3A = tpu.iota {dimensions = array<i32: 0>} : vector<16xi32>
    %mul3A_1 = arith.constant 256 : i32
    %mul3A_2 = vector.broadcast %mul3A_1 : i32 to vector<16xi32>
    %mul3A_3 = arith.muli %iota3A, %mul3A_2 : vector<16xi32>
    %broadcast_in_dim3A = arith.constant 1.000000e+00 : f32
    %broadcast_in_dim3A_4 = vector.broadcast %broadcast_in_dim3A : f32 to vector<16xf32>
    %scan3A = arith.constant 0 : i32
    %scan3A_5 = arith.constant 0 : i32
    %scan3A_6 = arith.constant 256 : i32
    %scan3A_7 = arith.addi %scan3A_5, %scan3A_6 : i32
    %scan3A_8 = arith.constant 1 : i32
    %scan3A_9 = scf.for %scan3A_365 = %scan3A_5 to %scan3A_7 step %scan3A_8 iter_args(%scan3A_366 = %scan3A) -> (i32)  : i32 {
      %broadcast_in_dim3A_367 = arith.constant 0.000000e+00 : f32
      %broadcast_in_dim3A_368 = vector.broadcast %broadcast_in_dim3A_367 : f32 to vector<16xf32>
      %mul3A_369 = arith.constant 16 : i32
      %mul3A_370 = arith.muli %scan3A_365, %mul3A_369 : i32
      %swap3A = arith.index_cast %mul3A_370 : i32 to index
      %swap3A_371 = tpu.vector_load %arg9[%swap3A] {strides = array<i32>} : memref<4096xf32, #tpu.memory_space<vmem>>, vector<16xf32>,
      tpu.vector_store %arg9[%swap3A], %broadcast_in_dim3A_368 {strides = array<i32>} : memref<4096xf32, #tpu.memory_space<vmem>>, vector<16xf32>,
      %scan3A_372 = arith.constant 0 : i32
      scf.yield %scan3A_372 : i32
    }
    %scan3A_10 = arith.constant 256 : i32
    %add3A_11 = arith.constant 0 : i32
    %add3A_12 = arith.addi %add3A, %add3A_11 : i32
    %mul3A_13 = arith.constant 8192 : i32
    %mul3A_14 = arith.muli %add3A_12, %mul3A_13 : i32
    %min3A = arith.constant 3991808 : i32
    %min3A_15 = arith.minsi %mul3A_14, %min3A : i32
    %sub3A = arith.subi %mul3A_14, %min3A_15 : i32
    %dma_start3A = arith.constant 0 : i32
    %dma_start3A_16 = tpu.memref_slice %arg2[%dma_start3A, %min3A_15] : memref<3x4000000xf32, #tpu.memory_space<hbm>> -> memref<3x8192xf32, #tpu.memory_space<hbm>>
    %dma_start3A_17 = arith.constant 0 : i32
    %dma_start3A_18 = tpu.memref_slice %arg2[%dma_start3A_17, %min3A_15] : memref<3x4000000xf32, #tpu.memory_space<hbm>> -> memref<3x8192xf32, #tpu.memory_space<hbm>>
    tpu.enqueue_dma source(%dma_start3A_18 : memref<3x8192xf32, #tpu.memory_space<hbm>>) target(%arg5 : memref<3x8192xf32, #tpu.memory_space<vmem>>) target_semaphore(%arg10 : memref<!tpu.dma_semaphore, #tpu.memory_space<semaphore_mem>>)
    %dma_start3A_19 = tpu.memref_slice %arg3[%min3A_15] : memref<4000000xi32, #tpu.memory_space<hbm>> -> memref<8192xi32, #tpu.memory_space<hbm>>
    %dma_start3A_20 = tpu.memref_slice %arg3[%min3A_15] : memref<4000000xi32, #tpu.memory_space<hbm>> -> memref<8192xi32, #tpu.memory_space<hbm>>
    tpu.enqueue_dma source(%dma_start3A_20 : memref<8192xi32, #tpu.memory_space<hbm>>) target(%arg7 : memref<8192xi32, #tpu.memory_space<vmem>>) target_semaphore(%arg12 : memref<!tpu.dma_semaphore, #tpu.memory_space<semaphore_mem>>)
    %add3A_21 = arith.constant 32 : i32
    %add3A_22 = arith.addi %add3A, %add3A_21 : i32
    %mul3A_23 = arith.constant 8192 : i32
    %mul3A_24 = arith.muli %add3A_22, %mul3A_23 : i32
    %min3A_25 = arith.constant 3991808 : i32
    %min3A_26 = arith.minsi %mul3A_24, %min3A_25 : i32
    %sub3A_27 = arith.subi %mul3A_24, %min3A_26 : i32
    %dma_start3A_28 = arith.constant 0 : i32
    %dma_start3A_29 = tpu.memref_slice %arg2[%dma_start3A_28, %min3A_26] : memref<3x4000000xf32, #tpu.memory_space<hbm>> -> memref<3x8192xf32, #tpu.memory_space<hbm>>
    %dma_start3A_30 = arith.constant 0 : i32
    %dma_start3A_31 = tpu.memref_slice %arg2[%dma_start3A_30, %min3A_26] : memref<3x4000000xf32, #tpu.memory_space<hbm>> -> memref<3x8192xf32, #tpu.memory_space<hbm>>
    tpu.enqueue_dma source(%dma_start3A_31 : memref<3x8192xf32, #tpu.memory_space<hbm>>) target(%arg6 : memref<3x8192xf32, #tpu.memory_space<vmem>>) target_semaphore(%arg11 : memref<!tpu.dma_semaphore, #tpu.memory_space<semaphore_mem>>)
    %dma_start3A_32 = tpu.memref_slice %arg3[%min3A_26] : memref<4000000xi32, #tpu.memory_space<hbm>> -> memref<8192xi32, #tpu.memory_space<hbm>>
    %dma_start3A_33 = tpu.memref_slice %arg3[%min3A_26] : memref<4000000xi32, #tpu.memory_space<hbm>> -> memref<8192xi32, #tpu.memory_space<hbm>>
    tpu.enqueue_dma source(%dma_start3A_33 : memref<8192xi32, #tpu.memory_space<hbm>>) target(%arg8 : memref<8192xi32, #tpu.memory_space<vmem>>) target_semaphore(%arg13 : memref<!tpu.dma_semaphore, #tpu.memory_space<semaphore_mem>>)
    %dma_wait3A = arith.constant 0 : i32
    %dma_wait3A_34 = tpu.memref_slice %arg2[%dma_wait3A, %min3A_15] : memref<3x4000000xf32, #tpu.memory_space<hbm>> -> memref<3x8192xf32, #tpu.memory_space<hbm>>
    %dma_wait3A_35 = arith.constant 0 : i32
    %dma_wait3A_36 = tpu.memref_slice %arg2[%dma_wait3A_35, %min3A_15] : memref<3x4000000xf32, #tpu.memory_space<hbm>> -> memref<3x8192xf32, #tpu.memory_space<hbm>>
    tpu.wait_dma2 semaphore(%arg10 : memref<!tpu.dma_semaphore, #tpu.memory_space<semaphore_mem>>) src(%dma_wait3A_36 : memref<3x8192xf32, #tpu.memory_space<hbm>>) dst(%arg5 : memref<3x8192xf32, #tpu.memory_space<vmem>>)
    %dma_wait3A_37 = tpu.memref_slice %arg3[%min3A_15] : memref<4000000xi32, #tpu.memory_space<hbm>> -> memref<8192xi32, #tpu.memory_space<hbm>>
    %dma_wait3A_38 = tpu.memref_slice %arg3[%min3A_15] : memref<4000000xi32, #tpu.memory_space<hbm>> -> memref<8192xi32, #tpu.memory_space<hbm>>
    tpu.wait_dma2 semaphore(%arg12 : memref<!tpu.dma_semaphore, #tpu.memory_space<semaphore_mem>>) src(%dma_wait3A_38 : memref<8192xi32, #tpu.memory_space<hbm>>) dst(%arg7 : memref<8192xi32, #tpu.memory_space<vmem>>)
    %parallel_loop3A = arith.constant 0 : i32
    %parallel_loop3A_39 = arith.constant 8192 : i32
    %parallel_loop3A_40 = arith.constant 16 : i32
    scf.for %parallel_loop3A_365 = %parallel_loop3A to %parallel_loop3A_39 step %parallel_loop3A_40  : i32 {
      %parallel_loop3A_366 = arith.index_cast %parallel_loop3A_365 : i32 to index
      %parallel_loop3A_367 = tpu.vector_load %arg7[%parallel_loop3A_366] {strides = array<i32>} : memref<8192xi32, #tpu.memory_space<vmem>>, vector<16xi32>,
      %parallel_loop3A_368 = arith.constant 4 : i32
      %parallel_loop3A_369 = vector.broadcast %parallel_loop3A_368 : i32 to vector<16xi32>
      %parallel_loop3A_370 = arith.shli %parallel_loop3A_367, %parallel_loop3A_369 : vector<16xi32>
      %parallel_loop3A_371 = arith.addi %iota3A, %parallel_loop3A_370 : vector<16xi32>
      %parallel_loop3A_372 = arith.constant 0 : i32
      %parallel_loop3A_373 = arith.index_cast %parallel_loop3A_372 : i32 to index
      %parallel_loop3A_374 = arith.index_cast %parallel_loop3A_365 : i32 to index
      %parallel_loop3A_375 = tpu.vector_load %arg5[%parallel_loop3A_373, %parallel_loop3A_374] {strides = array<i32>} : memref<3x8192xf32, #tpu.memory_space<vmem>>, vector<16xf32>,
      %parallel_loop3A_376 = arith.constant 0 : i32
      %parallel_loop3A_377 = vector.broadcast %parallel_loop3A_376 : i32 to vector<16xi32>
      %parallel_loop3A_378 = arith.addi %parallel_loop3A_371, %parallel_loop3A_377 : vector<16xi32>
      tpu.vector_store_idx %arg9[%parallel_loop3A_378], %parallel_loop3A_375 {add = true} : memref<4096xf32, #tpu.memory_space<vmem>>[vector<16xi32>], vector<16xf32>,
      %parallel_loop3A_379 = arith.constant 1 : i32
      %parallel_loop3A_380 = arith.index_cast %parallel_loop3A_379 : i32 to index
      %parallel_loop3A_381 = arith.index_cast %parallel_loop3A_365 : i32 to index
      %parallel_loop3A_382 = tpu.vector_load %arg5[%parallel_loop3A_380, %parallel_loop3A_381] {strides = array<i32>} : memref<3x8192xf32, #tpu.memory_space<vmem>>, vector<16xf32>,
      %parallel_loop3A_383 = arith.constant 1024 : i32
      %parallel_loop3A_384 = vector.broadcast %parallel_loop3A_383 : i32 to vector<16xi32>
      %parallel_loop3A_385 = arith.addi %parallel_loop3A_371, %parallel_loop3A_384 : vector<16xi32>
      tpu.vector_store_idx %arg9[%parallel_loop3A_385], %parallel_loop3A_382 {add = true} : memref<4096xf32, #tpu.memory_space<vmem>>[vector<16xi32>], vector<16xf32>,
      %parallel_loop3A_386 = arith.constant 2 : i32
      %parallel_loop3A_387 = arith.index_cast %parallel_loop3A_386 : i32 to index
      %parallel_loop3A_388 = arith.index_cast %parallel_loop3A_365 : i32 to index
      %parallel_loop3A_389 = tpu.vector_load %arg5[%parallel_loop3A_387, %parallel_loop3A_388] {strides = array<i32>} : memref<3x8192xf32, #tpu.memory_space<vmem>>, vector<16xf32>,
      %parallel_loop3A_390 = arith.constant 2048 : i32
      %parallel_loop3A_391 = vector.broadcast %parallel_loop3A_390 : i32 to vector<16xi32>
      %parallel_loop3A_392 = arith.addi %parallel_loop3A_371, %parallel_loop3A_391 : vector<16xi32>
      tpu.vector_store_idx %arg9[%parallel_loop3A_392], %parallel_loop3A_389 {add = true} : memref<4096xf32, #tpu.memory_space<vmem>>[vector<16xi32>], vector<16xf32>,
      %parallel_loop3A_393 = arith.constant 3072 : i32
      %parallel_loop3A_394 = vector.broadcast %parallel_loop3A_393 : i32 to vector<16xi32>
      %parallel_loop3A_395 = arith.addi %parallel_loop3A_371, %parallel_loop3A_394 : vector<16xi32>
      tpu.vector_store_idx %arg9[%parallel_loop3A_395], %broadcast_in_dim3A_4 {add = true} : memref<4096xf32, #tpu.memory_space<vmem>>[vector<16xi32>], vector<16xf32>,
    } {sc.loop_unroll_factor = 4 : i64, sc.parallel_access}
    %add3A_41 = arith.constant 64 : i32
    %add3A_42 = arith.addi %add3A, %add3A_41 : i32
    %mul3A_43 = arith.constant 8192 : i32
    %mul3A_44 = arith.muli %add3A_42, %mul3A_43 : i32
    %min3A_45 = arith.constant 3991808 : i32
    %min3A_46 = arith.minsi %mul3A_44, %min3A_45 : i32
    %sub3A_47 = arith.subi %mul3A_44, %min3A_46 : i32
    %dma_start3A_48 = arith.constant 0 : i32
    %dma_start3A_49 = tpu.memref_slice %arg2[%dma_start3A_48, %min3A_46] : memref<3x4000000xf32, #tpu.memory_space<hbm>> -> memref<3x8192xf32, #tpu.memory_space<hbm>>
    %dma_start3A_50 = arith.constant 0 : i32
    %dma_start3A_51 = tpu.memref_slice %arg2[%dma_start3A_50, %min3A_46] : memref<3x4000000xf32, #tpu.memory_space<hbm>> -> memref<3x8192xf32, #tpu.memory_space<hbm>>
    tpu.enqueue_dma source(%dma_start3A_51 : memref<3x8192xf32, #tpu.memory_space<hbm>>) target(%arg5 : memref<3x8192xf32, #tpu.memory_space<vmem>>) target_semaphore(%arg10 : memref<!tpu.dma_semaphore, #tpu.memory_space<semaphore_mem>>)
    %dma_start3A_52 = tpu.memref_slice %arg3[%min3A_46] : memref<4000000xi32, #tpu.memory_space<hbm>> -> memref<8192xi32, #tpu.memory_space<hbm>>
    %dma_start3A_53 = tpu.memref_slice %arg3[%min3A_46] : memref<4000000xi32, #tpu.memory_space<hbm>> -> memref<8192xi32, #tpu.memory_space<hbm>>
    tpu.enqueue_dma source(%dma_start3A_53 : memref<8192xi32, #tpu.memory_space<hbm>>) target(%arg7 : memref<8192xi32, #tpu.memory_space<vmem>>) target_semaphore(%arg12 : memref<!tpu.dma_semaphore, #tpu.memory_space<semaphore_mem>>)
    %dma_wait3A_54 = arith.constant 0 : i32
    %dma_wait3A_55 = tpu.memref_slice %arg2[%dma_wait3A_54, %min3A_26] : memref<3x4000000xf32, #tpu.memory_space<hbm>> -> memref<3x8192xf32, #tpu.memory_space<hbm>>
    %dma_wait3A_56 = arith.constant 0 : i32
    %dma_wait3A_57 = tpu.memref_slice %arg2[%dma_wait3A_56, %min3A_26] : memref<3x4000000xf32, #tpu.memory_space<hbm>> -> memref<3x8192xf32, #tpu.memory_space<hbm>>
    tpu.wait_dma2 semaphore(%arg11 : memref<!tpu.dma_semaphore, #tpu.memory_space<semaphore_mem>>) src(%dma_wait3A_57 : memref<3x8192xf32, #tpu.memory_space<hbm>>) dst(%arg6 : memref<3x8192xf32, #tpu.memory_space<vmem>>)
    %dma_wait3A_58 = tpu.memref_slice %arg3[%min3A_26] : memref<4000000xi32, #tpu.memory_space<hbm>> -> memref<8192xi32, #tpu.memory_space<hbm>>
    %dma_wait3A_59 = tpu.memref_slice %arg3[%min3A_26] : memref<4000000xi32, #tpu.memory_space<hbm>> -> memref<8192xi32, #tpu.memory_space<hbm>>
    tpu.wait_dma2 semaphore(%arg13 : memref<!tpu.dma_semaphore, #tpu.memory_space<semaphore_mem>>) src(%dma_wait3A_59 : memref<8192xi32, #tpu.memory_space<hbm>>) dst(%arg8 : memref<8192xi32, #tpu.memory_space<vmem>>)
    %parallel_loop3A_60 = arith.constant 0 : i32
    %parallel_loop3A_61 = arith.constant 8192 : i32
    %parallel_loop3A_62 = arith.constant 16 : i32
    scf.for %parallel_loop3A_365 = %parallel_loop3A_60 to %parallel_loop3A_61 step %parallel_loop3A_62  : i32 {
      %parallel_loop3A_366 = arith.index_cast %parallel_loop3A_365 : i32 to index
      %parallel_loop3A_367 = tpu.vector_load %arg8[%parallel_loop3A_366] {strides = array<i32>} : memref<8192xi32, #tpu.memory_space<vmem>>, vector<16xi32>,
      %parallel_loop3A_368 = arith.constant 4 : i32
      %parallel_loop3A_369 = vector.broadcast %parallel_loop3A_368 : i32 to vector<16xi32>
      %parallel_loop3A_370 = arith.shli %parallel_loop3A_367, %parallel_loop3A_369 : vector<16xi32>
      %parallel_loop3A_371 = arith.addi %iota3A, %parallel_loop3A_370 : vector<16xi32>
      %parallel_loop3A_372 = arith.constant 0 : i32
      %parallel_loop3A_373 = arith.index_cast %parallel_loop3A_372 : i32 to index
      %parallel_loop3A_374 = arith.index_cast %parallel_loop3A_365 : i32 to index
      %parallel_loop3A_375 = tpu.vector_load %arg6[%parallel_loop3A_373, %parallel_loop3A_374] {strides = array<i32>} : memref<3x8192xf32, #tpu.memory_space<vmem>>, vector<16xf32>,
      %parallel_loop3A_376 = arith.constant 0 : i32
      %parallel_loop3A_377 = vector.broadcast %parallel_loop3A_376 : i32 to vector<16xi32>
      %parallel_loop3A_378 = arith.addi %parallel_loop3A_371, %parallel_loop3A_377 : vector<16xi32>
      tpu.vector_store_idx %arg9[%parallel_loop3A_378], %parallel_loop3A_375 {add = true} : memref<4096xf32, #tpu.memory_space<vmem>>[vector<16xi32>], vector<16xf32>,
      %parallel_loop3A_379 = arith.constant 1 : i32
      %parallel_loop3A_380 = arith.index_cast %parallel_loop3A_379 : i32 to index
      %parallel_loop3A_381 = arith.index_cast %parallel_loop3A_365 : i32 to index
      %parallel_loop3A_382 = tpu.vector_load %arg6[%parallel_loop3A_380, %parallel_loop3A_381] {strides = array<i32>} : memref<3x8192xf32, #tpu.memory_space<vmem>>, vector<16xf32>,
      %parallel_loop3A_383 = arith.constant 1024 : i32
      %parallel_loop3A_384 = vector.broadcast %parallel_loop3A_383 : i32 to vector<16xi32>
      %parallel_loop3A_385 = arith.addi %parallel_loop3A_371, %parallel_loop3A_384 : vector<16xi32>
      tpu.vector_store_idx %arg9[%parallel_loop3A_385], %parallel_loop3A_382 {add = true} : memref<4096xf32, #tpu.memory_space<vmem>>[vector<16xi32>], vector<16xf32>,
      %parallel_loop3A_386 = arith.constant 2 : i32
      %parallel_loop3A_387 = arith.index_cast %parallel_loop3A_386 : i32 to index
      %parallel_loop3A_388 = arith.index_cast %parallel_loop3A_365 : i32 to index
      %parallel_loop3A_389 = tpu.vector_load %arg6[%parallel_loop3A_387, %parallel_loop3A_388] {strides = array<i32>} : memref<3x8192xf32, #tpu.memory_space<vmem>>, vector<16xf32>,
      %parallel_loop3A_390 = arith.constant 2048 : i32
      %parallel_loop3A_391 = vector.broadcast %parallel_loop3A_390 : i32 to vector<16xi32>
      %parallel_loop3A_392 = arith.addi %parallel_loop3A_371, %parallel_loop3A_391 : vector<16xi32>
      tpu.vector_store_idx %arg9[%parallel_loop3A_392], %parallel_loop3A_389 {add = true} : memref<4096xf32, #tpu.memory_space<vmem>>[vector<16xi32>], vector<16xf32>,
      %parallel_loop3A_393 = arith.constant 3072 : i32
      %parallel_loop3A_394 = vector.broadcast %parallel_loop3A_393 : i32 to vector<16xi32>
      %parallel_loop3A_395 = arith.addi %parallel_loop3A_371, %parallel_loop3A_394 : vector<16xi32>
      tpu.vector_store_idx %arg9[%parallel_loop3A_395], %broadcast_in_dim3A_4 {add = true} : memref<4096xf32, #tpu.memory_space<vmem>>[vector<16xi32>], vector<16xf32>,
    } {sc.loop_unroll_factor = 4 : i64, sc.parallel_access}
    %add3A_63 = arith.constant 96 : i32
    %add3A_64 = arith.addi %add3A, %add3A_63 : i32
    %mul3A_65 = arith.constant 8192 : i32
    %mul3A_66 = arith.muli %add3A_64, %mul3A_65 : i32
    %min3A_67 = arith.constant 3991808 : i32
    %min3A_68 = arith.minsi %mul3A_66, %min3A_67 : i32
    %sub3A_69 = arith.subi %mul3A_66, %min3A_68 : i32
    %dma_start3A_70 = arith.constant 0 : i32
    %dma_start3A_71 = tpu.memref_slice %arg2[%dma_start3A_70, %min3A_68] : memref<3x4000000xf32, #tpu.memory_space<hbm>> -> memref<3x8192xf32, #tpu.memory_space<hbm>>
    %dma_start3A_72 = arith.constant 0 : i32
    %dma_start3A_73 = tpu.memref_slice %arg2[%dma_start3A_72, %min3A_68] : memref<3x4000000xf32, #tpu.memory_space<hbm>> -> memref<3x8192xf32, #tpu.memory_space<hbm>>
    tpu.enqueue_dma source(%dma_start3A_73 : memref<3x8192xf32, #tpu.memory_space<hbm>>) target(%arg6 : memref<3x8192xf32, #tpu.memory_space<vmem>>) target_semaphore(%arg11 : memref<!tpu.dma_semaphore, #tpu.memory_space<semaphore_mem>>)
    %dma_start3A_74 = tpu.memref_slice %arg3[%min3A_68] : memref<4000000xi32, #tpu.memory_space<hbm>> -> memref<8192xi32, #tpu.memory_space<hbm>>
    %dma_start3A_75 = tpu.memref_slice %arg3[%min3A_68] : memref<4000000xi32, #tpu.memory_space<hbm>> -> memref<8192xi32, #tpu.memory_space<hbm>>
    tpu.enqueue_dma source(%dma_start3A_75 : memref<8192xi32, #tpu.memory_space<hbm>>) target(%arg8 : memref<8192xi32, #tpu.memory_space<vmem>>) target_semaphore(%arg13 : memref<!tpu.dma_semaphore, #tpu.memory_space<semaphore_mem>>)
    %dma_wait3A_76 = arith.constant 0 : i32
    %dma_wait3A_77 = tpu.memref_slice %arg2[%dma_wait3A_76, %min3A_46] : memref<3x4000000xf32, #tpu.memory_space<hbm>> -> memref<3x8192xf32, #tpu.memory_space<hbm>>
    %dma_wait3A_78 = arith.constant 0 : i32
    %dma_wait3A_79 = tpu.memref_slice %arg2[%dma_wait3A_78, %min3A_46] : memref<3x4000000xf32, #tpu.memory_space<hbm>> -> memref<3x8192xf32, #tpu.memory_space<hbm>>
    tpu.wait_dma2 semaphore(%arg10 : memref<!tpu.dma_semaphore, #tpu.memory_space<semaphore_mem>>) src(%dma_wait3A_79 : memref<3x8192xf32, #tpu.memory_space<hbm>>) dst(%arg5 : memref<3x8192xf32, #tpu.memory_space<vmem>>)
    %dma_wait3A_80 = tpu.memref_slice %arg3[%min3A_46] : memref<4000000xi32, #tpu.memory_space<hbm>> -> memref<8192xi32, #tpu.memory_space<hbm>>
    %dma_wait3A_81 = tpu.memref_slice %arg3[%min3A_46] : memref<4000000xi32, #tpu.memory_space<hbm>> -> memref<8192xi32, #tpu.memory_space<hbm>>
    tpu.wait_dma2 semaphore(%arg12 : memref<!tpu.dma_semaphore, #tpu.memory_space<semaphore_mem>>) src(%dma_wait3A_81 : memref<8192xi32, #tpu.memory_space<hbm>>) dst(%arg7 : memref<8192xi32, #tpu.memory_space<vmem>>)
    %parallel_loop3A_82 = arith.constant 0 : i32
    %parallel_loop3A_83 = arith.constant 8192 : i32
    %parallel_loop3A_84 = arith.constant 16 : i32
    scf.for %parallel_loop3A_365 = %parallel_loop3A_82 to %parallel_loop3A_83 step %parallel_loop3A_84  : i32 {
      %parallel_loop3A_366 = arith.index_cast %parallel_loop3A_365 : i32 to index
      %parallel_loop3A_367 = tpu.vector_load %arg7[%parallel_loop3A_366] {strides = array<i32>} : memref<8192xi32, #tpu.memory_space<vmem>>, vector<16xi32>,
      %parallel_loop3A_368 = arith.constant 4 : i32
      %parallel_loop3A_369 = vector.broadcast %parallel_loop3A_368 : i32 to vector<16xi32>
      %parallel_loop3A_370 = arith.shli %parallel_loop3A_367, %parallel_loop3A_369 : vector<16xi32>
      %parallel_loop3A_371 = arith.addi %iota3A, %parallel_loop3A_370 : vector<16xi32>
      %parallel_loop3A_372 = arith.constant 0 : i32
      %parallel_loop3A_373 = arith.index_cast %parallel_loop3A_372 : i32 to index
      %parallel_loop3A_374 = arith.index_cast %parallel_loop3A_365 : i32 to index
      %parallel_loop3A_375 = tpu.vector_load %arg5[%parallel_loop3A_373, %parallel_loop3A_374] {strides = array<i32>} : memref<3x8192xf32, #tpu.memory_space<vmem>>, vector<16xf32>,
      %parallel_loop3A_376 = arith.constant 0 : i32
      %parallel_loop3A_377 = vector.broadcast %parallel_loop3A_376 : i32 to vector<16xi32>
      %parallel_loop3A_378 = arith.addi %parallel_loop3A_371, %parallel_loop3A_377 : vector<16xi32>
      tpu.vector_store_idx %arg9[%parallel_loop3A_378], %parallel_loop3A_375 {add = true} : memref<4096xf32, #tpu.memory_space<vmem>>[vector<16xi32>], vector<16xf32>,
      %parallel_loop3A_379 = arith.constant 1 : i32
      %parallel_loop3A_380 = arith.index_cast %parallel_loop3A_379 : i32 to index
      %parallel_loop3A_381 = arith.index_cast %parallel_loop3A_365 : i32 to index
      %parallel_loop3A_382 = tpu.vector_load %arg5[%parallel_loop3A_380, %parallel_loop3A_381] {strides = array<i32>} : memref<3x8192xf32, #tpu.memory_space<vmem>>, vector<16xf32>,
      %parallel_loop3A_383 = arith.constant 1024 : i32
      %parallel_loop3A_384 = vector.broadcast %parallel_loop3A_383 : i32 to vector<16xi32>
      %parallel_loop3A_385 = arith.addi %parallel_loop3A_371, %parallel_loop3A_384 : vector<16xi32>
      tpu.vector_store_idx %arg9[%parallel_loop3A_385], %parallel_loop3A_382 {add = true} : memref<4096xf32, #tpu.memory_space<vmem>>[vector<16xi32>], vector<16xf32>,
      %parallel_loop3A_386 = arith.constant 2 : i32
      %parallel_loop3A_387 = arith.index_cast %parallel_loop3A_386 : i32 to index
      %parallel_loop3A_388 = arith.index_cast %parallel_loop3A_365 : i32 to index
      %parallel_loop3A_389 = tpu.vector_load %arg5[%parallel_loop3A_387, %parallel_loop3A_388] {strides = array<i32>} : memref<3x8192xf32, #tpu.memory_space<vmem>>, vector<16xf32>,
      %parallel_loop3A_390 = arith.constant 2048 : i32
      %parallel_loop3A_391 = vector.broadcast %parallel_loop3A_390 : i32 to vector<16xi32>
      %parallel_loop3A_392 = arith.addi %parallel_loop3A_371, %parallel_loop3A_391 : vector<16xi32>
      tpu.vector_store_idx %arg9[%parallel_loop3A_392], %parallel_loop3A_389 {add = true} : memref<4096xf32, #tpu.memory_space<vmem>>[vector<16xi32>], vector<16xf32>,
      %parallel_loop3A_393 = arith.constant 3072 : i32
      %parallel_loop3A_394 = vector.broadcast %parallel_loop3A_393 : i32 to vector<16xi32>
      %parallel_loop3A_395 = arith.addi %parallel_loop3A_371, %parallel_loop3A_394 : vector<16xi32>
      tpu.vector_store_idx %arg9[%parallel_loop3A_395], %broadcast_in_dim3A_4 {add = true} : memref<4096xf32, #tpu.memory_space<vmem>>[vector<16xi32>], vector<16xf32>,
    } {sc.loop_unroll_factor = 4 : i64, sc.parallel_access}
    %add3A_85 = arith.constant 128 : i32
    %add3A_86 = arith.addi %add3A, %add3A_85 : i32
    %mul3A_87 = arith.constant 8192 : i32
    %mul3A_88 = arith.muli %add3A_86, %mul3A_87 : i32
    %min3A_89 = arith.constant 3991808 : i32
    %min3A_90 = arith.minsi %mul3A_88, %min3A_89 : i32
    %sub3A_91 = arith.subi %mul3A_88, %min3A_90 : i32
    %dma_start3A_92 = arith.constant 0 : i32
    %dma_start3A_93 = tpu.memref_slice %arg2[%dma_start3A_92, %min3A_90] : memref<3x4000000xf32, #tpu.memory_space<hbm>> -> memref<3x8192xf32, #tpu.memory_space<hbm>>
    %dma_start3A_94 = arith.constant 0 : i32
    %dma_start3A_95 = tpu.memref_slice %arg2[%dma_start3A_94, %min3A_90] : memref<3x4000000xf32, #tpu.memory_space<hbm>> -> memref<3x8192xf32, #tpu.memory_space<hbm>>
    tpu.enqueue_dma source(%dma_start3A_95 : memref<3x8192xf32, #tpu.memory_space<hbm>>) target(%arg5 : memref<3x8192xf32, #tpu.memory_space<vmem>>) target_semaphore(%arg10 : memref<!tpu.dma_semaphore, #tpu.memory_space<semaphore_mem>>)
    %dma_start3A_96 = tpu.memref_slice %arg3[%min3A_90] : memref<4000000xi32, #tpu.memory_space<hbm>> -> memref<8192xi32, #tpu.memory_space<hbm>>
    %dma_start3A_97 = tpu.memref_slice %arg3[%min3A_90] : memref<4000000xi32, #tpu.memory_space<hbm>> -> memref<8192xi32, #tpu.memory_space<hbm>>
    tpu.enqueue_dma source(%dma_start3A_97 : memref<8192xi32, #tpu.memory_space<hbm>>) target(%arg7 : memref<8192xi32, #tpu.memory_space<vmem>>) target_semaphore(%arg12 : memref<!tpu.dma_semaphore, #tpu.memory_space<semaphore_mem>>)
    %dma_wait3A_98 = arith.constant 0 : i32
    %dma_wait3A_99 = tpu.memref_slice %arg2[%dma_wait3A_98, %min3A_68] : memref<3x4000000xf32, #tpu.memory_space<hbm>> -> memref<3x8192xf32, #tpu.memory_space<hbm>>
    %dma_wait3A_100 = arith.constant 0 : i32
    %dma_wait3A_101 = tpu.memref_slice %arg2[%dma_wait3A_100, %min3A_68] : memref<3x4000000xf32, #tpu.memory_space<hbm>> -> memref<3x8192xf32, #tpu.memory_space<hbm>>
    tpu.wait_dma2 semaphore(%arg11 : memref<!tpu.dma_semaphore, #tpu.memory_space<semaphore_mem>>) src(%dma_wait3A_101 : memref<3x8192xf32, #tpu.memory_space<hbm>>) dst(%arg6 : memref<3x8192xf32, #tpu.memory_space<vmem>>)
    %dma_wait3A_102 = tpu.memref_slice %arg3[%min3A_68] : memref<4000000xi32, #tpu.memory_space<hbm>> -> memref<8192xi32, #tpu.memory_space<hbm>>
    %dma_wait3A_103 = tpu.memref_slice %arg3[%min3A_68] : memref<4000000xi32, #tpu.memory_space<hbm>> -> memref<8192xi32, #tpu.memory_space<hbm>>
    tpu.wait_dma2 semaphore(%arg13 : memref<!tpu.dma_semaphore, #tpu.memory_space<semaphore_mem>>) src(%dma_wait3A_103 : memref<8192xi32, #tpu.memory_space<hbm>>) dst(%arg8 : memref<8192xi32, #tpu.memory_space<vmem>>)
    %parallel_loop3A_104 = arith.constant 0 : i32
    %parallel_loop3A_105 = arith.constant 8192 : i32
    %parallel_loop3A_106 = arith.constant 16 : i32
    scf.for %parallel_loop3A_365 = %parallel_loop3A_104 to %parallel_loop3A_105 step %parallel_loop3A_106  : i32 {
      %parallel_loop3A_366 = arith.index_cast %parallel_loop3A_365 : i32 to index
      %parallel_loop3A_367 = tpu.vector_load %arg8[%parallel_loop3A_366] {strides = array<i32>} : memref<8192xi32, #tpu.memory_space<vmem>>, vector<16xi32>,
      %parallel_loop3A_368 = arith.constant 4 : i32
      %parallel_loop3A_369 = vector.broadcast %parallel_loop3A_368 : i32 to vector<16xi32>
      %parallel_loop3A_370 = arith.shli %parallel_loop3A_367, %parallel_loop3A_369 : vector<16xi32>
      %parallel_loop3A_371 = arith.addi %iota3A, %parallel_loop3A_370 : vector<16xi32>
      %parallel_loop3A_372 = arith.constant 0 : i32
      %parallel_loop3A_373 = arith.index_cast %parallel_loop3A_372 : i32 to index
      %parallel_loop3A_374 = arith.index_cast %parallel_loop3A_365 : i32 to index
      %parallel_loop3A_375 = tpu.vector_load %arg6[%parallel_loop3A_373, %parallel_loop3A_374] {strides = array<i32>} : memref<3x8192xf32, #tpu.memory_space<vmem>>, vector<16xf32>,
      %parallel_loop3A_376 = arith.constant 0 : i32
      %parallel_loop3A_377 = vector.broadcast %parallel_loop3A_376 : i32 to vector<16xi32>
      %parallel_loop3A_378 = arith.addi %parallel_loop3A_371, %parallel_loop3A_377 : vector<16xi32>
      tpu.vector_store_idx %arg9[%parallel_loop3A_378], %parallel_loop3A_375 {add = true} : memref<4096xf32, #tpu.memory_space<vmem>>[vector<16xi32>], vector<16xf32>,
      %parallel_loop3A_379 = arith.constant 1 : i32
      %parallel_loop3A_380 = arith.index_cast %parallel_loop3A_379 : i32 to index
      %parallel_loop3A_381 = arith.index_cast %parallel_loop3A_365 : i32 to index
      %parallel_loop3A_382 = tpu.vector_load %arg6[%parallel_loop3A_380, %parallel_loop3A_381] {strides = array<i32>} : memref<3x8192xf32, #tpu.memory_space<vmem>>, vector<16xf32>,
      %parallel_loop3A_383 = arith.constant 1024 : i32
      %parallel_loop3A_384 = vector.broadcast %parallel_loop3A_383 : i32 to vector<16xi32>
      %parallel_loop3A_385 = arith.addi %parallel_loop3A_371, %parallel_loop3A_384 : vector<16xi32>
      tpu.vector_store_idx %arg9[%parallel_loop3A_385], %parallel_loop3A_382 {add = true} : memref<4096xf32, #tpu.memory_space<vmem>>[vector<16xi32>], vector<16xf32>,
      %parallel_loop3A_386 = arith.constant 2 : i32
      %parallel_loop3A_387 = arith.index_cast %parallel_loop3A_386 : i32 to index
      %parallel_loop3A_388 = arith.index_cast %parallel_loop3A_365 : i32 to index
      %parallel_loop3A_389 = tpu.vector_load %arg6[%parallel_loop3A_387, %parallel_loop3A_388] {strides = array<i32>} : memref<3x8192xf32, #tpu.memory_space<vmem>>, vector<16xf32>,
      %parallel_loop3A_390 = arith.constant 2048 : i32
      %parallel_loop3A_391 = vector.broadcast %parallel_loop3A_390 : i32 to vector<16xi32>
      %parallel_loop3A_392 = arith.addi %parallel_loop3A_371, %parallel_loop3A_391 : vector<16xi32>
      tpu.vector_store_idx %arg9[%parallel_loop3A_392], %parallel_loop3A_389 {add = true} : memref<4096xf32, #tpu.memory_space<vmem>>[vector<16xi32>], vector<16xf32>,
      %parallel_loop3A_393 = arith.constant 3072 : i32
      %parallel_loop3A_394 = vector.broadcast %parallel_loop3A_393 : i32 to vector<16xi32>
      %parallel_loop3A_395 = arith.addi %parallel_loop3A_371, %parallel_loop3A_394 : vector<16xi32>
      tpu.vector_store_idx %arg9[%parallel_loop3A_395], %broadcast_in_dim3A_4 {add = true} : memref<4096xf32, #tpu.memory_space<vmem>>[vector<16xi32>], vector<16xf32>,
    } {sc.loop_unroll_factor = 4 : i64, sc.parallel_access}
    %add3A_107 = arith.constant 160 : i32
    %add3A_108 = arith.addi %add3A, %add3A_107 : i32
    %mul3A_109 = arith.constant 8192 : i32
    %mul3A_110 = arith.muli %add3A_108, %mul3A_109 : i32
    %min3A_111 = arith.constant 3991808 : i32
    %min3A_112 = arith.minsi %mul3A_110, %min3A_111 : i32
    %sub3A_113 = arith.subi %mul3A_110, %min3A_112 : i32
    %dma_start3A_114 = arith.constant 0 : i32
    %dma_start3A_115 = tpu.memref_slice %arg2[%dma_start3A_114, %min3A_112] : memref<3x4000000xf32, #tpu.memory_space<hbm>> -> memref<3x8192xf32, #tpu.memory_space<hbm>>
    %dma_start3A_116 = arith.constant 0 : i32
    %dma_start3A_117 = tpu.memref_slice %arg2[%dma_start3A_116, %min3A_112] : memref<3x4000000xf32, #tpu.memory_space<hbm>> -> memref<3x8192xf32, #tpu.memory_space<hbm>>
    tpu.enqueue_dma source(%dma_start3A_117 : memref<3x8192xf32, #tpu.memory_space<hbm>>) target(%arg6 : memref<3x8192xf32, #tpu.memory_space<vmem>>) target_semaphore(%arg11 : memref<!tpu.dma_semaphore, #tpu.memory_space<semaphore_mem>>)
    %dma_start3A_118 = tpu.memref_slice %arg3[%min3A_112] : memref<4000000xi32, #tpu.memory_space<hbm>> -> memref<8192xi32, #tpu.memory_space<hbm>>
    %dma_start3A_119 = tpu.memref_slice %arg3[%min3A_112] : memref<4000000xi32, #tpu.memory_space<hbm>> -> memref<8192xi32, #tpu.memory_space<hbm>>
    tpu.enqueue_dma source(%dma_start3A_119 : memref<8192xi32, #tpu.memory_space<hbm>>) target(%arg8 : memref<8192xi32, #tpu.memory_space<vmem>>) target_semaphore(%arg13 : memref<!tpu.dma_semaphore, #tpu.memory_space<semaphore_mem>>)
    %dma_wait3A_120 = arith.constant 0 : i32
    %dma_wait3A_121 = tpu.memref_slice %arg2[%dma_wait3A_120, %min3A_90] : memref<3x4000000xf32, #tpu.memory_space<hbm>> -> memref<3x8192xf32, #tpu.memory_space<hbm>>
    %dma_wait3A_122 = arith.constant 0 : i32
    %dma_wait3A_123 = tpu.memref_slice %arg2[%dma_wait3A_122, %min3A_90] : memref<3x4000000xf32, #tpu.memory_space<hbm>> -> memref<3x8192xf32, #tpu.memory_space<hbm>>
    tpu.wait_dma2 semaphore(%arg10 : memref<!tpu.dma_semaphore, #tpu.memory_space<semaphore_mem>>) src(%dma_wait3A_123 : memref<3x8192xf32, #tpu.memory_space<hbm>>) dst(%arg5 : memref<3x8192xf32, #tpu.memory_space<vmem>>)
    %dma_wait3A_124 = tpu.memref_slice %arg3[%min3A_90] : memref<4000000xi32, #tpu.memory_space<hbm>> -> memref<8192xi32, #tpu.memory_space<hbm>>
    %dma_wait3A_125 = tpu.memref_slice %arg3[%min3A_90] : memref<4000000xi32, #tpu.memory_space<hbm>> -> memref<8192xi32, #tpu.memory_space<hbm>>
    tpu.wait_dma2 semaphore(%arg12 : memref<!tpu.dma_semaphore, #tpu.memory_space<semaphore_mem>>) src(%dma_wait3A_125 : memref<8192xi32, #tpu.memory_space<hbm>>) dst(%arg7 : memref<8192xi32, #tpu.memory_space<vmem>>)
    %parallel_loop3A_126 = arith.constant 0 : i32
    %parallel_loop3A_127 = arith.constant 8192 : i32
    %parallel_loop3A_128 = arith.constant 16 : i32
    scf.for %parallel_loop3A_365 = %parallel_loop3A_126 to %parallel_loop3A_127 step %parallel_loop3A_128  : i32 {
      %parallel_loop3A_366 = arith.index_cast %parallel_loop3A_365 : i32 to index
      %parallel_loop3A_367 = tpu.vector_load %arg7[%parallel_loop3A_366] {strides = array<i32>} : memref<8192xi32, #tpu.memory_space<vmem>>, vector<16xi32>,
      %parallel_loop3A_368 = arith.constant 4 : i32
      %parallel_loop3A_369 = vector.broadcast %parallel_loop3A_368 : i32 to vector<16xi32>
      %parallel_loop3A_370 = arith.shli %parallel_loop3A_367, %parallel_loop3A_369 : vector<16xi32>
      %parallel_loop3A_371 = arith.addi %iota3A, %parallel_loop3A_370 : vector<16xi32>
      %parallel_loop3A_372 = arith.constant 0 : i32
      %parallel_loop3A_373 = arith.index_cast %parallel_loop3A_372 : i32 to index
      %parallel_loop3A_374 = arith.index_cast %parallel_loop3A_365 : i32 to index
      %parallel_loop3A_375 = tpu.vector_load %arg5[%parallel_loop3A_373, %parallel_loop3A_374] {strides = array<i32>} : memref<3x8192xf32, #tpu.memory_space<vmem>>, vector<16xf32>,
      %parallel_loop3A_376 = arith.constant 0 : i32
      %parallel_loop3A_377 = vector.broadcast %parallel_loop3A_376 : i32 to vector<16xi32>
      %parallel_loop3A_378 = arith.addi %parallel_loop3A_371, %parallel_loop3A_377 : vector<16xi32>
      tpu.vector_store_idx %arg9[%parallel_loop3A_378], %parallel_loop3A_375 {add = true} : memref<4096xf32, #tpu.memory_space<vmem>>[vector<16xi32>], vector<16xf32>,
      %parallel_loop3A_379 = arith.constant 1 : i32
      %parallel_loop3A_380 = arith.index_cast %parallel_loop3A_379 : i32 to index
      %parallel_loop3A_381 = arith.index_cast %parallel_loop3A_365 : i32 to index
      %parallel_loop3A_382 = tpu.vector_load %arg5[%parallel_loop3A_380, %parallel_loop3A_381] {strides = array<i32>} : memref<3x8192xf32, #tpu.memory_space<vmem>>, vector<16xf32>,
      %parallel_loop3A_383 = arith.constant 1024 : i32
      %parallel_loop3A_384 = vector.broadcast %parallel_loop3A_383 : i32 to vector<16xi32>
      %parallel_loop3A_385 = arith.addi %parallel_loop3A_371, %parallel_loop3A_384 : vector<16xi32>
      tpu.vector_store_idx %arg9[%parallel_loop3A_385], %parallel_loop3A_382 {add = true} : memref<4096xf32, #tpu.memory_space<vmem>>[vector<16xi32>], vector<16xf32>,
      %parallel_loop3A_386 = arith.constant 2 : i32
      %parallel_loop3A_387 = arith.index_cast %parallel_loop3A_386 : i32 to index
      %parallel_loop3A_388 = arith.index_cast %parallel_loop3A_365 : i32 to index
      %parallel_loop3A_389 = tpu.vector_load %arg5[%parallel_loop3A_387, %parallel_loop3A_388] {strides = array<i32>} : memref<3x8192xf32, #tpu.memory_space<vmem>>, vector<16xf32>,
      %parallel_loop3A_390 = arith.constant 2048 : i32
      %parallel_loop3A_391 = vector.broadcast %parallel_loop3A_390 : i32 to vector<16xi32>
      %parallel_loop3A_392 = arith.addi %parallel_loop3A_371, %parallel_loop3A_391 : vector<16xi32>
      tpu.vector_store_idx %arg9[%parallel_loop3A_392], %parallel_loop3A_389 {add = true} : memref<4096xf32, #tpu.memory_space<vmem>>[vector<16xi32>], vector<16xf32>,
      %parallel_loop3A_393 = arith.constant 3072 : i32
      %parallel_loop3A_394 = vector.broadcast %parallel_loop3A_393 : i32 to vector<16xi32>
      %parallel_loop3A_395 = arith.addi %parallel_loop3A_371, %parallel_loop3A_394 : vector<16xi32>
      tpu.vector_store_idx %arg9[%parallel_loop3A_395], %broadcast_in_dim3A_4 {add = true} : memref<4096xf32, #tpu.memory_space<vmem>>[vector<16xi32>], vector<16xf32>,
    } {sc.loop_unroll_factor = 4 : i64, sc.parallel_access}
    %add3A_129 = arith.constant 192 : i32
    %add3A_130 = arith.addi %add3A, %add3A_129 : i32
    %mul3A_131 = arith.constant 8192 : i32
    %mul3A_132 = arith.muli %add3A_130, %mul3A_131 : i32
    %min3A_133 = arith.constant 3991808 : i32
    %min3A_134 = arith.minsi %mul3A_132, %min3A_133 : i32
    %sub3A_135 = arith.subi %mul3A_132, %min3A_134 : i32
    %dma_start3A_136 = arith.constant 0 : i32
    %dma_start3A_137 = tpu.memref_slice %arg2[%dma_start3A_136, %min3A_134] : memref<3x4000000xf32, #tpu.memory_space<hbm>> -> memref<3x8192xf32, #tpu.memory_space<hbm>>
    %dma_start3A_138 = arith.constant 0 : i32
    %dma_start3A_139 = tpu.memref_slice %arg2[%dma_start3A_138, %min3A_134] : memref<3x4000000xf32, #tpu.memory_space<hbm>> -> memref<3x8192xf32, #tpu.memory_space<hbm>>
    tpu.enqueue_dma source(%dma_start3A_139 : memref<3x8192xf32, #tpu.memory_space<hbm>>) target(%arg5 : memref<3x8192xf32, #tpu.memory_space<vmem>>) target_semaphore(%arg10 : memref<!tpu.dma_semaphore, #tpu.memory_space<semaphore_mem>>)
    %dma_start3A_140 = tpu.memref_slice %arg3[%min3A_134] : memref<4000000xi32, #tpu.memory_space<hbm>> -> memref<8192xi32, #tpu.memory_space<hbm>>
    %dma_start3A_141 = tpu.memref_slice %arg3[%min3A_134] : memref<4000000xi32, #tpu.memory_space<hbm>> -> memref<8192xi32, #tpu.memory_space<hbm>>
    tpu.enqueue_dma source(%dma_start3A_141 : memref<8192xi32, #tpu.memory_space<hbm>>) target(%arg7 : memref<8192xi32, #tpu.memory_space<vmem>>) target_semaphore(%arg12 : memref<!tpu.dma_semaphore, #tpu.memory_space<semaphore_mem>>)
    %dma_wait3A_142 = arith.constant 0 : i32
    %dma_wait3A_143 = tpu.memref_slice %arg2[%dma_wait3A_142, %min3A_112] : memref<3x4000000xf32, #tpu.memory_space<hbm>> -> memref<3x8192xf32, #tpu.memory_space<hbm>>
    %dma_wait3A_144 = arith.constant 0 : i32
    %dma_wait3A_145 = tpu.memref_slice %arg2[%dma_wait3A_144, %min3A_112] : memref<3x4000000xf32, #tpu.memory_space<hbm>> -> memref<3x8192xf32, #tpu.memory_space<hbm>>
    tpu.wait_dma2 semaphore(%arg11 : memref<!tpu.dma_semaphore, #tpu.memory_space<semaphore_mem>>) src(%dma_wait3A_145 : memref<3x8192xf32, #tpu.memory_space<hbm>>) dst(%arg6 : memref<3x8192xf32, #tpu.memory_space<vmem>>)
    %dma_wait3A_146 = tpu.memref_slice %arg3[%min3A_112] : memref<4000000xi32, #tpu.memory_space<hbm>> -> memref<8192xi32, #tpu.memory_space<hbm>>
    %dma_wait3A_147 = tpu.memref_slice %arg3[%min3A_112] : memref<4000000xi32, #tpu.memory_space<hbm>> -> memref<8192xi32, #tpu.memory_space<hbm>>
    tpu.wait_dma2 semaphore(%arg13 : memref<!tpu.dma_semaphore, #tpu.memory_space<semaphore_mem>>) src(%dma_wait3A_147 : memref<8192xi32, #tpu.memory_space<hbm>>) dst(%arg8 : memref<8192xi32, #tpu.memory_space<vmem>>)
    %parallel_loop3A_148 = arith.constant 0 : i32
    %parallel_loop3A_149 = arith.constant 8192 : i32
    %parallel_loop3A_150 = arith.constant 16 : i32
    scf.for %parallel_loop3A_365 = %parallel_loop3A_148 to %parallel_loop3A_149 step %parallel_loop3A_150  : i32 {
      %parallel_loop3A_366 = arith.index_cast %parallel_loop3A_365 : i32 to index
      %parallel_loop3A_367 = tpu.vector_load %arg8[%parallel_loop3A_366] {strides = array<i32>} : memref<8192xi32, #tpu.memory_space<vmem>>, vector<16xi32>,
      %parallel_loop3A_368 = arith.constant 4 : i32
      %parallel_loop3A_369 = vector.broadcast %parallel_loop3A_368 : i32 to vector<16xi32>
      %parallel_loop3A_370 = arith.shli %parallel_loop3A_367, %parallel_loop3A_369 : vector<16xi32>
      %parallel_loop3A_371 = arith.addi %iota3A, %parallel_loop3A_370 : vector<16xi32>
      %parallel_loop3A_372 = arith.constant 0 : i32
      %parallel_loop3A_373 = arith.index_cast %parallel_loop3A_372 : i32 to index
      %parallel_loop3A_374 = arith.index_cast %parallel_loop3A_365 : i32 to index
      %parallel_loop3A_375 = tpu.vector_load %arg6[%parallel_loop3A_373, %parallel_loop3A_374] {strides = array<i32>} : memref<3x8192xf32, #tpu.memory_space<vmem>>, vector<16xf32>,
      %parallel_loop3A_376 = arith.constant 0 : i32
      %parallel_loop3A_377 = vector.broadcast %parallel_loop3A_376 : i32 to vector<16xi32>
      %parallel_loop3A_378 = arith.addi %parallel_loop3A_371, %parallel_loop3A_377 : vector<16xi32>
      tpu.vector_store_idx %arg9[%parallel_loop3A_378], %parallel_loop3A_375 {add = true} : memref<4096xf32, #tpu.memory_space<vmem>>[vector<16xi32>], vector<16xf32>,
      %parallel_loop3A_379 = arith.constant 1 : i32
      %parallel_loop3A_380 = arith.index_cast %parallel_loop3A_379 : i32 to index
      %parallel_loop3A_381 = arith.index_cast %parallel_loop3A_365 : i32 to index
      %parallel_loop3A_382 = tpu.vector_load %arg6[%parallel_loop3A_380, %parallel_loop3A_381] {strides = array<i32>} : memref<3x8192xf32, #tpu.memory_space<vmem>>, vector<16xf32>,
      %parallel_loop3A_383 = arith.constant 1024 : i32
      %parallel_loop3A_384 = vector.broadcast %parallel_loop3A_383 : i32 to vector<16xi32>
      %parallel_loop3A_385 = arith.addi %parallel_loop3A_371, %parallel_loop3A_384 : vector<16xi32>
      tpu.vector_store_idx %arg9[%parallel_loop3A_385], %parallel_loop3A_382 {add = true} : memref<4096xf32, #tpu.memory_space<vmem>>[vector<16xi32>], vector<16xf32>,
      %parallel_loop3A_386 = arith.constant 2 : i32
      %parallel_loop3A_387 = arith.index_cast %parallel_loop3A_386 : i32 to index
      %parallel_loop3A_388 = arith.index_cast %parallel_loop3A_365 : i32 to index
      %parallel_loop3A_389 = tpu.vector_load %arg6[%parallel_loop3A_387, %parallel_loop3A_388] {strides = array<i32>} : memref<3x8192xf32, #tpu.memory_space<vmem>>, vector<16xf32>,
      %parallel_loop3A_390 = arith.constant 2048 : i32
      %parallel_loop3A_391 = vector.broadcast %parallel_loop3A_390 : i32 to vector<16xi32>
      %parallel_loop3A_392 = arith.addi %parallel_loop3A_371, %parallel_loop3A_391 : vector<16xi32>
      tpu.vector_store_idx %arg9[%parallel_loop3A_392], %parallel_loop3A_389 {add = true} : memref<4096xf32, #tpu.memory_space<vmem>>[vector<16xi32>], vector<16xf32>,
      %parallel_loop3A_393 = arith.constant 3072 : i32
      %parallel_loop3A_394 = vector.broadcast %parallel_loop3A_393 : i32 to vector<16xi32>
      %parallel_loop3A_395 = arith.addi %parallel_loop3A_371, %parallel_loop3A_394 : vector<16xi32>
      tpu.vector_store_idx %arg9[%parallel_loop3A_395], %broadcast_in_dim3A_4 {add = true} : memref<4096xf32, #tpu.memory_space<vmem>>[vector<16xi32>], vector<16xf32>,
    } {sc.loop_unroll_factor = 4 : i64, sc.parallel_access}
    %add3A_151 = arith.constant 224 : i32
    %add3A_152 = arith.addi %add3A, %add3A_151 : i32
    %mul3A_153 = arith.constant 8192 : i32
    %mul3A_154 = arith.muli %add3A_152, %mul3A_153 : i32
    %min3A_155 = arith.constant 3991808 : i32
    %min3A_156 = arith.minsi %mul3A_154, %min3A_155 : i32
    %sub3A_157 = arith.subi %mul3A_154, %min3A_156 : i32
    %dma_start3A_158 = arith.constant 0 : i32
    %dma_start3A_159 = tpu.memref_slice %arg2[%dma_start3A_158, %min3A_156] : memref<3x4000000xf32, #tpu.memory_space<hbm>> -> memref<3x8192xf32, #tpu.memory_space<hbm>>
    %dma_start3A_160 = arith.constant 0 : i32
    %dma_start3A_161 = tpu.memref_slice %arg2[%dma_start3A_160, %min3A_156] : memref<3x4000000xf32, #tpu.memory_space<hbm>> -> memref<3x8192xf32, #tpu.memory_space<hbm>>
    tpu.enqueue_dma source(%dma_start3A_161 : memref<3x8192xf32, #tpu.memory_space<hbm>>) target(%arg6 : memref<3x8192xf32, #tpu.memory_space<vmem>>) target_semaphore(%arg11 : memref<!tpu.dma_semaphore, #tpu.memory_space<semaphore_mem>>)
    %dma_start3A_162 = tpu.memref_slice %arg3[%min3A_156] : memref<4000000xi32, #tpu.memory_space<hbm>> -> memref<8192xi32, #tpu.memory_space<hbm>>
    %dma_start3A_163 = tpu.memref_slice %arg3[%min3A_156] : memref<4000000xi32, #tpu.memory_space<hbm>> -> memref<8192xi32, #tpu.memory_space<hbm>>
    tpu.enqueue_dma source(%dma_start3A_163 : memref<8192xi32, #tpu.memory_space<hbm>>) target(%arg8 : memref<8192xi32, #tpu.memory_space<vmem>>) target_semaphore(%arg13 : memref<!tpu.dma_semaphore, #tpu.memory_space<semaphore_mem>>)
    %dma_wait3A_164 = arith.constant 0 : i32
    %dma_wait3A_165 = tpu.memref_slice %arg2[%dma_wait3A_164, %min3A_134] : memref<3x4000000xf32, #tpu.memory_space<hbm>> -> memref<3x8192xf32, #tpu.memory_space<hbm>>
    %dma_wait3A_166 = arith.constant 0 : i32
    %dma_wait3A_167 = tpu.memref_slice %arg2[%dma_wait3A_166, %min3A_134] : memref<3x4000000xf32, #tpu.memory_space<hbm>> -> memref<3x8192xf32, #tpu.memory_space<hbm>>
    tpu.wait_dma2 semaphore(%arg10 : memref<!tpu.dma_semaphore, #tpu.memory_space<semaphore_mem>>) src(%dma_wait3A_167 : memref<3x8192xf32, #tpu.memory_space<hbm>>) dst(%arg5 : memref<3x8192xf32, #tpu.memory_space<vmem>>)
    %dma_wait3A_168 = tpu.memref_slice %arg3[%min3A_134] : memref<4000000xi32, #tpu.memory_space<hbm>> -> memref<8192xi32, #tpu.memory_space<hbm>>
    %dma_wait3A_169 = tpu.memref_slice %arg3[%min3A_134] : memref<4000000xi32, #tpu.memory_space<hbm>> -> memref<8192xi32, #tpu.memory_space<hbm>>
    tpu.wait_dma2 semaphore(%arg12 : memref<!tpu.dma_semaphore, #tpu.memory_space<semaphore_mem>>) src(%dma_wait3A_169 : memref<8192xi32, #tpu.memory_space<hbm>>) dst(%arg7 : memref<8192xi32, #tpu.memory_space<vmem>>)
    %parallel_loop3A_170 = arith.constant 0 : i32
    %parallel_loop3A_171 = arith.constant 8192 : i32
    %parallel_loop3A_172 = arith.constant 16 : i32
    scf.for %parallel_loop3A_365 = %parallel_loop3A_170 to %parallel_loop3A_171 step %parallel_loop3A_172  : i32 {
      %parallel_loop3A_366 = arith.index_cast %parallel_loop3A_365 : i32 to index
      %parallel_loop3A_367 = tpu.vector_load %arg7[%parallel_loop3A_366] {strides = array<i32>} : memref<8192xi32, #tpu.memory_space<vmem>>, vector<16xi32>,
      %parallel_loop3A_368 = arith.constant 4 : i32
      %parallel_loop3A_369 = vector.broadcast %parallel_loop3A_368 : i32 to vector<16xi32>
      %parallel_loop3A_370 = arith.shli %parallel_loop3A_367, %parallel_loop3A_369 : vector<16xi32>
      %parallel_loop3A_371 = arith.addi %iota3A, %parallel_loop3A_370 : vector<16xi32>
      %parallel_loop3A_372 = arith.constant 0 : i32
      %parallel_loop3A_373 = arith.index_cast %parallel_loop3A_372 : i32 to index
      %parallel_loop3A_374 = arith.index_cast %parallel_loop3A_365 : i32 to index
      %parallel_loop3A_375 = tpu.vector_load %arg5[%parallel_loop3A_373, %parallel_loop3A_374] {strides = array<i32>} : memref<3x8192xf32, #tpu.memory_space<vmem>>, vector<16xf32>,
      %parallel_loop3A_376 = arith.constant 0 : i32
      %parallel_loop3A_377 = vector.broadcast %parallel_loop3A_376 : i32 to vector<16xi32>
      %parallel_loop3A_378 = arith.addi %parallel_loop3A_371, %parallel_loop3A_377 : vector<16xi32>
      tpu.vector_store_idx %arg9[%parallel_loop3A_378], %parallel_loop3A_375 {add = true} : memref<4096xf32, #tpu.memory_space<vmem>>[vector<16xi32>], vector<16xf32>,
      %parallel_loop3A_379 = arith.constant 1 : i32
      %parallel_loop3A_380 = arith.index_cast %parallel_loop3A_379 : i32 to index
      %parallel_loop3A_381 = arith.index_cast %parallel_loop3A_365 : i32 to index
      %parallel_loop3A_382 = tpu.vector_load %arg5[%parallel_loop3A_380, %parallel_loop3A_381] {strides = array<i32>} : memref<3x8192xf32, #tpu.memory_space<vmem>>, vector<16xf32>,
      %parallel_loop3A_383 = arith.constant 1024 : i32
      %parallel_loop3A_384 = vector.broadcast %parallel_loop3A_383 : i32 to vector<16xi32>
      %parallel_loop3A_385 = arith.addi %parallel_loop3A_371, %parallel_loop3A_384 : vector<16xi32>
      tpu.vector_store_idx %arg9[%parallel_loop3A_385], %parallel_loop3A_382 {add = true} : memref<4096xf32, #tpu.memory_space<vmem>>[vector<16xi32>], vector<16xf32>,
      %parallel_loop3A_386 = arith.constant 2 : i32
      %parallel_loop3A_387 = arith.index_cast %parallel_loop3A_386 : i32 to index
      %parallel_loop3A_388 = arith.index_cast %parallel_loop3A_365 : i32 to index
      %parallel_loop3A_389 = tpu.vector_load %arg5[%parallel_loop3A_387, %parallel_loop3A_388] {strides = array<i32>} : memref<3x8192xf32, #tpu.memory_space<vmem>>, vector<16xf32>,
      %parallel_loop3A_390 = arith.constant 2048 : i32
      %parallel_loop3A_391 = vector.broadcast %parallel_loop3A_390 : i32 to vector<16xi32>
      %parallel_loop3A_392 = arith.addi %parallel_loop3A_371, %parallel_loop3A_391 : vector<16xi32>
      tpu.vector_store_idx %arg9[%parallel_loop3A_392], %parallel_loop3A_389 {add = true} : memref<4096xf32, #tpu.memory_space<vmem>>[vector<16xi32>], vector<16xf32>,
      %parallel_loop3A_393 = arith.constant 3072 : i32
      %parallel_loop3A_394 = vector.broadcast %parallel_loop3A_393 : i32 to vector<16xi32>
      %parallel_loop3A_395 = arith.addi %parallel_loop3A_371, %parallel_loop3A_394 : vector<16xi32>
      tpu.vector_store_idx %arg9[%parallel_loop3A_395], %broadcast_in_dim3A_4 {add = true} : memref<4096xf32, #tpu.memory_space<vmem>>[vector<16xi32>], vector<16xf32>,
    } {sc.loop_unroll_factor = 4 : i64, sc.parallel_access}
    %add3A_173 = arith.constant 256 : i32
    %add3A_174 = arith.addi %add3A, %add3A_173 : i32
    %mul3A_175 = arith.constant 8192 : i32
    %mul3A_176 = arith.muli %add3A_174, %mul3A_175 : i32
    %min3A_177 = arith.constant 3991808 : i32
    %min3A_178 = arith.minsi %mul3A_176, %min3A_177 : i32
    %sub3A_179 = arith.subi %mul3A_176, %min3A_178 : i32
    %dma_start3A_180 = arith.constant 0 : i32
    %dma_start3A_181 = tpu.memref_slice %arg2[%dma_start3A_180, %min3A_178] : memref<3x4000000xf32, #tpu.memory_space<hbm>> -> memref<3x8192xf32, #tpu.memory_space<hbm>>
    %dma_start3A_182 = arith.constant 0 : i32
    %dma_start3A_183 = tpu.memref_slice %arg2[%dma_start3A_182, %min3A_178] : memref<3x4000000xf32, #tpu.memory_space<hbm>> -> memref<3x8192xf32, #tpu.memory_space<hbm>>
    tpu.enqueue_dma source(%dma_start3A_183 : memref<3x8192xf32, #tpu.memory_space<hbm>>) target(%arg5 : memref<3x8192xf32, #tpu.memory_space<vmem>>) target_semaphore(%arg10 : memref<!tpu.dma_semaphore, #tpu.memory_space<semaphore_mem>>)
    %dma_start3A_184 = tpu.memref_slice %arg3[%min3A_178] : memref<4000000xi32, #tpu.memory_space<hbm>> -> memref<8192xi32, #tpu.memory_space<hbm>>
    %dma_start3A_185 = tpu.memref_slice %arg3[%min3A_178] : memref<4000000xi32, #tpu.memory_space<hbm>> -> memref<8192xi32, #tpu.memory_space<hbm>>
    tpu.enqueue_dma source(%dma_start3A_185 : memref<8192xi32, #tpu.memory_space<hbm>>) target(%arg7 : memref<8192xi32, #tpu.memory_space<vmem>>) target_semaphore(%arg12 : memref<!tpu.dma_semaphore, #tpu.memory_space<semaphore_mem>>)
    %dma_wait3A_186 = arith.constant 0 : i32
    %dma_wait3A_187 = tpu.memref_slice %arg2[%dma_wait3A_186, %min3A_156] : memref<3x4000000xf32, #tpu.memory_space<hbm>> -> memref<3x8192xf32, #tpu.memory_space<hbm>>
    %dma_wait3A_188 = arith.constant 0 : i32
    %dma_wait3A_189 = tpu.memref_slice %arg2[%dma_wait3A_188, %min3A_156] : memref<3x4000000xf32, #tpu.memory_space<hbm>> -> memref<3x8192xf32, #tpu.memory_space<hbm>>
    tpu.wait_dma2 semaphore(%arg11 : memref<!tpu.dma_semaphore, #tpu.memory_space<semaphore_mem>>) src(%dma_wait3A_189 : memref<3x8192xf32, #tpu.memory_space<hbm>>) dst(%arg6 : memref<3x8192xf32, #tpu.memory_space<vmem>>)
    %dma_wait3A_190 = tpu.memref_slice %arg3[%min3A_156] : memref<4000000xi32, #tpu.memory_space<hbm>> -> memref<8192xi32, #tpu.memory_space<hbm>>
    %dma_wait3A_191 = tpu.memref_slice %arg3[%min3A_156] : memref<4000000xi32, #tpu.memory_space<hbm>> -> memref<8192xi32, #tpu.memory_space<hbm>>
    tpu.wait_dma2 semaphore(%arg13 : memref<!tpu.dma_semaphore, #tpu.memory_space<semaphore_mem>>) src(%dma_wait3A_191 : memref<8192xi32, #tpu.memory_space<hbm>>) dst(%arg8 : memref<8192xi32, #tpu.memory_space<vmem>>)
    %parallel_loop3A_192 = arith.constant 0 : i32
    %parallel_loop3A_193 = arith.constant 8192 : i32
    %parallel_loop3A_194 = arith.constant 16 : i32
    scf.for %parallel_loop3A_365 = %parallel_loop3A_192 to %parallel_loop3A_193 step %parallel_loop3A_194  : i32 {
      %parallel_loop3A_366 = arith.index_cast %parallel_loop3A_365 : i32 to index
      %parallel_loop3A_367 = tpu.vector_load %arg8[%parallel_loop3A_366] {strides = array<i32>} : memref<8192xi32, #tpu.memory_space<vmem>>, vector<16xi32>,
      %parallel_loop3A_368 = arith.constant 4 : i32
      %parallel_loop3A_369 = vector.broadcast %parallel_loop3A_368 : i32 to vector<16xi32>
      %parallel_loop3A_370 = arith.shli %parallel_loop3A_367, %parallel_loop3A_369 : vector<16xi32>
      %parallel_loop3A_371 = arith.addi %iota3A, %parallel_loop3A_370 : vector<16xi32>
      %parallel_loop3A_372 = arith.constant 0 : i32
      %parallel_loop3A_373 = arith.index_cast %parallel_loop3A_372 : i32 to index
      %parallel_loop3A_374 = arith.index_cast %parallel_loop3A_365 : i32 to index
      %parallel_loop3A_375 = tpu.vector_load %arg6[%parallel_loop3A_373, %parallel_loop3A_374] {strides = array<i32>} : memref<3x8192xf32, #tpu.memory_space<vmem>>, vector<16xf32>,
      %parallel_loop3A_376 = arith.constant 0 : i32
      %parallel_loop3A_377 = vector.broadcast %parallel_loop3A_376 : i32 to vector<16xi32>
      %parallel_loop3A_378 = arith.addi %parallel_loop3A_371, %parallel_loop3A_377 : vector<16xi32>
      tpu.vector_store_idx %arg9[%parallel_loop3A_378], %parallel_loop3A_375 {add = true} : memref<4096xf32, #tpu.memory_space<vmem>>[vector<16xi32>], vector<16xf32>,
      %parallel_loop3A_379 = arith.constant 1 : i32
      %parallel_loop3A_380 = arith.index_cast %parallel_loop3A_379 : i32 to index
      %parallel_loop3A_381 = arith.index_cast %parallel_loop3A_365 : i32 to index
      %parallel_loop3A_382 = tpu.vector_load %arg6[%parallel_loop3A_380, %parallel_loop3A_381] {strides = array<i32>} : memref<3x8192xf32, #tpu.memory_space<vmem>>, vector<16xf32>,
      %parallel_loop3A_383 = arith.constant 1024 : i32
      %parallel_loop3A_384 = vector.broadcast %parallel_loop3A_383 : i32 to vector<16xi32>
      %parallel_loop3A_385 = arith.addi %parallel_loop3A_371, %parallel_loop3A_384 : vector<16xi32>
      tpu.vector_store_idx %arg9[%parallel_loop3A_385], %parallel_loop3A_382 {add = true} : memref<4096xf32, #tpu.memory_space<vmem>>[vector<16xi32>], vector<16xf32>,
      %parallel_loop3A_386 = arith.constant 2 : i32
      %parallel_loop3A_387 = arith.index_cast %parallel_loop3A_386 : i32 to index
      %parallel_loop3A_388 = arith.index_cast %parallel_loop3A_365 : i32 to index
      %parallel_loop3A_389 = tpu.vector_load %arg6[%parallel_loop3A_387, %parallel_loop3A_388] {strides = array<i32>} : memref<3x8192xf32, #tpu.memory_space<vmem>>, vector<16xf32>,
      %parallel_loop3A_390 = arith.constant 2048 : i32
      %parallel_loop3A_391 = vector.broadcast %parallel_loop3A_390 : i32 to vector<16xi32>
      %parallel_loop3A_392 = arith.addi %parallel_loop3A_371, %parallel_loop3A_391 : vector<16xi32>
      tpu.vector_store_idx %arg9[%parallel_loop3A_392], %parallel_loop3A_389 {add = true} : memref<4096xf32, #tpu.memory_space<vmem>>[vector<16xi32>], vector<16xf32>,
      %parallel_loop3A_393 = arith.constant 3072 : i32
      %parallel_loop3A_394 = vector.broadcast %parallel_loop3A_393 : i32 to vector<16xi32>
      %parallel_loop3A_395 = arith.addi %parallel_loop3A_371, %parallel_loop3A_394 : vector<16xi32>
      tpu.vector_store_idx %arg9[%parallel_loop3A_395], %broadcast_in_dim3A_4 {add = true} : memref<4096xf32, #tpu.memory_space<vmem>>[vector<16xi32>], vector<16xf32>,
    } {sc.loop_unroll_factor = 4 : i64, sc.parallel_access}
    %add3A_195 = arith.constant 288 : i32
    %add3A_196 = arith.addi %add3A, %add3A_195 : i32
    %mul3A_197 = arith.constant 8192 : i32
    %mul3A_198 = arith.muli %add3A_196, %mul3A_197 : i32
    %min3A_199 = arith.constant 3991808 : i32
    %min3A_200 = arith.minsi %mul3A_198, %min3A_199 : i32
    %sub3A_201 = arith.subi %mul3A_198, %min3A_200 : i32
    %dma_start3A_202 = arith.constant 0 : i32
    %dma_start3A_203 = tpu.memref_slice %arg2[%dma_start3A_202, %min3A_200] : memref<3x4000000xf32, #tpu.memory_space<hbm>> -> memref<3x8192xf32, #tpu.memory_space<hbm>>
    %dma_start3A_204 = arith.constant 0 : i32
    %dma_start3A_205 = tpu.memref_slice %arg2[%dma_start3A_204, %min3A_200] : memref<3x4000000xf32, #tpu.memory_space<hbm>> -> memref<3x8192xf32, #tpu.memory_space<hbm>>
    tpu.enqueue_dma source(%dma_start3A_205 : memref<3x8192xf32, #tpu.memory_space<hbm>>) target(%arg6 : memref<3x8192xf32, #tpu.memory_space<vmem>>) target_semaphore(%arg11 : memref<!tpu.dma_semaphore, #tpu.memory_space<semaphore_mem>>)
    %dma_start3A_206 = tpu.memref_slice %arg3[%min3A_200] : memref<4000000xi32, #tpu.memory_space<hbm>> -> memref<8192xi32, #tpu.memory_space<hbm>>
    %dma_start3A_207 = tpu.memref_slice %arg3[%min3A_200] : memref<4000000xi32, #tpu.memory_space<hbm>> -> memref<8192xi32, #tpu.memory_space<hbm>>
    tpu.enqueue_dma source(%dma_start3A_207 : memref<8192xi32, #tpu.memory_space<hbm>>) target(%arg8 : memref<8192xi32, #tpu.memory_space<vmem>>) target_semaphore(%arg13 : memref<!tpu.dma_semaphore, #tpu.memory_space<semaphore_mem>>)
    %dma_wait3A_208 = arith.constant 0 : i32
    %dma_wait3A_209 = tpu.memref_slice %arg2[%dma_wait3A_208, %min3A_178] : memref<3x4000000xf32, #tpu.memory_space<hbm>> -> memref<3x8192xf32, #tpu.memory_space<hbm>>
    %dma_wait3A_210 = arith.constant 0 : i32
    %dma_wait3A_211 = tpu.memref_slice %arg2[%dma_wait3A_210, %min3A_178] : memref<3x4000000xf32, #tpu.memory_space<hbm>> -> memref<3x8192xf32, #tpu.memory_space<hbm>>
    tpu.wait_dma2 semaphore(%arg10 : memref<!tpu.dma_semaphore, #tpu.memory_space<semaphore_mem>>) src(%dma_wait3A_211 : memref<3x8192xf32, #tpu.memory_space<hbm>>) dst(%arg5 : memref<3x8192xf32, #tpu.memory_space<vmem>>)
    %dma_wait3A_212 = tpu.memref_slice %arg3[%min3A_178] : memref<4000000xi32, #tpu.memory_space<hbm>> -> memref<8192xi32, #tpu.memory_space<hbm>>
    %dma_wait3A_213 = tpu.memref_slice %arg3[%min3A_178] : memref<4000000xi32, #tpu.memory_space<hbm>> -> memref<8192xi32, #tpu.memory_space<hbm>>
    tpu.wait_dma2 semaphore(%arg12 : memref<!tpu.dma_semaphore, #tpu.memory_space<semaphore_mem>>) src(%dma_wait3A_213 : memref<8192xi32, #tpu.memory_space<hbm>>) dst(%arg7 : memref<8192xi32, #tpu.memory_space<vmem>>)
    %parallel_loop3A_214 = arith.constant 0 : i32
    %parallel_loop3A_215 = arith.constant 8192 : i32
    %parallel_loop3A_216 = arith.constant 16 : i32
    scf.for %parallel_loop3A_365 = %parallel_loop3A_214 to %parallel_loop3A_215 step %parallel_loop3A_216  : i32 {
      %parallel_loop3A_366 = arith.index_cast %parallel_loop3A_365 : i32 to index
      %parallel_loop3A_367 = tpu.vector_load %arg7[%parallel_loop3A_366] {strides = array<i32>} : memref<8192xi32, #tpu.memory_space<vmem>>, vector<16xi32>,
      %parallel_loop3A_368 = arith.constant 4 : i32
      %parallel_loop3A_369 = vector.broadcast %parallel_loop3A_368 : i32 to vector<16xi32>
      %parallel_loop3A_370 = arith.shli %parallel_loop3A_367, %parallel_loop3A_369 : vector<16xi32>
      %parallel_loop3A_371 = arith.addi %iota3A, %parallel_loop3A_370 : vector<16xi32>
      %parallel_loop3A_372 = arith.constant 0 : i32
      %parallel_loop3A_373 = arith.index_cast %parallel_loop3A_372 : i32 to index
      %parallel_loop3A_374 = arith.index_cast %parallel_loop3A_365 : i32 to index
      %parallel_loop3A_375 = tpu.vector_load %arg5[%parallel_loop3A_373, %parallel_loop3A_374] {strides = array<i32>} : memref<3x8192xf32, #tpu.memory_space<vmem>>, vector<16xf32>,
      %parallel_loop3A_376 = arith.constant 0 : i32
      %parallel_loop3A_377 = vector.broadcast %parallel_loop3A_376 : i32 to vector<16xi32>
      %parallel_loop3A_378 = arith.addi %parallel_loop3A_371, %parallel_loop3A_377 : vector<16xi32>
      tpu.vector_store_idx %arg9[%parallel_loop3A_378], %parallel_loop3A_375 {add = true} : memref<4096xf32, #tpu.memory_space<vmem>>[vector<16xi32>], vector<16xf32>,
      %parallel_loop3A_379 = arith.constant 1 : i32
      %parallel_loop3A_380 = arith.index_cast %parallel_loop3A_379 : i32 to index
      %parallel_loop3A_381 = arith.index_cast %parallel_loop3A_365 : i32 to index
      %parallel_loop3A_382 = tpu.vector_load %arg5[%parallel_loop3A_380, %parallel_loop3A_381] {strides = array<i32>} : memref<3x8192xf32, #tpu.memory_space<vmem>>, vector<16xf32>,
      %parallel_loop3A_383 = arith.constant 1024 : i32
      %parallel_loop3A_384 = vector.broadcast %parallel_loop3A_383 : i32 to vector<16xi32>
      %parallel_loop3A_385 = arith.addi %parallel_loop3A_371, %parallel_loop3A_384 : vector<16xi32>
      tpu.vector_store_idx %arg9[%parallel_loop3A_385], %parallel_loop3A_382 {add = true} : memref<4096xf32, #tpu.memory_space<vmem>>[vector<16xi32>], vector<16xf32>,
      %parallel_loop3A_386 = arith.constant 2 : i32
      %parallel_loop3A_387 = arith.index_cast %parallel_loop3A_386 : i32 to index
      %parallel_loop3A_388 = arith.index_cast %parallel_loop3A_365 : i32 to index
      %parallel_loop3A_389 = tpu.vector_load %arg5[%parallel_loop3A_387, %parallel_loop3A_388] {strides = array<i32>} : memref<3x8192xf32, #tpu.memory_space<vmem>>, vector<16xf32>,
      %parallel_loop3A_390 = arith.constant 2048 : i32
      %parallel_loop3A_391 = vector.broadcast %parallel_loop3A_390 : i32 to vector<16xi32>
      %parallel_loop3A_392 = arith.addi %parallel_loop3A_371, %parallel_loop3A_391 : vector<16xi32>
      tpu.vector_store_idx %arg9[%parallel_loop3A_392], %parallel_loop3A_389 {add = true} : memref<4096xf32, #tpu.memory_space<vmem>>[vector<16xi32>], vector<16xf32>,
      %parallel_loop3A_393 = arith.constant 3072 : i32
      %parallel_loop3A_394 = vector.broadcast %parallel_loop3A_393 : i32 to vector<16xi32>
      %parallel_loop3A_395 = arith.addi %parallel_loop3A_371, %parallel_loop3A_394 : vector<16xi32>
      tpu.vector_store_idx %arg9[%parallel_loop3A_395], %broadcast_in_dim3A_4 {add = true} : memref<4096xf32, #tpu.memory_space<vmem>>[vector<16xi32>], vector<16xf32>,
    } {sc.loop_unroll_factor = 4 : i64, sc.parallel_access}
    %add3A_217 = arith.constant 320 : i32
    %add3A_218 = arith.addi %add3A, %add3A_217 : i32
    %mul3A_219 = arith.constant 8192 : i32
    %mul3A_220 = arith.muli %add3A_218, %mul3A_219 : i32
    %min3A_221 = arith.constant 3991808 : i32
    %min3A_222 = arith.minsi %mul3A_220, %min3A_221 : i32
    %sub3A_223 = arith.subi %mul3A_220, %min3A_222 : i32
    %dma_start3A_224 = arith.constant 0 : i32
    %dma_start3A_225 = tpu.memref_slice %arg2[%dma_start3A_224, %min3A_222] : memref<3x4000000xf32, #tpu.memory_space<hbm>> -> memref<3x8192xf32, #tpu.memory_space<hbm>>
    %dma_start3A_226 = arith.constant 0 : i32
    %dma_start3A_227 = tpu.memref_slice %arg2[%dma_start3A_226, %min3A_222] : memref<3x4000000xf32, #tpu.memory_space<hbm>> -> memref<3x8192xf32, #tpu.memory_space<hbm>>
    tpu.enqueue_dma source(%dma_start3A_227 : memref<3x8192xf32, #tpu.memory_space<hbm>>) target(%arg5 : memref<3x8192xf32, #tpu.memory_space<vmem>>) target_semaphore(%arg10 : memref<!tpu.dma_semaphore, #tpu.memory_space<semaphore_mem>>)
    %dma_start3A_228 = tpu.memref_slice %arg3[%min3A_222] : memref<4000000xi32, #tpu.memory_space<hbm>> -> memref<8192xi32, #tpu.memory_space<hbm>>
    %dma_start3A_229 = tpu.memref_slice %arg3[%min3A_222] : memref<4000000xi32, #tpu.memory_space<hbm>> -> memref<8192xi32, #tpu.memory_space<hbm>>
    tpu.enqueue_dma source(%dma_start3A_229 : memref<8192xi32, #tpu.memory_space<hbm>>) target(%arg7 : memref<8192xi32, #tpu.memory_space<vmem>>) target_semaphore(%arg12 : memref<!tpu.dma_semaphore, #tpu.memory_space<semaphore_mem>>)
    %dma_wait3A_230 = arith.constant 0 : i32
    %dma_wait3A_231 = tpu.memref_slice %arg2[%dma_wait3A_230, %min3A_200] : memref<3x4000000xf32, #tpu.memory_space<hbm>> -> memref<3x8192xf32, #tpu.memory_space<hbm>>
    %dma_wait3A_232 = arith.constant 0 : i32
    %dma_wait3A_233 = tpu.memref_slice %arg2[%dma_wait3A_232, %min3A_200] : memref<3x4000000xf32, #tpu.memory_space<hbm>> -> memref<3x8192xf32, #tpu.memory_space<hbm>>
    tpu.wait_dma2 semaphore(%arg11 : memref<!tpu.dma_semaphore, #tpu.memory_space<semaphore_mem>>) src(%dma_wait3A_233 : memref<3x8192xf32, #tpu.memory_space<hbm>>) dst(%arg6 : memref<3x8192xf32, #tpu.memory_space<vmem>>)
    %dma_wait3A_234 = tpu.memref_slice %arg3[%min3A_200] : memref<4000000xi32, #tpu.memory_space<hbm>> -> memref<8192xi32, #tpu.memory_space<hbm>>
    %dma_wait3A_235 = tpu.memref_slice %arg3[%min3A_200] : memref<4000000xi32, #tpu.memory_space<hbm>> -> memref<8192xi32, #tpu.memory_space<hbm>>
    tpu.wait_dma2 semaphore(%arg13 : memref<!tpu.dma_semaphore, #tpu.memory_space<semaphore_mem>>) src(%dma_wait3A_235 : memref<8192xi32, #tpu.memory_space<hbm>>) dst(%arg8 : memref<8192xi32, #tpu.memory_space<vmem>>)
    %parallel_loop3A_236 = arith.constant 0 : i32
    %parallel_loop3A_237 = arith.constant 8192 : i32
    %parallel_loop3A_238 = arith.constant 16 : i32
    scf.for %parallel_loop3A_365 = %parallel_loop3A_236 to %parallel_loop3A_237 step %parallel_loop3A_238  : i32 {
      %parallel_loop3A_366 = arith.index_cast %parallel_loop3A_365 : i32 to index
      %parallel_loop3A_367 = tpu.vector_load %arg8[%parallel_loop3A_366] {strides = array<i32>} : memref<8192xi32, #tpu.memory_space<vmem>>, vector<16xi32>,
      %parallel_loop3A_368 = arith.constant 4 : i32
      %parallel_loop3A_369 = vector.broadcast %parallel_loop3A_368 : i32 to vector<16xi32>
      %parallel_loop3A_370 = arith.shli %parallel_loop3A_367, %parallel_loop3A_369 : vector<16xi32>
      %parallel_loop3A_371 = arith.addi %iota3A, %parallel_loop3A_370 : vector<16xi32>
      %parallel_loop3A_372 = arith.constant 0 : i32
      %parallel_loop3A_373 = arith.index_cast %parallel_loop3A_372 : i32 to index
      %parallel_loop3A_374 = arith.index_cast %parallel_loop3A_365 : i32 to index
      %parallel_loop3A_375 = tpu.vector_load %arg6[%parallel_loop3A_373, %parallel_loop3A_374] {strides = array<i32>} : memref<3x8192xf32, #tpu.memory_space<vmem>>, vector<16xf32>,
      %parallel_loop3A_376 = arith.constant 0 : i32
      %parallel_loop3A_377 = vector.broadcast %parallel_loop3A_376 : i32 to vector<16xi32>
      %parallel_loop3A_378 = arith.addi %parallel_loop3A_371, %parallel_loop3A_377 : vector<16xi32>
      tpu.vector_store_idx %arg9[%parallel_loop3A_378], %parallel_loop3A_375 {add = true} : memref<4096xf32, #tpu.memory_space<vmem>>[vector<16xi32>], vector<16xf32>,
      %parallel_loop3A_379 = arith.constant 1 : i32
      %parallel_loop3A_380 = arith.index_cast %parallel_loop3A_379 : i32 to index
      %parallel_loop3A_381 = arith.index_cast %parallel_loop3A_365 : i32 to index
      %parallel_loop3A_382 = tpu.vector_load %arg6[%parallel_loop3A_380, %parallel_loop3A_381] {strides = array<i32>} : memref<3x8192xf32, #tpu.memory_space<vmem>>, vector<16xf32>,
      %parallel_loop3A_383 = arith.constant 1024 : i32
      %parallel_loop3A_384 = vector.broadcast %parallel_loop3A_383 : i32 to vector<16xi32>
      %parallel_loop3A_385 = arith.addi %parallel_loop3A_371, %parallel_loop3A_384 : vector<16xi32>
      tpu.vector_store_idx %arg9[%parallel_loop3A_385], %parallel_loop3A_382 {add = true} : memref<4096xf32, #tpu.memory_space<vmem>>[vector<16xi32>], vector<16xf32>,
      %parallel_loop3A_386 = arith.constant 2 : i32
      %parallel_loop3A_387 = arith.index_cast %parallel_loop3A_386 : i32 to index
      %parallel_loop3A_388 = arith.index_cast %parallel_loop3A_365 : i32 to index
      %parallel_loop3A_389 = tpu.vector_load %arg6[%parallel_loop3A_387, %parallel_loop3A_388] {strides = array<i32>} : memref<3x8192xf32, #tpu.memory_space<vmem>>, vector<16xf32>,
      %parallel_loop3A_390 = arith.constant 2048 : i32
      %parallel_loop3A_391 = vector.broadcast %parallel_loop3A_390 : i32 to vector<16xi32>
      %parallel_loop3A_392 = arith.addi %parallel_loop3A_371, %parallel_loop3A_391 : vector<16xi32>
      tpu.vector_store_idx %arg9[%parallel_loop3A_392], %parallel_loop3A_389 {add = true} : memref<4096xf32, #tpu.memory_space<vmem>>[vector<16xi32>], vector<16xf32>,
      %parallel_loop3A_393 = arith.constant 3072 : i32
      %parallel_loop3A_394 = vector.broadcast %parallel_loop3A_393 : i32 to vector<16xi32>
      %parallel_loop3A_395 = arith.addi %parallel_loop3A_371, %parallel_loop3A_394 : vector<16xi32>
      tpu.vector_store_idx %arg9[%parallel_loop3A_395], %broadcast_in_dim3A_4 {add = true} : memref<4096xf32, #tpu.memory_space<vmem>>[vector<16xi32>], vector<16xf32>,
    } {sc.loop_unroll_factor = 4 : i64, sc.parallel_access}
    %add3A_239 = arith.constant 352 : i32
    %add3A_240 = arith.addi %add3A, %add3A_239 : i32
    %mul3A_241 = arith.constant 8192 : i32
    %mul3A_242 = arith.muli %add3A_240, %mul3A_241 : i32
    %min3A_243 = arith.constant 3991808 : i32
    %min3A_244 = arith.minsi %mul3A_242, %min3A_243 : i32
    %sub3A_245 = arith.subi %mul3A_242, %min3A_244 : i32
    %dma_start3A_246 = arith.constant 0 : i32
    %dma_start3A_247 = tpu.memref_slice %arg2[%dma_start3A_246, %min3A_244] : memref<3x4000000xf32, #tpu.memory_space<hbm>> -> memref<3x8192xf32, #tpu.memory_space<hbm>>
    %dma_start3A_248 = arith.constant 0 : i32
    %dma_start3A_249 = tpu.memref_slice %arg2[%dma_start3A_248, %min3A_244] : memref<3x4000000xf32, #tpu.memory_space<hbm>> -> memref<3x8192xf32, #tpu.memory_space<hbm>>
    tpu.enqueue_dma source(%dma_start3A_249 : memref<3x8192xf32, #tpu.memory_space<hbm>>) target(%arg6 : memref<3x8192xf32, #tpu.memory_space<vmem>>) target_semaphore(%arg11 : memref<!tpu.dma_semaphore, #tpu.memory_space<semaphore_mem>>)
    %dma_start3A_250 = tpu.memref_slice %arg3[%min3A_244] : memref<4000000xi32, #tpu.memory_space<hbm>> -> memref<8192xi32, #tpu.memory_space<hbm>>
    %dma_start3A_251 = tpu.memref_slice %arg3[%min3A_244] : memref<4000000xi32, #tpu.memory_space<hbm>> -> memref<8192xi32, #tpu.memory_space<hbm>>
    tpu.enqueue_dma source(%dma_start3A_251 : memref<8192xi32, #tpu.memory_space<hbm>>) target(%arg8 : memref<8192xi32, #tpu.memory_space<vmem>>) target_semaphore(%arg13 : memref<!tpu.dma_semaphore, #tpu.memory_space<semaphore_mem>>)
    %dma_wait3A_252 = arith.constant 0 : i32
    %dma_wait3A_253 = tpu.memref_slice %arg2[%dma_wait3A_252, %min3A_222] : memref<3x4000000xf32, #tpu.memory_space<hbm>> -> memref<3x8192xf32, #tpu.memory_space<hbm>>
    %dma_wait3A_254 = arith.constant 0 : i32
    %dma_wait3A_255 = tpu.memref_slice %arg2[%dma_wait3A_254, %min3A_222] : memref<3x4000000xf32, #tpu.memory_space<hbm>> -> memref<3x8192xf32, #tpu.memory_space<hbm>>
    tpu.wait_dma2 semaphore(%arg10 : memref<!tpu.dma_semaphore, #tpu.memory_space<semaphore_mem>>) src(%dma_wait3A_255 : memref<3x8192xf32, #tpu.memory_space<hbm>>) dst(%arg5 : memref<3x8192xf32, #tpu.memory_space<vmem>>)
    %dma_wait3A_256 = tpu.memref_slice %arg3[%min3A_222] : memref<4000000xi32, #tpu.memory_space<hbm>> -> memref<8192xi32, #tpu.memory_space<hbm>>
    %dma_wait3A_257 = tpu.memref_slice %arg3[%min3A_222] : memref<4000000xi32, #tpu.memory_space<hbm>> -> memref<8192xi32, #tpu.memory_space<hbm>>
    tpu.wait_dma2 semaphore(%arg12 : memref<!tpu.dma_semaphore, #tpu.memory_space<semaphore_mem>>) src(%dma_wait3A_257 : memref<8192xi32, #tpu.memory_space<hbm>>) dst(%arg7 : memref<8192xi32, #tpu.memory_space<vmem>>)
    %parallel_loop3A_258 = arith.constant 0 : i32
    %parallel_loop3A_259 = arith.constant 8192 : i32
    %parallel_loop3A_260 = arith.constant 16 : i32
    scf.for %parallel_loop3A_365 = %parallel_loop3A_258 to %parallel_loop3A_259 step %parallel_loop3A_260  : i32 {
      %parallel_loop3A_366 = arith.index_cast %parallel_loop3A_365 : i32 to index
      %parallel_loop3A_367 = tpu.vector_load %arg7[%parallel_loop3A_366] {strides = array<i32>} : memref<8192xi32, #tpu.memory_space<vmem>>, vector<16xi32>,
      %parallel_loop3A_368 = arith.constant 4 : i32
      %parallel_loop3A_369 = vector.broadcast %parallel_loop3A_368 : i32 to vector<16xi32>
      %parallel_loop3A_370 = arith.shli %parallel_loop3A_367, %parallel_loop3A_369 : vector<16xi32>
      %parallel_loop3A_371 = arith.addi %iota3A, %parallel_loop3A_370 : vector<16xi32>
      %parallel_loop3A_372 = arith.constant 0 : i32
      %parallel_loop3A_373 = arith.index_cast %parallel_loop3A_372 : i32 to index
      %parallel_loop3A_374 = arith.index_cast %parallel_loop3A_365 : i32 to index
      %parallel_loop3A_375 = tpu.vector_load %arg5[%parallel_loop3A_373, %parallel_loop3A_374] {strides = array<i32>} : memref<3x8192xf32, #tpu.memory_space<vmem>>, vector<16xf32>,
      %parallel_loop3A_376 = arith.constant 0 : i32
      %parallel_loop3A_377 = vector.broadcast %parallel_loop3A_376 : i32 to vector<16xi32>
      %parallel_loop3A_378 = arith.addi %parallel_loop3A_371, %parallel_loop3A_377 : vector<16xi32>
      tpu.vector_store_idx %arg9[%parallel_loop3A_378], %parallel_loop3A_375 {add = true} : memref<4096xf32, #tpu.memory_space<vmem>>[vector<16xi32>], vector<16xf32>,
      %parallel_loop3A_379 = arith.constant 1 : i32
      %parallel_loop3A_380 = arith.index_cast %parallel_loop3A_379 : i32 to index
      %parallel_loop3A_381 = arith.index_cast %parallel_loop3A_365 : i32 to index
      %parallel_loop3A_382 = tpu.vector_load %arg5[%parallel_loop3A_380, %parallel_loop3A_381] {strides = array<i32>} : memref<3x8192xf32, #tpu.memory_space<vmem>>, vector<16xf32>,
      %parallel_loop3A_383 = arith.constant 1024 : i32
      %parallel_loop3A_384 = vector.broadcast %parallel_loop3A_383 : i32 to vector<16xi32>
      %parallel_loop3A_385 = arith.addi %parallel_loop3A_371, %parallel_loop3A_384 : vector<16xi32>
      tpu.vector_store_idx %arg9[%parallel_loop3A_385], %parallel_loop3A_382 {add = true} : memref<4096xf32, #tpu.memory_space<vmem>>[vector<16xi32>], vector<16xf32>,
      %parallel_loop3A_386 = arith.constant 2 : i32
      %parallel_loop3A_387 = arith.index_cast %parallel_loop3A_386 : i32 to index
      %parallel_loop3A_388 = arith.index_cast %parallel_loop3A_365 : i32 to index
      %parallel_loop3A_389 = tpu.vector_load %arg5[%parallel_loop3A_387, %parallel_loop3A_388] {strides = array<i32>} : memref<3x8192xf32, #tpu.memory_space<vmem>>, vector<16xf32>,
      %parallel_loop3A_390 = arith.constant 2048 : i32
      %parallel_loop3A_391 = vector.broadcast %parallel_loop3A_390 : i32 to vector<16xi32>
      %parallel_loop3A_392 = arith.addi %parallel_loop3A_371, %parallel_loop3A_391 : vector<16xi32>
      tpu.vector_store_idx %arg9[%parallel_loop3A_392], %parallel_loop3A_389 {add = true} : memref<4096xf32, #tpu.memory_space<vmem>>[vector<16xi32>], vector<16xf32>,
      %parallel_loop3A_393 = arith.constant 3072 : i32
      %parallel_loop3A_394 = vector.broadcast %parallel_loop3A_393 : i32 to vector<16xi32>
      %parallel_loop3A_395 = arith.addi %parallel_loop3A_371, %parallel_loop3A_394 : vector<16xi32>
      tpu.vector_store_idx %arg9[%parallel_loop3A_395], %broadcast_in_dim3A_4 {add = true} : memref<4096xf32, #tpu.memory_space<vmem>>[vector<16xi32>], vector<16xf32>,
    } {sc.loop_unroll_factor = 4 : i64, sc.parallel_access}
    %add3A_261 = arith.constant 384 : i32
    %add3A_262 = arith.addi %add3A, %add3A_261 : i32
    %mul3A_263 = arith.constant 8192 : i32
    %mul3A_264 = arith.muli %add3A_262, %mul3A_263 : i32
    %min3A_265 = arith.constant 3991808 : i32
    %min3A_266 = arith.minsi %mul3A_264, %min3A_265 : i32
    %sub3A_267 = arith.subi %mul3A_264, %min3A_266 : i32
    %dma_start3A_268 = arith.constant 0 : i32
    %dma_start3A_269 = tpu.memref_slice %arg2[%dma_start3A_268, %min3A_266] : memref<3x4000000xf32, #tpu.memory_space<hbm>> -> memref<3x8192xf32, #tpu.memory_space<hbm>>
    %dma_start3A_270 = arith.constant 0 : i32
    %dma_start3A_271 = tpu.memref_slice %arg2[%dma_start3A_270, %min3A_266] : memref<3x4000000xf32, #tpu.memory_space<hbm>> -> memref<3x8192xf32, #tpu.memory_space<hbm>>
    tpu.enqueue_dma source(%dma_start3A_271 : memref<3x8192xf32, #tpu.memory_space<hbm>>) target(%arg5 : memref<3x8192xf32, #tpu.memory_space<vmem>>) target_semaphore(%arg10 : memref<!tpu.dma_semaphore, #tpu.memory_space<semaphore_mem>>)
    %dma_start3A_272 = tpu.memref_slice %arg3[%min3A_266] : memref<4000000xi32, #tpu.memory_space<hbm>> -> memref<8192xi32, #tpu.memory_space<hbm>>
    %dma_start3A_273 = tpu.memref_slice %arg3[%min3A_266] : memref<4000000xi32, #tpu.memory_space<hbm>> -> memref<8192xi32, #tpu.memory_space<hbm>>
    tpu.enqueue_dma source(%dma_start3A_273 : memref<8192xi32, #tpu.memory_space<hbm>>) target(%arg7 : memref<8192xi32, #tpu.memory_space<vmem>>) target_semaphore(%arg12 : memref<!tpu.dma_semaphore, #tpu.memory_space<semaphore_mem>>)
    %dma_wait3A_274 = arith.constant 0 : i32
    %dma_wait3A_275 = tpu.memref_slice %arg2[%dma_wait3A_274, %min3A_244] : memref<3x4000000xf32, #tpu.memory_space<hbm>> -> memref<3x8192xf32, #tpu.memory_space<hbm>>
    %dma_wait3A_276 = arith.constant 0 : i32
    %dma_wait3A_277 = tpu.memref_slice %arg2[%dma_wait3A_276, %min3A_244] : memref<3x4000000xf32, #tpu.memory_space<hbm>> -> memref<3x8192xf32, #tpu.memory_space<hbm>>
    tpu.wait_dma2 semaphore(%arg11 : memref<!tpu.dma_semaphore, #tpu.memory_space<semaphore_mem>>) src(%dma_wait3A_277 : memref<3x8192xf32, #tpu.memory_space<hbm>>) dst(%arg6 : memref<3x8192xf32, #tpu.memory_space<vmem>>)
    %dma_wait3A_278 = tpu.memref_slice %arg3[%min3A_244] : memref<4000000xi32, #tpu.memory_space<hbm>> -> memref<8192xi32, #tpu.memory_space<hbm>>
    %dma_wait3A_279 = tpu.memref_slice %arg3[%min3A_244] : memref<4000000xi32, #tpu.memory_space<hbm>> -> memref<8192xi32, #tpu.memory_space<hbm>>
    tpu.wait_dma2 semaphore(%arg13 : memref<!tpu.dma_semaphore, #tpu.memory_space<semaphore_mem>>) src(%dma_wait3A_279 : memref<8192xi32, #tpu.memory_space<hbm>>) dst(%arg8 : memref<8192xi32, #tpu.memory_space<vmem>>)
    %parallel_loop3A_280 = arith.constant 0 : i32
    %parallel_loop3A_281 = arith.constant 8192 : i32
    %parallel_loop3A_282 = arith.constant 16 : i32
    scf.for %parallel_loop3A_365 = %parallel_loop3A_280 to %parallel_loop3A_281 step %parallel_loop3A_282  : i32 {
      %parallel_loop3A_366 = arith.index_cast %parallel_loop3A_365 : i32 to index
      %parallel_loop3A_367 = tpu.vector_load %arg8[%parallel_loop3A_366] {strides = array<i32>} : memref<8192xi32, #tpu.memory_space<vmem>>, vector<16xi32>,
      %parallel_loop3A_368 = arith.constant 4 : i32
      %parallel_loop3A_369 = vector.broadcast %parallel_loop3A_368 : i32 to vector<16xi32>
      %parallel_loop3A_370 = arith.shli %parallel_loop3A_367, %parallel_loop3A_369 : vector<16xi32>
      %parallel_loop3A_371 = arith.addi %iota3A, %parallel_loop3A_370 : vector<16xi32>
      %parallel_loop3A_372 = arith.constant 0 : i32
      %parallel_loop3A_373 = arith.index_cast %parallel_loop3A_372 : i32 to index
      %parallel_loop3A_374 = arith.index_cast %parallel_loop3A_365 : i32 to index
      %parallel_loop3A_375 = tpu.vector_load %arg6[%parallel_loop3A_373, %parallel_loop3A_374] {strides = array<i32>} : memref<3x8192xf32, #tpu.memory_space<vmem>>, vector<16xf32>,
      %parallel_loop3A_376 = arith.constant 0 : i32
      %parallel_loop3A_377 = vector.broadcast %parallel_loop3A_376 : i32 to vector<16xi32>
      %parallel_loop3A_378 = arith.addi %parallel_loop3A_371, %parallel_loop3A_377 : vector<16xi32>
      tpu.vector_store_idx %arg9[%parallel_loop3A_378], %parallel_loop3A_375 {add = true} : memref<4096xf32, #tpu.memory_space<vmem>>[vector<16xi32>], vector<16xf32>,
      %parallel_loop3A_379 = arith.constant 1 : i32
      %parallel_loop3A_380 = arith.index_cast %parallel_loop3A_379 : i32 to index
      %parallel_loop3A_381 = arith.index_cast %parallel_loop3A_365 : i32 to index
      %parallel_loop3A_382 = tpu.vector_load %arg6[%parallel_loop3A_380, %parallel_loop3A_381] {strides = array<i32>} : memref<3x8192xf32, #tpu.memory_space<vmem>>, vector<16xf32>,
      %parallel_loop3A_383 = arith.constant 1024 : i32
      %parallel_loop3A_384 = vector.broadcast %parallel_loop3A_383 : i32 to vector<16xi32>
      %parallel_loop3A_385 = arith.addi %parallel_loop3A_371, %parallel_loop3A_384 : vector<16xi32>
      tpu.vector_store_idx %arg9[%parallel_loop3A_385], %parallel_loop3A_382 {add = true} : memref<4096xf32, #tpu.memory_space<vmem>>[vector<16xi32>], vector<16xf32>,
      %parallel_loop3A_386 = arith.constant 2 : i32
      %parallel_loop3A_387 = arith.index_cast %parallel_loop3A_386 : i32 to index
      %parallel_loop3A_388 = arith.index_cast %parallel_loop3A_365 : i32 to index
      %parallel_loop3A_389 = tpu.vector_load %arg6[%parallel_loop3A_387, %parallel_loop3A_388] {strides = array<i32>} : memref<3x8192xf32, #tpu.memory_space<vmem>>, vector<16xf32>,
      %parallel_loop3A_390 = arith.constant 2048 : i32
      %parallel_loop3A_391 = vector.broadcast %parallel_loop3A_390 : i32 to vector<16xi32>
      %parallel_loop3A_392 = arith.addi %parallel_loop3A_371, %parallel_loop3A_391 : vector<16xi32>
      tpu.vector_store_idx %arg9[%parallel_loop3A_392], %parallel_loop3A_389 {add = true} : memref<4096xf32, #tpu.memory_space<vmem>>[vector<16xi32>], vector<16xf32>,
      %parallel_loop3A_393 = arith.constant 3072 : i32
      %parallel_loop3A_394 = vector.broadcast %parallel_loop3A_393 : i32 to vector<16xi32>
      %parallel_loop3A_395 = arith.addi %parallel_loop3A_371, %parallel_loop3A_394 : vector<16xi32>
      tpu.vector_store_idx %arg9[%parallel_loop3A_395], %broadcast_in_dim3A_4 {add = true} : memref<4096xf32, #tpu.memory_space<vmem>>[vector<16xi32>], vector<16xf32>,
    } {sc.loop_unroll_factor = 4 : i64, sc.parallel_access}
    %add3A_283 = arith.constant 416 : i32
    %add3A_284 = arith.addi %add3A, %add3A_283 : i32
    %mul3A_285 = arith.constant 8192 : i32
    %mul3A_286 = arith.muli %add3A_284, %mul3A_285 : i32
    %min3A_287 = arith.constant 3991808 : i32
    %min3A_288 = arith.minsi %mul3A_286, %min3A_287 : i32
    %sub3A_289 = arith.subi %mul3A_286, %min3A_288 : i32
    %dma_start3A_290 = arith.constant 0 : i32
    %dma_start3A_291 = tpu.memref_slice %arg2[%dma_start3A_290, %min3A_288] : memref<3x4000000xf32, #tpu.memory_space<hbm>> -> memref<3x8192xf32, #tpu.memory_space<hbm>>
    %dma_start3A_292 = arith.constant 0 : i32
    %dma_start3A_293 = tpu.memref_slice %arg2[%dma_start3A_292, %min3A_288] : memref<3x4000000xf32, #tpu.memory_space<hbm>> -> memref<3x8192xf32, #tpu.memory_space<hbm>>
    tpu.enqueue_dma source(%dma_start3A_293 : memref<3x8192xf32, #tpu.memory_space<hbm>>) target(%arg6 : memref<3x8192xf32, #tpu.memory_space<vmem>>) target_semaphore(%arg11 : memref<!tpu.dma_semaphore, #tpu.memory_space<semaphore_mem>>)
    %dma_start3A_294 = tpu.memref_slice %arg3[%min3A_288] : memref<4000000xi32, #tpu.memory_space<hbm>> -> memref<8192xi32, #tpu.memory_space<hbm>>
    %dma_start3A_295 = tpu.memref_slice %arg3[%min3A_288] : memref<4000000xi32, #tpu.memory_space<hbm>> -> memref<8192xi32, #tpu.memory_space<hbm>>
    tpu.enqueue_dma source(%dma_start3A_295 : memref<8192xi32, #tpu.memory_space<hbm>>) target(%arg8 : memref<8192xi32, #tpu.memory_space<vmem>>) target_semaphore(%arg13 : memref<!tpu.dma_semaphore, #tpu.memory_space<semaphore_mem>>)
    %dma_wait3A_296 = arith.constant 0 : i32
    %dma_wait3A_297 = tpu.memref_slice %arg2[%dma_wait3A_296, %min3A_266] : memref<3x4000000xf32, #tpu.memory_space<hbm>> -> memref<3x8192xf32, #tpu.memory_space<hbm>>
    %dma_wait3A_298 = arith.constant 0 : i32
    %dma_wait3A_299 = tpu.memref_slice %arg2[%dma_wait3A_298, %min3A_266] : memref<3x4000000xf32, #tpu.memory_space<hbm>> -> memref<3x8192xf32, #tpu.memory_space<hbm>>
    tpu.wait_dma2 semaphore(%arg10 : memref<!tpu.dma_semaphore, #tpu.memory_space<semaphore_mem>>) src(%dma_wait3A_299 : memref<3x8192xf32, #tpu.memory_space<hbm>>) dst(%arg5 : memref<3x8192xf32, #tpu.memory_space<vmem>>)
    %dma_wait3A_300 = tpu.memref_slice %arg3[%min3A_266] : memref<4000000xi32, #tpu.memory_space<hbm>> -> memref<8192xi32, #tpu.memory_space<hbm>>
    %dma_wait3A_301 = tpu.memref_slice %arg3[%min3A_266] : memref<4000000xi32, #tpu.memory_space<hbm>> -> memref<8192xi32, #tpu.memory_space<hbm>>
    tpu.wait_dma2 semaphore(%arg12 : memref<!tpu.dma_semaphore, #tpu.memory_space<semaphore_mem>>) src(%dma_wait3A_301 : memref<8192xi32, #tpu.memory_space<hbm>>) dst(%arg7 : memref<8192xi32, #tpu.memory_space<vmem>>)
    %parallel_loop3A_302 = arith.constant 0 : i32
    %parallel_loop3A_303 = arith.constant 8192 : i32
    %parallel_loop3A_304 = arith.constant 16 : i32
    scf.for %parallel_loop3A_365 = %parallel_loop3A_302 to %parallel_loop3A_303 step %parallel_loop3A_304  : i32 {
      %parallel_loop3A_366 = arith.index_cast %parallel_loop3A_365 : i32 to index
      %parallel_loop3A_367 = tpu.vector_load %arg7[%parallel_loop3A_366] {strides = array<i32>} : memref<8192xi32, #tpu.memory_space<vmem>>, vector<16xi32>,
      %parallel_loop3A_368 = arith.constant 4 : i32
      %parallel_loop3A_369 = vector.broadcast %parallel_loop3A_368 : i32 to vector<16xi32>
      %parallel_loop3A_370 = arith.shli %parallel_loop3A_367, %parallel_loop3A_369 : vector<16xi32>
      %parallel_loop3A_371 = arith.addi %iota3A, %parallel_loop3A_370 : vector<16xi32>
      %parallel_loop3A_372 = arith.constant 0 : i32
      %parallel_loop3A_373 = arith.index_cast %parallel_loop3A_372 : i32 to index
      %parallel_loop3A_374 = arith.index_cast %parallel_loop3A_365 : i32 to index
      %parallel_loop3A_375 = tpu.vector_load %arg5[%parallel_loop3A_373, %parallel_loop3A_374] {strides = array<i32>} : memref<3x8192xf32, #tpu.memory_space<vmem>>, vector<16xf32>,
      %parallel_loop3A_376 = arith.constant 0 : i32
      %parallel_loop3A_377 = vector.broadcast %parallel_loop3A_376 : i32 to vector<16xi32>
      %parallel_loop3A_378 = arith.addi %parallel_loop3A_371, %parallel_loop3A_377 : vector<16xi32>
      tpu.vector_store_idx %arg9[%parallel_loop3A_378], %parallel_loop3A_375 {add = true} : memref<4096xf32, #tpu.memory_space<vmem>>[vector<16xi32>], vector<16xf32>,
      %parallel_loop3A_379 = arith.constant 1 : i32
      %parallel_loop3A_380 = arith.index_cast %parallel_loop3A_379 : i32 to index
      %parallel_loop3A_381 = arith.index_cast %parallel_loop3A_365 : i32 to index
      %parallel_loop3A_382 = tpu.vector_load %arg5[%parallel_loop3A_380, %parallel_loop3A_381] {strides = array<i32>} : memref<3x8192xf32, #tpu.memory_space<vmem>>, vector<16xf32>,
      %parallel_loop3A_383 = arith.constant 1024 : i32
      %parallel_loop3A_384 = vector.broadcast %parallel_loop3A_383 : i32 to vector<16xi32>
      %parallel_loop3A_385 = arith.addi %parallel_loop3A_371, %parallel_loop3A_384 : vector<16xi32>
      tpu.vector_store_idx %arg9[%parallel_loop3A_385], %parallel_loop3A_382 {add = true} : memref<4096xf32, #tpu.memory_space<vmem>>[vector<16xi32>], vector<16xf32>,
      %parallel_loop3A_386 = arith.constant 2 : i32
      %parallel_loop3A_387 = arith.index_cast %parallel_loop3A_386 : i32 to index
      %parallel_loop3A_388 = arith.index_cast %parallel_loop3A_365 : i32 to index
      %parallel_loop3A_389 = tpu.vector_load %arg5[%parallel_loop3A_387, %parallel_loop3A_388] {strides = array<i32>} : memref<3x8192xf32, #tpu.memory_space<vmem>>, vector<16xf32>,
      %parallel_loop3A_390 = arith.constant 2048 : i32
      %parallel_loop3A_391 = vector.broadcast %parallel_loop3A_390 : i32 to vector<16xi32>
      %parallel_loop3A_392 = arith.addi %parallel_loop3A_371, %parallel_loop3A_391 : vector<16xi32>
      tpu.vector_store_idx %arg9[%parallel_loop3A_392], %parallel_loop3A_389 {add = true} : memref<4096xf32, #tpu.memory_space<vmem>>[vector<16xi32>], vector<16xf32>,
      %parallel_loop3A_393 = arith.constant 3072 : i32
      %parallel_loop3A_394 = vector.broadcast %parallel_loop3A_393 : i32 to vector<16xi32>
      %parallel_loop3A_395 = arith.addi %parallel_loop3A_371, %parallel_loop3A_394 : vector<16xi32>
      tpu.vector_store_idx %arg9[%parallel_loop3A_395], %broadcast_in_dim3A_4 {add = true} : memref<4096xf32, #tpu.memory_space<vmem>>[vector<16xi32>], vector<16xf32>,
    } {sc.loop_unroll_factor = 4 : i64, sc.parallel_access}
    %add3A_305 = arith.constant 448 : i32
    %add3A_306 = arith.addi %add3A, %add3A_305 : i32
    %mul3A_307 = arith.constant 8192 : i32
    %mul3A_308 = arith.muli %add3A_306, %mul3A_307 : i32
    %min3A_309 = arith.constant 3991808 : i32
    %min3A_310 = arith.minsi %mul3A_308, %min3A_309 : i32
    %sub3A_311 = arith.subi %mul3A_308, %min3A_310 : i32
    %dma_start3A_312 = arith.constant 0 : i32
    %dma_start3A_313 = tpu.memref_slice %arg2[%dma_start3A_312, %min3A_310] : memref<3x4000000xf32, #tpu.memory_space<hbm>> -> memref<3x8192xf32, #tpu.memory_space<hbm>>
    %dma_start3A_314 = arith.constant 0 : i32
    %dma_start3A_315 = tpu.memref_slice %arg2[%dma_start3A_314, %min3A_310] : memref<3x4000000xf32, #tpu.memory_space<hbm>> -> memref<3x8192xf32, #tpu.memory_space<hbm>>
    tpu.enqueue_dma source(%dma_start3A_315 : memref<3x8192xf32, #tpu.memory_space<hbm>>) target(%arg5 : memref<3x8192xf32, #tpu.memory_space<vmem>>) target_semaphore(%arg10 : memref<!tpu.dma_semaphore, #tpu.memory_space<semaphore_mem>>)
    %dma_start3A_316 = tpu.memref_slice %arg3[%min3A_310] : memref<4000000xi32, #tpu.memory_space<hbm>> -> memref<8192xi32, #tpu.memory_space<hbm>>
    %dma_start3A_317 = tpu.memref_slice %arg3[%min3A_310] : memref<4000000xi32, #tpu.memory_space<hbm>> -> memref<8192xi32, #tpu.memory_space<hbm>>
    tpu.enqueue_dma source(%dma_start3A_317 : memref<8192xi32, #tpu.memory_space<hbm>>) target(%arg7 : memref<8192xi32, #tpu.memory_space<vmem>>) target_semaphore(%arg12 : memref<!tpu.dma_semaphore, #tpu.memory_space<semaphore_mem>>)
    %dma_wait3A_318 = arith.constant 0 : i32
    %dma_wait3A_319 = tpu.memref_slice %arg2[%dma_wait3A_318, %min3A_288] : memref<3x4000000xf32, #tpu.memory_space<hbm>> -> memref<3x8192xf32, #tpu.memory_space<hbm>>
    %dma_wait3A_320 = arith.constant 0 : i32
    %dma_wait3A_321 = tpu.memref_slice %arg2[%dma_wait3A_320, %min3A_288] : memref<3x4000000xf32, #tpu.memory_space<hbm>> -> memref<3x8192xf32, #tpu.memory_space<hbm>>
    tpu.wait_dma2 semaphore(%arg11 : memref<!tpu.dma_semaphore, #tpu.memory_space<semaphore_mem>>) src(%dma_wait3A_321 : memref<3x8192xf32, #tpu.memory_space<hbm>>) dst(%arg6 : memref<3x8192xf32, #tpu.memory_space<vmem>>)
    %dma_wait3A_322 = tpu.memref_slice %arg3[%min3A_288] : memref<4000000xi32, #tpu.memory_space<hbm>> -> memref<8192xi32, #tpu.memory_space<hbm>>
    %dma_wait3A_323 = tpu.memref_slice %arg3[%min3A_288] : memref<4000000xi32, #tpu.memory_space<hbm>> -> memref<8192xi32, #tpu.memory_space<hbm>>
    tpu.wait_dma2 semaphore(%arg13 : memref<!tpu.dma_semaphore, #tpu.memory_space<semaphore_mem>>) src(%dma_wait3A_323 : memref<8192xi32, #tpu.memory_space<hbm>>) dst(%arg8 : memref<8192xi32, #tpu.memory_space<vmem>>)
    %parallel_loop3A_324 = arith.constant 0 : i32
    %parallel_loop3A_325 = arith.constant 8192 : i32
    %parallel_loop3A_326 = arith.constant 16 : i32
    scf.for %parallel_loop3A_365 = %parallel_loop3A_324 to %parallel_loop3A_325 step %parallel_loop3A_326  : i32 {
      %parallel_loop3A_366 = arith.index_cast %parallel_loop3A_365 : i32 to index
      %parallel_loop3A_367 = tpu.vector_load %arg8[%parallel_loop3A_366] {strides = array<i32>} : memref<8192xi32, #tpu.memory_space<vmem>>, vector<16xi32>,
      %parallel_loop3A_368 = arith.constant 4 : i32
      %parallel_loop3A_369 = vector.broadcast %parallel_loop3A_368 : i32 to vector<16xi32>
      %parallel_loop3A_370 = arith.shli %parallel_loop3A_367, %parallel_loop3A_369 : vector<16xi32>
      %parallel_loop3A_371 = arith.addi %iota3A, %parallel_loop3A_370 : vector<16xi32>
      %parallel_loop3A_372 = arith.constant 0 : i32
      %parallel_loop3A_373 = arith.index_cast %parallel_loop3A_372 : i32 to index
      %parallel_loop3A_374 = arith.index_cast %parallel_loop3A_365 : i32 to index
      %parallel_loop3A_375 = tpu.vector_load %arg6[%parallel_loop3A_373, %parallel_loop3A_374] {strides = array<i32>} : memref<3x8192xf32, #tpu.memory_space<vmem>>, vector<16xf32>,
      %parallel_loop3A_376 = arith.constant 0 : i32
      %parallel_loop3A_377 = vector.broadcast %parallel_loop3A_376 : i32 to vector<16xi32>
      %parallel_loop3A_378 = arith.addi %parallel_loop3A_371, %parallel_loop3A_377 : vector<16xi32>
      tpu.vector_store_idx %arg9[%parallel_loop3A_378], %parallel_loop3A_375 {add = true} : memref<4096xf32, #tpu.memory_space<vmem>>[vector<16xi32>], vector<16xf32>,
      %parallel_loop3A_379 = arith.constant 1 : i32
      %parallel_loop3A_380 = arith.index_cast %parallel_loop3A_379 : i32 to index
      %parallel_loop3A_381 = arith.index_cast %parallel_loop3A_365 : i32 to index
      %parallel_loop3A_382 = tpu.vector_load %arg6[%parallel_loop3A_380, %parallel_loop3A_381] {strides = array<i32>} : memref<3x8192xf32, #tpu.memory_space<vmem>>, vector<16xf32>,
      %parallel_loop3A_383 = arith.constant 1024 : i32
      %parallel_loop3A_384 = vector.broadcast %parallel_loop3A_383 : i32 to vector<16xi32>
      %parallel_loop3A_385 = arith.addi %parallel_loop3A_371, %parallel_loop3A_384 : vector<16xi32>
      tpu.vector_store_idx %arg9[%parallel_loop3A_385], %parallel_loop3A_382 {add = true} : memref<4096xf32, #tpu.memory_space<vmem>>[vector<16xi32>], vector<16xf32>,
      %parallel_loop3A_386 = arith.constant 2 : i32
      %parallel_loop3A_387 = arith.index_cast %parallel_loop3A_386 : i32 to index
      %parallel_loop3A_388 = arith.index_cast %parallel_loop3A_365 : i32 to index
      %parallel_loop3A_389 = tpu.vector_load %arg6[%parallel_loop3A_387, %parallel_loop3A_388] {strides = array<i32>} : memref<3x8192xf32, #tpu.memory_space<vmem>>, vector<16xf32>,
      %parallel_loop3A_390 = arith.constant 2048 : i32
      %parallel_loop3A_391 = vector.broadcast %parallel_loop3A_390 : i32 to vector<16xi32>
      %parallel_loop3A_392 = arith.addi %parallel_loop3A_371, %parallel_loop3A_391 : vector<16xi32>
      tpu.vector_store_idx %arg9[%parallel_loop3A_392], %parallel_loop3A_389 {add = true} : memref<4096xf32, #tpu.memory_space<vmem>>[vector<16xi32>], vector<16xf32>,
      %parallel_loop3A_393 = arith.constant 3072 : i32
      %parallel_loop3A_394 = vector.broadcast %parallel_loop3A_393 : i32 to vector<16xi32>
      %parallel_loop3A_395 = arith.addi %parallel_loop3A_371, %parallel_loop3A_394 : vector<16xi32>
      tpu.vector_store_idx %arg9[%parallel_loop3A_395], %broadcast_in_dim3A_4 {add = true} : memref<4096xf32, #tpu.memory_space<vmem>>[vector<16xi32>], vector<16xf32>,
    } {sc.loop_unroll_factor = 4 : i64, sc.parallel_access}
    %add3A_327 = arith.constant 480 : i32
    %add3A_328 = arith.addi %add3A, %add3A_327 : i32
    %mul3A_329 = arith.constant 8192 : i32
    %mul3A_330 = arith.muli %add3A_328, %mul3A_329 : i32
    %min3A_331 = arith.constant 3991808 : i32
    %min3A_332 = arith.minsi %mul3A_330, %min3A_331 : i32
    %sub3A_333 = arith.subi %mul3A_330, %min3A_332 : i32
    %dma_start3A_334 = arith.constant 0 : i32
    %dma_start3A_335 = tpu.memref_slice %arg2[%dma_start3A_334, %min3A_332] : memref<3x4000000xf32, #tpu.memory_space<hbm>> -> memref<3x8192xf32, #tpu.memory_space<hbm>>
    %dma_start3A_336 = arith.constant 0 : i32
    %dma_start3A_337 = tpu.memref_slice %arg2[%dma_start3A_336, %min3A_332] : memref<3x4000000xf32, #tpu.memory_space<hbm>> -> memref<3x8192xf32, #tpu.memory_space<hbm>>
    tpu.enqueue_dma source(%dma_start3A_337 : memref<3x8192xf32, #tpu.memory_space<hbm>>) target(%arg6 : memref<3x8192xf32, #tpu.memory_space<vmem>>) target_semaphore(%arg11 : memref<!tpu.dma_semaphore, #tpu.memory_space<semaphore_mem>>)
    %dma_start3A_338 = tpu.memref_slice %arg3[%min3A_332] : memref<4000000xi32, #tpu.memory_space<hbm>> -> memref<8192xi32, #tpu.memory_space<hbm>>
    %dma_start3A_339 = tpu.memref_slice %arg3[%min3A_332] : memref<4000000xi32, #tpu.memory_space<hbm>> -> memref<8192xi32, #tpu.memory_space<hbm>>
    tpu.enqueue_dma source(%dma_start3A_339 : memref<8192xi32, #tpu.memory_space<hbm>>) target(%arg8 : memref<8192xi32, #tpu.memory_space<vmem>>) target_semaphore(%arg13 : memref<!tpu.dma_semaphore, #tpu.memory_space<semaphore_mem>>)
    %dma_wait3A_340 = arith.constant 0 : i32
    %dma_wait3A_341 = tpu.memref_slice %arg2[%dma_wait3A_340, %min3A_310] : memref<3x4000000xf32, #tpu.memory_space<hbm>> -> memref<3x8192xf32, #tpu.memory_space<hbm>>
    %dma_wait3A_342 = arith.constant 0 : i32
    %dma_wait3A_343 = tpu.memref_slice %arg2[%dma_wait3A_342, %min3A_310] : memref<3x4000000xf32, #tpu.memory_space<hbm>> -> memref<3x8192xf32, #tpu.memory_space<hbm>>
    tpu.wait_dma2 semaphore(%arg10 : memref<!tpu.dma_semaphore, #tpu.memory_space<semaphore_mem>>) src(%dma_wait3A_343 : memref<3x8192xf32, #tpu.memory_space<hbm>>) dst(%arg5 : memref<3x8192xf32, #tpu.memory_space<vmem>>)
    %dma_wait3A_344 = tpu.memref_slice %arg3[%min3A_310] : memref<4000000xi32, #tpu.memory_space<hbm>> -> memref<8192xi32, #tpu.memory_space<hbm>>
    %dma_wait3A_345 = tpu.memref_slice %arg3[%min3A_310] : memref<4000000xi32, #tpu.memory_space<hbm>> -> memref<8192xi32, #tpu.memory_space<hbm>>
    tpu.wait_dma2 semaphore(%arg12 : memref<!tpu.dma_semaphore, #tpu.memory_space<semaphore_mem>>) src(%dma_wait3A_345 : memref<8192xi32, #tpu.memory_space<hbm>>) dst(%arg7 : memref<8192xi32, #tpu.memory_space<vmem>>)
    %parallel_loop3A_346 = arith.constant 0 : i32
    %parallel_loop3A_347 = arith.constant 8192 : i32
    %parallel_loop3A_348 = arith.constant 16 : i32
    scf.for %parallel_loop3A_365 = %parallel_loop3A_346 to %parallel_loop3A_347 step %parallel_loop3A_348  : i32 {
      %parallel_loop3A_366 = arith.index_cast %parallel_loop3A_365 : i32 to index
      %parallel_loop3A_367 = tpu.vector_load %arg7[%parallel_loop3A_366] {strides = array<i32>} : memref<8192xi32, #tpu.memory_space<vmem>>, vector<16xi32>,
      %parallel_loop3A_368 = arith.constant 4 : i32
      %parallel_loop3A_369 = vector.broadcast %parallel_loop3A_368 : i32 to vector<16xi32>
      %parallel_loop3A_370 = arith.shli %parallel_loop3A_367, %parallel_loop3A_369 : vector<16xi32>
      %parallel_loop3A_371 = arith.addi %iota3A, %parallel_loop3A_370 : vector<16xi32>
      %parallel_loop3A_372 = arith.constant 0 : i32
      %parallel_loop3A_373 = arith.index_cast %parallel_loop3A_372 : i32 to index
      %parallel_loop3A_374 = arith.index_cast %parallel_loop3A_365 : i32 to index
      %parallel_loop3A_375 = tpu.vector_load %arg5[%parallel_loop3A_373, %parallel_loop3A_374] {strides = array<i32>} : memref<3x8192xf32, #tpu.memory_space<vmem>>, vector<16xf32>,
      %parallel_loop3A_376 = arith.constant 0 : i32
      %parallel_loop3A_377 = vector.broadcast %parallel_loop3A_376 : i32 to vector<16xi32>
      %parallel_loop3A_378 = arith.addi %parallel_loop3A_371, %parallel_loop3A_377 : vector<16xi32>
      tpu.vector_store_idx %arg9[%parallel_loop3A_378], %parallel_loop3A_375 {add = true} : memref<4096xf32, #tpu.memory_space<vmem>>[vector<16xi32>], vector<16xf32>,
      %parallel_loop3A_379 = arith.constant 1 : i32
      %parallel_loop3A_380 = arith.index_cast %parallel_loop3A_379 : i32 to index
      %parallel_loop3A_381 = arith.index_cast %parallel_loop3A_365 : i32 to index
      %parallel_loop3A_382 = tpu.vector_load %arg5[%parallel_loop3A_380, %parallel_loop3A_381] {strides = array<i32>} : memref<3x8192xf32, #tpu.memory_space<vmem>>, vector<16xf32>,
      %parallel_loop3A_383 = arith.constant 1024 : i32
      %parallel_loop3A_384 = vector.broadcast %parallel_loop3A_383 : i32 to vector<16xi32>
      %parallel_loop3A_385 = arith.addi %parallel_loop3A_371, %parallel_loop3A_384 : vector<16xi32>
      tpu.vector_store_idx %arg9[%parallel_loop3A_385], %parallel_loop3A_382 {add = true} : memref<4096xf32, #tpu.memory_space<vmem>>[vector<16xi32>], vector<16xf32>,
      %parallel_loop3A_386 = arith.constant 2 : i32
      %parallel_loop3A_387 = arith.index_cast %parallel_loop3A_386 : i32 to index
      %parallel_loop3A_388 = arith.index_cast %parallel_loop3A_365 : i32 to index
      %parallel_loop3A_389 = tpu.vector_load %arg5[%parallel_loop3A_387, %parallel_loop3A_388] {strides = array<i32>} : memref<3x8192xf32, #tpu.memory_space<vmem>>, vector<16xf32>,
      %parallel_loop3A_390 = arith.constant 2048 : i32
      %parallel_loop3A_391 = vector.broadcast %parallel_loop3A_390 : i32 to vector<16xi32>
      %parallel_loop3A_392 = arith.addi %parallel_loop3A_371, %parallel_loop3A_391 : vector<16xi32>
      tpu.vector_store_idx %arg9[%parallel_loop3A_392], %parallel_loop3A_389 {add = true} : memref<4096xf32, #tpu.memory_space<vmem>>[vector<16xi32>], vector<16xf32>,
      %parallel_loop3A_393 = arith.constant 3072 : i32
      %parallel_loop3A_394 = vector.broadcast %parallel_loop3A_393 : i32 to vector<16xi32>
      %parallel_loop3A_395 = arith.addi %parallel_loop3A_371, %parallel_loop3A_394 : vector<16xi32>
      tpu.vector_store_idx %arg9[%parallel_loop3A_395], %broadcast_in_dim3A_4 {add = true} : memref<4096xf32, #tpu.memory_space<vmem>>[vector<16xi32>], vector<16xf32>,
    } {sc.loop_unroll_factor = 4 : i64, sc.parallel_access}
    %dma_wait3A_349 = arith.constant 0 : i32
    %dma_wait3A_350 = tpu.memref_slice %arg2[%dma_wait3A_349, %min3A_332] : memref<3x4000000xf32, #tpu.memory_space<hbm>> -> memref<3x8192xf32, #tpu.memory_space<hbm>>
    %dma_wait3A_351 = arith.constant 0 : i32
    %dma_wait3A_352 = tpu.memref_slice %arg2[%dma_wait3A_351, %min3A_332] : memref<3x4000000xf32, #tpu.memory_space<hbm>> -> memref<3x8192xf32, #tpu.memory_space<hbm>>
    tpu.wait_dma2 semaphore(%arg11 : memref<!tpu.dma_semaphore, #tpu.memory_space<semaphore_mem>>) src(%dma_wait3A_352 : memref<3x8192xf32, #tpu.memory_space<hbm>>) dst(%arg6 : memref<3x8192xf32, #tpu.memory_space<vmem>>)
    %dma_wait3A_353 = tpu.memref_slice %arg3[%min3A_332] : memref<4000000xi32, #tpu.memory_space<hbm>> -> memref<8192xi32, #tpu.memory_space<hbm>>
    %dma_wait3A_354 = tpu.memref_slice %arg3[%min3A_332] : memref<4000000xi32, #tpu.memory_space<hbm>> -> memref<8192xi32, #tpu.memory_space<hbm>>
    tpu.wait_dma2 semaphore(%arg13 : memref<!tpu.dma_semaphore, #tpu.memory_space<semaphore_mem>>) src(%dma_wait3A_354 : memref<8192xi32, #tpu.memory_space<hbm>>) dst(%arg8 : memref<8192xi32, #tpu.memory_space<vmem>>)
    %add3A_355 = arith.constant 480 : i32
    %add3A_356 = arith.addi %add3A, %add3A_355 : i32
    %mul3A_357 = arith.constant 8192 : i32
    %mul3A_358 = arith.muli %add3A_356, %mul3A_357 : i32
    %min3A_359 = arith.constant 3991808 : i32
    %min3A_360 = arith.minsi %mul3A_358, %min3A_359 : i32
    %sub3A_361 = arith.subi %mul3A_358, %min3A_360 : i32
    %parallel_loop3A_362 = arith.constant 0 : i32
    %parallel_loop3A_363 = arith.constant 8192 : i32
    %parallel_loop3A_364 = arith.constant 16 : i32
    scf.for %parallel_loop3A_365 = %parallel_loop3A_362 to %parallel_loop3A_363 step %parallel_loop3A_364  : i32 {
      %parallel_loop3A_366 = vector.broadcast %parallel_loop3A_365 : i32 to vector<16xi32>
      %parallel_loop3A_367 = arith.addi %parallel_loop3A_366, %iota3A : vector<16xi32>
      %parallel_loop3A_368 = vector.broadcast %sub3A_361 : i32 to vector<16xi32>
      %parallel_loop3A_369 = arith.cmpi sge, %parallel_loop3A_367, %parallel_loop3A_368 : vector<16xi32>
      %parallel_loop3A_370 = arith.index_cast %parallel_loop3A_365 : i32 to index
      %parallel_loop3A_371 = tpu.vector_load %arg8[%parallel_loop3A_370] {strides = array<i32>} : memref<8192xi32, #tpu.memory_space<vmem>>, vector<16xi32>,
      %parallel_loop3A_372 = arith.constant 4 : i32
      %parallel_loop3A_373 = vector.broadcast %parallel_loop3A_372 : i32 to vector<16xi32>
      %parallel_loop3A_374 = arith.shli %parallel_loop3A_371, %parallel_loop3A_373 : vector<16xi32>
      %parallel_loop3A_375 = arith.addi %iota3A, %parallel_loop3A_374 : vector<16xi32>
      %parallel_loop3A_376 = arith.constant 0 : i32
      %parallel_loop3A_377 = arith.index_cast %parallel_loop3A_376 : i32 to index
      %parallel_loop3A_378 = arith.index_cast %parallel_loop3A_365 : i32 to index
      %parallel_loop3A_379 = tpu.vector_load %arg6[%parallel_loop3A_377, %parallel_loop3A_378] {strides = array<i32>} : memref<3x8192xf32, #tpu.memory_space<vmem>>, vector<16xf32>,
      %parallel_loop3A_380 = arith.constant 0 : i32
      %parallel_loop3A_381 = vector.broadcast %parallel_loop3A_380 : i32 to vector<16xi32>
      %parallel_loop3A_382 = arith.addi %parallel_loop3A_375, %parallel_loop3A_381 : vector<16xi32>
      tpu.vector_store_idx %arg9[%parallel_loop3A_382], %parallel_loop3A_379 masked %parallel_loop3A_369 {add = true} : memref<4096xf32, #tpu.memory_space<vmem>>[vector<16xi32>], vector<16xf32>, vector<16xi1>
      %parallel_loop3A_383 = arith.constant 1 : i32
      %parallel_loop3A_384 = arith.index_cast %parallel_loop3A_383 : i32 to index
      %parallel_loop3A_385 = arith.index_cast %parallel_loop3A_365 : i32 to index
      %parallel_loop3A_386 = tpu.vector_load %arg6[%parallel_loop3A_384, %parallel_loop3A_385] {strides = array<i32>} : memref<3x8192xf32, #tpu.memory_space<vmem>>, vector<16xf32>,
      %parallel_loop3A_387 = arith.constant 1024 : i32
      %parallel_loop3A_388 = vector.broadcast %parallel_loop3A_387 : i32 to vector<16xi32>
      %parallel_loop3A_389 = arith.addi %parallel_loop3A_375, %parallel_loop3A_388 : vector<16xi32>
      tpu.vector_store_idx %arg9[%parallel_loop3A_389], %parallel_loop3A_386 masked %parallel_loop3A_369 {add = true} : memref<4096xf32, #tpu.memory_space<vmem>>[vector<16xi32>], vector<16xf32>, vector<16xi1>
      %parallel_loop3A_390 = arith.constant 2 : i32
      %parallel_loop3A_391 = arith.index_cast %parallel_loop3A_390 : i32 to index
      %parallel_loop3A_392 = arith.index_cast %parallel_loop3A_365 : i32 to index
      %parallel_loop3A_393 = tpu.vector_load %arg6[%parallel_loop3A_391, %parallel_loop3A_392] {strides = array<i32>} : memref<3x8192xf32, #tpu.memory_space<vmem>>, vector<16xf32>,
      %parallel_loop3A_394 = arith.constant 2048 : i32
      %parallel_loop3A_395 = vector.broadcast %parallel_loop3A_394 : i32 to vector<16xi32>
      %parallel_loop3A_396 = arith.addi %parallel_loop3A_375, %parallel_loop3A_395 : vector<16xi32>
      tpu.vector_store_idx %arg9[%parallel_loop3A_396], %parallel_loop3A_393 masked %parallel_loop3A_369 {add = true} : memref<4096xf32, #tpu.memory_space<vmem>>[vector<16xi32>], vector<16xf32>, vector<16xi1>
      %parallel_loop3A_397 = arith.constant 3072 : i32
      %parallel_loop3A_398 = vector.broadcast %parallel_loop3A_397 : i32 to vector<16xi32>
      %parallel_loop3A_399 = arith.addi %parallel_loop3A_375, %parallel_loop3A_398 : vector<16xi32>
      tpu.vector_store_idx %arg9[%parallel_loop3A_399], %broadcast_in_dim3A_4 masked %parallel_loop3A_369 {add = true} : memref<4096xf32, #tpu.memory_space<vmem>>[vector<16xi32>], vector<16xf32>, vector<16xi1>
    } {sc.loop_unroll_factor = 4 : i64, sc.parallel_access}
    "tpu.region"() ({
      %run_scoped3A = tpu.sem_alloc : memref<!tpu.dma_semaphore, #tpu.memory_space<semaphore_mem>>
      %dma_start3A_365 = arith.constant 0 : i32
      %dma_start3A_366 = tpu.memref_slice %arg4[%add3A, %dma_start3A_365] : memref<32x4096xf32, #tpu.memory_space<hbm>> -> memref<1x4096xf32, #tpu.memory_space<hbm>>
      %dma_start3A_367 = tpu.memref_squeeze %dma_start3A_366 : memref<1x4096xf32, #tpu.memory_space<hbm>> -> memref<4096xf32, #tpu.memory_space<hbm>>
      %dma_start3A_368 = arith.constant 0 : i32
      %dma_start3A_369 = tpu.memref_slice %arg4[%add3A, %dma_start3A_368] : memref<32x4096xf32, #tpu.memory_space<hbm>> -> memref<1x4096xf32, #tpu.memory_space<hbm>>
      %dma_start3A_370 = tpu.memref_squeeze %dma_start3A_369 : memref<1x4096xf32, #tpu.memory_space<hbm>> -> memref<4096xf32, #tpu.memory_space<hbm>>
      tpu.enqueue_dma source(%arg9 : memref<4096xf32, #tpu.memory_space<vmem>>) target(%dma_start3A_370 : memref<4096xf32, #tpu.memory_space<hbm>>) target_semaphore(%run_scoped3A : memref<!tpu.dma_semaphore, #tpu.memory_space<semaphore_mem>>)
      %dma_wait3A_371 = arith.constant 0 : i32
      %dma_wait3A_372 = tpu.memref_slice %arg4[%add3A, %dma_wait3A_371] : memref<32x4096xf32, #tpu.memory_space<hbm>> -> memref<1x4096xf32, #tpu.memory_space<hbm>>
      %dma_wait3A_373 = tpu.memref_squeeze %dma_wait3A_372 : memref<1x4096xf32, #tpu.memory_space<hbm>> -> memref<4096xf32, #tpu.memory_space<hbm>>
      %dma_wait3A_374 = arith.constant 0 : i32
      %dma_wait3A_375 = tpu.memref_slice %arg4[%add3A, %dma_wait3A_374] : memref<32x4096xf32, #tpu.memory_space<hbm>> -> memref<1x4096xf32, #tpu.memory_space<hbm>>
      %dma_wait3A_376 = tpu.memref_squeeze %dma_wait3A_375 : memref<1x4096xf32, #tpu.memory_space<hbm>> -> memref<4096xf32, #tpu.memory_space<hbm>>
      tpu.wait_dma2 semaphore(%run_scoped3A : memref<!tpu.dma_semaphore, #tpu.memory_space<semaphore_mem>>) src(%arg9 : memref<4096xf32, #tpu.memory_space<vmem>>) dst(%dma_wait3A_376 : memref<4096xf32, #tpu.memory_space<hbm>>)
      tpu.yield
    }) : () -> ()
    return
  }
}

module attributes {stable_mosaic.version = 14 : i64} {
  func.func @_tc_stats(%arg0: memref<512x256xf32, #tpu.memory_space<vmem>>, %arg1: memref<1x1xf32, #tpu.memory_space<smem>>) attributes {dimension_semantics = [], scalar_prefetch = 0 : i64, scratch_operands = 0 : i64, tpu.core_type = #tpu.core_type<tc>} {
    %get3A = arith.constant 0 : index
    %get3A_0 = arith.constant 0 : index
    %get3A_1 = vector.load %arg0[%get3A, %get3A_0] : memref<512x256xf32, #tpu.memory_space<vmem>>, vector<512x256xf32>
    %reduce_sum3A = arith.constant dense<0.000000e+00> : vector<256xf32>
    %reduce_sum3A_2 = vector.multi_reduction <add>, %get3A_1, %reduce_sum3A [0] : vector<512x256xf32> to vector<256xf32>
    %broadcast_in_dim3A = vector.shape_cast %reduce_sum3A_2 : vector<256xf32> to vector<1x256xf32>
    %slice3A = vector.extract_strided_slice %broadcast_in_dim3A {offsets = [0, 192], sizes = [1, 64], strides = [1, 1]} : vector<1x256xf32> to vector<1x64xf32>
    %gt3A = arith.constant 0.000000e+00 : f32
    %gt3A_3 = vector.broadcast %gt3A : f32 to vector<1x64xf32>
    %gt3A_4 = arith.cmpf ogt, %slice3A, %gt3A_3 : vector<1x64xf32>
    %convert_element_type3A = arith.extui %gt3A_4 : vector<1x64xi1> to vector<1x64xi32>
    %convert_element_type3A_5 = arith.sitofp %convert_element_type3A : vector<1x64xi32> to vector<1x64xf32>
    %reduce_sum3A_6 = vector.shape_cast %convert_element_type3A_5 : vector<1x64xf32> to vector<1x1x64xf32>
    %reduce_sum3A_7 = arith.constant dense<0.000000e+00> : vector<1xf32>
    %reduce_sum3A_8 = vector.multi_reduction <add>, %reduce_sum3A_6, %reduce_sum3A_7 [1, 2] : vector<1x1x64xf32> to vector<1xf32>
    %reduce_sum3A_9 = vector.shape_cast %reduce_sum3A_8 : vector<1xf32> to vector<1x1x1xf32>
    %reduce_sum3A_10 = vector.extract %reduce_sum3A_9[0, 0, 0] : f32 from vector<1x1x1xf32>
    %max3A = arith.constant 1.000000e+00 : f32
    %max3A_11 = vector.broadcast %max3A : f32 to vector<1x64xf32>
    %max3A_12 = arith.maximumf %slice3A, %max3A_11 : vector<1x64xf32>
    %slice3A_13 = vector.extract_strided_slice %broadcast_in_dim3A {offsets = [0, 0], sizes = [1, 64], strides = [1, 1]} : vector<1x256xf32> to vector<1x64xf32>
    %div3A = arith.divf %slice3A_13, %max3A_12 : vector<1x64xf32>
    %mul3A = arith.mulf %div3A, %convert_element_type3A_5 : vector<1x64xf32>
    %reduce_sum3A_14 = vector.shape_cast %mul3A : vector<1x64xf32> to vector<1x1x64xf32>
    %reduce_sum3A_15 = arith.constant dense<0.000000e+00> : vector<1xf32>
    %reduce_sum3A_16 = vector.multi_reduction <add>, %reduce_sum3A_14, %reduce_sum3A_15 [1, 2] : vector<1x1x64xf32> to vector<1xf32>
    %reduce_sum3A_17 = vector.shape_cast %reduce_sum3A_16 : vector<1xf32> to vector<1x1x1xf32>
    %reduce_sum3A_18 = vector.extract %reduce_sum3A_17[0, 0, 0] : f32 from vector<1x1x1xf32>
    %div3A_19 = arith.divf %reduce_sum3A_18, %reduce_sum3A_10 : f32
    %sub3A = vector.broadcast %div3A_19 : f32 to vector<1x64xf32>
    %sub3A_20 = arith.subf %div3A, %sub3A : vector<1x64xf32>
    %integer_pow3A = arith.mulf %sub3A_20, %sub3A_20 : vector<1x64xf32>
    %mul3A_21 = arith.mulf %convert_element_type3A_5, %integer_pow3A : vector<1x64xf32>
    %reduce_sum3A_22 = vector.shape_cast %mul3A_21 : vector<1x64xf32> to vector<1x1x64xf32>
    %reduce_sum3A_23 = arith.constant dense<0.000000e+00> : vector<1xf32>
    %reduce_sum3A_24 = vector.multi_reduction <add>, %reduce_sum3A_22, %reduce_sum3A_23 [1, 2] : vector<1x1x64xf32> to vector<1xf32>
    %reduce_sum3A_25 = vector.shape_cast %reduce_sum3A_24 : vector<1xf32> to vector<1x1x1xf32>
    %reduce_sum3A_26 = vector.extract %reduce_sum3A_25[0, 0, 0] : f32 from vector<1x1x1xf32>
    %sub3A_27 = arith.constant 1.000000e+00 : f32
    %sub3A_28 = arith.subf %reduce_sum3A_10, %sub3A_27 : f32
    %div3A_29 = arith.divf %reduce_sum3A_26, %sub3A_28 : f32
    %sqrt3A = math.sqrt %div3A_29 : f32
    %sub3A_30 = arith.constant 4.000000e+02 : f32
    %sub3A_31 = arith.subf %sub3A_30, %sqrt3A : f32
    %max3A_32 = arith.constant 0.000000e+00 : f32
    %max3A_33 = arith.maximumf %sub3A_31, %max3A_32 : f32
    %add3A = arith.constant 0.000000e+00 : f32
    %add3A_34 = arith.addf %add3A, %max3A_33 : f32
    %slice3A_35 = vector.extract_strided_slice %broadcast_in_dim3A {offsets = [0, 64], sizes = [1, 64], strides = [1, 1]} : vector<1x256xf32> to vector<1x64xf32>
    %div3A_36 = arith.divf %slice3A_35, %max3A_12 : vector<1x64xf32>
    %mul3A_37 = arith.mulf %div3A_36, %convert_element_type3A_5 : vector<1x64xf32>
    %reduce_sum3A_38 = vector.shape_cast %mul3A_37 : vector<1x64xf32> to vector<1x1x64xf32>
    %reduce_sum3A_39 = arith.constant dense<0.000000e+00> : vector<1xf32>
    %reduce_sum3A_40 = vector.multi_reduction <add>, %reduce_sum3A_38, %reduce_sum3A_39 [1, 2] : vector<1x1x64xf32> to vector<1xf32>
    %reduce_sum3A_41 = vector.shape_cast %reduce_sum3A_40 : vector<1xf32> to vector<1x1x1xf32>
    %reduce_sum3A_42 = vector.extract %reduce_sum3A_41[0, 0, 0] : f32 from vector<1x1x1xf32>
    %div3A_43 = arith.divf %reduce_sum3A_42, %reduce_sum3A_10 : f32
    %sub3A_44 = vector.broadcast %div3A_43 : f32 to vector<1x64xf32>
    %sub3A_45 = arith.subf %div3A_36, %sub3A_44 : vector<1x64xf32>
    %integer_pow3A_46 = arith.mulf %sub3A_45, %sub3A_45 : vector<1x64xf32>
    %mul3A_47 = arith.mulf %convert_element_type3A_5, %integer_pow3A_46 : vector<1x64xf32>
    %reduce_sum3A_48 = vector.shape_cast %mul3A_47 : vector<1x64xf32> to vector<1x1x64xf32>
    %reduce_sum3A_49 = arith.constant dense<0.000000e+00> : vector<1xf32>
    %reduce_sum3A_50 = vector.multi_reduction <add>, %reduce_sum3A_48, %reduce_sum3A_49 [1, 2] : vector<1x1x64xf32> to vector<1xf32>
    %reduce_sum3A_51 = vector.shape_cast %reduce_sum3A_50 : vector<1xf32> to vector<1x1x1xf32>
    %reduce_sum3A_52 = vector.extract %reduce_sum3A_51[0, 0, 0] : f32 from vector<1x1x1xf32>
    %sub3A_53 = arith.constant 1.000000e+00 : f32
    %sub3A_54 = arith.subf %reduce_sum3A_10, %sub3A_53 : f32
    %div3A_55 = arith.divf %reduce_sum3A_52, %sub3A_54 : f32
    %sqrt3A_56 = math.sqrt %div3A_55 : f32
    %sub3A_57 = arith.constant 2.500000e+01 : f32
    %sub3A_58 = arith.subf %sub3A_57, %sqrt3A_56 : f32
    %max3A_59 = arith.constant 0.000000e+00 : f32
    %max3A_60 = arith.maximumf %sub3A_58, %max3A_59 : f32
    %add3A_61 = arith.addf %add3A_34, %max3A_60 : f32
    %slice3A_62 = vector.extract_strided_slice %broadcast_in_dim3A {offsets = [0, 128], sizes = [1, 64], strides = [1, 1]} : vector<1x256xf32> to vector<1x64xf32>
    %div3A_63 = arith.divf %slice3A_62, %max3A_12 : vector<1x64xf32>
    %mul3A_64 = arith.mulf %div3A_63, %convert_element_type3A_5 : vector<1x64xf32>
    %reduce_sum3A_65 = vector.shape_cast %mul3A_64 : vector<1x64xf32> to vector<1x1x64xf32>
    %reduce_sum3A_66 = arith.constant dense<0.000000e+00> : vector<1xf32>
    %reduce_sum3A_67 = vector.multi_reduction <add>, %reduce_sum3A_65, %reduce_sum3A_66 [1, 2] : vector<1x1x64xf32> to vector<1xf32>
    %reduce_sum3A_68 = vector.shape_cast %reduce_sum3A_67 : vector<1xf32> to vector<1x1x1xf32>
    %reduce_sum3A_69 = vector.extract %reduce_sum3A_68[0, 0, 0] : f32 from vector<1x1x1xf32>
    %div3A_70 = arith.divf %reduce_sum3A_69, %reduce_sum3A_10 : f32
    %sub3A_71 = vector.broadcast %div3A_70 : f32 to vector<1x64xf32>
    %sub3A_72 = arith.subf %div3A_63, %sub3A_71 : vector<1x64xf32>
    %integer_pow3A_73 = arith.mulf %sub3A_72, %sub3A_72 : vector<1x64xf32>
    %mul3A_74 = arith.mulf %convert_element_type3A_5, %integer_pow3A_73 : vector<1x64xf32>
    %reduce_sum3A_75 = vector.shape_cast %mul3A_74 : vector<1x64xf32> to vector<1x1x64xf32>
    %reduce_sum3A_76 = arith.constant dense<0.000000e+00> : vector<1xf32>
    %reduce_sum3A_77 = vector.multi_reduction <add>, %reduce_sum3A_75, %reduce_sum3A_76 [1, 2] : vector<1x1x64xf32> to vector<1xf32>
    %reduce_sum3A_78 = vector.shape_cast %reduce_sum3A_77 : vector<1xf32> to vector<1x1x1xf32>
    %reduce_sum3A_79 = vector.extract %reduce_sum3A_78[0, 0, 0] : f32 from vector<1x1x1xf32>
    %sub3A_80 = arith.constant 1.000000e+00 : f32
    %sub3A_81 = arith.subf %reduce_sum3A_10, %sub3A_80 : f32
    %div3A_82 = arith.divf %reduce_sum3A_79, %sub3A_81 : f32
    %sqrt3A_83 = math.sqrt %div3A_82 : f32
    %sub3A_84 = arith.constant 5.000000e-02 : f32
    %sub3A_85 = arith.subf %sub3A_84, %sqrt3A_83 : f32
    %max3A_86 = arith.constant 0.000000e+00 : f32
    %max3A_87 = arith.maximumf %sub3A_85, %max3A_86 : f32
    %add3A_88 = arith.addf %add3A_61, %max3A_87 : f32
    %lt3A = arith.constant 2.000000e+00 : f32
    %lt3A_89 = arith.cmpf olt, %reduce_sum3A_10, %lt3A : f32
    %jit3A = arith.constant 0.000000e+00 : f32
    %select_n3A = arith.select %lt3A_89, %jit3A, %add3A_88 : f32
    %swap3A = arith.constant 0 : index
    %swap3A_90 = arith.constant 0 : index
    %swap3A_91 = memref.load %arg1[%swap3A, %swap3A_90] : memref<1x1xf32, #tpu.memory_space<smem>>
    memref.store %select_n3A, %arg1[%swap3A, %swap3A_90] : memref<1x1xf32, #tpu.memory_space<smem>>
    return
  }
}

</mosaic_0001>

<sc_bundles>
// kernel: kernel.4.cloned.1.call-start
scs
__scs_entry_jumppad:
0x0: {  	(pc) =	sbr.rel $0x88, $3  }
0x1: {  	(tag) =	ssettag $0x0;
	lr =	simm.s32 $0x1  }
0x2: {  	[smem:$0x3F9F] =	sst lr;
	_ =	strace $0xD0000000  }
0x3: {  	_ = 	snop  }
0x4: {  	_ = 	snop  }
0x5: {  	_ = 	snop  }
0x6: {  	_ = 	snop  }
0x7: {  	_ = 	snop  }
__scs_overlays_trampoline_lowered:
0x8: {  	[smem:$0x3FAE] =	sst s0  }
0x9: {  	[smem:$0x3FAF] =	sst s1  }
0xa: {  	[smem:$0x3FB0] =	sst s2  }
0xb: {  	[smem:$0x3FB1] =	sst s3  }
0xc: {  	[smem:$0x3FB2] =	sst s4  }
0xd: {  	[smem:$0x3FB3] =	sst s5  }
0xe: {  	[smem:$0x3FB4] =	sst s6  }
0xf: {  	[smem:$0x3FB5] =	sst s7  }
0x10: {  	[smem:$0x3FB6] =	sst s8  }
0x11: {  	[smem:$0x3FB7] =	sst s9;
	s0 =	simm.s32 @!p0 $0x0  }
0x12: {  	s1 =	sld [smem:$0x3F9D];
	s0 =	simm.s32 @p0 $0x1  }
0x13: {  	[smem:$0x3FB8] =	sst s0;
	s0 =	simm.s32 @!p1 $0x0  }
0x14: {  	s2 =	sld [smem:$0x3F9C];
	s0 =	simm.s32 @p1 $0x1  }
0x15: {  	[smem:$0x3FB9] =	sst s0;
	s0 =	simm.s32 @!p2 $0x0  }
0x16: {  	s3 =	sld [smem:$0x3FDB];
	s0 =	simm.s32 @p2 $0x1  }
0x17: {  	s4 =	simm.s32 $0x1BF5;
	[smem:$0x3FBB] =	sst s0  }
0x18: {  	s0 =	sld [smem:$0x3F9E];
	_ =	swait.ge [sflag:s4], $0x0  }
0x19: {  	s7 =	sld [smem:$0x3F9F]  }
0x1a: {  	s8 =	sadd.s32 $0xFFFFE003, lr  }
0x1b: {  	s9 =	sadd.s32 $0xFFFFFEF7, lr;
	s5 =	simm.s32 $0xFFFFFFFF;
	p2 =	slt.u32 s8, $0xFFFFF086  }
0x1c: {  	p1 =	slt.u32 s9, $0xF7A;
	s5 =	simm.s32 @!p2 $0x0  }
0x1d: {  	s5 =	simm.s32 @p1 $0x1;
	p0 =	seq.s32 s7, s2  }
0x1e: {  	s7 =	smul.u32 @!p0 $0xF7A, s2;
	p2 =	seq.s32 @!p0 s5, $0x0  }
0x1f: {  	s9 =	smul.u32 $0xF7A, s1;
	s8 =	simm.s32 @!p0 $0x1BF5;
	p2 =	por !p2, p0  }
0x20: {  	[sflag:s8] =	ssyncset.s32 @!p0 $0xFFFFF086;
	s6 =	sadd.s32 @!p0 s3, s7;
	s7 =	simm.s32 @!p0 $0x108  }
0x21: {  	s3 =	sadd.s32 s3, s9;
	s6 =	sadd.s32 @!p0 $0x88, s6;
	s7 =	simm.s32 @p2 $0x1082  }
0x22: {  	[simem:s7], [sflag:s8] =	dma.local @!p0 [hbm:s6], $0xF7A  }
0x23: {  	s9 =	sor.u32 $0xD0000000, s2;
	s6 =	simm.s32 $0x108;
	_ =	swait.ge @!p0 [sflag:s8], $0x0  }
0x24: {  	s3 =	sadd.s32 $0x88, s3;
	s6 =	simm.s32 @!p1 $0x1082;
	[sflag:s4] =	ssyncset.s32 $0xFFFFF086  }
0x25: {  	[simem:s6], [sflag:s4] =	dma.local [hbm:s3], $0xF7A  }
0x26: {  	[smem:$0x3F9F] =	sst s1;
	(tag) =	ssettag s2;
	_ =	strace s9  }
0x27: {  	s1 =	sld [smem:$0x3FAF]  }
0x28: {  	s2 =	sld [smem:$0x3FB0]  }
0x29: {  	s4 =	sld [smem:$0x3FB2]  }
0x2a: {  	p0 =	seq.s32 s5, $0x0;
	s5 =	sld [smem:$0x3FB3]  }
0x2b: {  	s6 =	sld [smem:$0x3FB4]  }
0x2c: {  	s7 =	sld [smem:$0x3FB5]  }
0x2d: {  	s3 =	simm.s32 $0x108;
	s8 =	sld [smem:$0x3FB6]  }
0x2e: {  	s3 =	simm.s32 @!p0 $0x1082;
	s9 =	sld [smem:$0x3FB7]  }
0x2f: {  	lr =	sadd.s32 s0, s3;
	s0 =	sld [smem:$0x3FAE]  }
0x30: {  	s3 =	sld [smem:$0x3FB1]  }
0x31: {  	[smem:$0x3FBA] =	sst s10  }
0x32: {  	s10 =	sld [smem:$0x3FB8];
	_ =	sdelay $0x3  }
0x33: {  	p0 =	seq.s32 s10, $0x1;
	s10 =	sld [smem:$0x3FBA];
	_ =	sdelay $0x3  }
0x34: {  	[smem:$0x3FBA] =	sst s10  }
0x35: {  	s10 =	sld [smem:$0x3FB9];
	_ =	sdelay $0x3  }
0x36: {  	p1 =	seq.s32 s10, $0x1;
	s10 =	sld [smem:$0x3FBA];
	_ =	sdelay $0x3  }
0x37: {  	[smem:$0x3FBA] =	sst s10  }
0x38: {  	s10 =	sld [smem:$0x3FBB]  }
0x39: {  	_ = 	snop;
	(pc) =	sbr.ind lr, $3  }
0x3a: {  	_ = 	snop  }
0x3b: {  	_ = 	snop  }
0x3c: {  	p2 =	seq.s32 s10, $0x1;
	s10 =	sld [smem:$0x3FBA]  }
0x3d: {  	_ =	shalt  }
0x3e: {  	_ =	shalt  }
0x3f: {  	_ =	shalt  }
0x40: {  	_ =	shalt  }
0x41: {  	_ =	shalt  }
0x42: {  	_ =	shalt  }
0x43: {  	_ =	shalt  }
0x44: {  	_ =	shalt  }
0x45: {  	_ =	shalt  }
0x46: {  	_ =	shalt  }
0x47: {  	_ =	shalt  }
0x48: {  	_ =	shalt  }
0x49: {  	_ =	shalt  }
0x4a: {  	_ =	shalt  }
0x4b: {  	_ =	shalt  }
0x4c: {  	_ =	shalt  }
0x4d: {  	_ =	shalt  }
0x4e: {  	_ =	shalt  }
0x4f: {  	_ =	shalt  }
0x50: {  	_ =	shalt  }
0x51: {  	_ =	shalt  }
0x52: {  	_ =	shalt  }
0x53: {  	_ =	shalt  }
0x54: {  	_ =	shalt  }
0x55: {  	_ =	shalt  }
0x56: {  	_ =	shalt  }
0x57: {  	_ =	shalt  }
0x58: {  	_ =	shalt  }
0x59: {  	_ =	shalt  }
0x5a: {  	_ =	shalt  }
0x5b: {  	_ =	shalt  }
0x5c: {  	_ =	shalt  }
0x5d: {  	_ =	shalt  }
0x5e: {  	_ =	shalt  }
0x5f: {  	_ =	shalt  }
0x60: {  	_ =	shalt  }
0x61: {  	_ =	shalt  }
0x62: {  	_ =	shalt  }
0x63: {  	_ =	shalt  }
0x64: {  	_ =	shalt  }
0x65: {  	_ =	shalt  }
0x66: {  	_ =	shalt  }
0x67: {  	_ =	shalt  }
0x68: {  	_ =	shalt  }
0x69: {  	_ =	shalt  }
0x6a: {  	_ =	shalt  }
0x6b: {  	_ =	shalt  }
0x6c: {  	_ =	shalt  }
0x6d: {  	_ =	shalt  }
0x6e: {  	_ =	shalt  }
0x6f: {  	_ =	shalt  }
0x70: {  	_ =	shalt  }
0x71: {  	_ =	shalt  }
0x72: {  	_ =	shalt  }
0x73: {  	_ =	shalt  }
0x74: {  	_ =	shalt  }
0x75: {  	_ =	shalt  }
0x76: {  	_ =	shalt  }
0x77: {  	_ =	shalt  }
0x78: {  	_ =	shalt  }
0x79: {  	_ =	shalt  }
0x7a: {  	_ =	shalt  }
0x7b: {  	_ =	shalt  }
0x7c: {  	_ =	shalt  }
0x7d: {  	_ =	shalt  }
0x7e: {  	_ =	shalt  }
0x7f: {  	_ =	shalt  }
0x80: {  	_ =	shalt  }
0x81: {  	_ =	shalt  }
0x82: {  	_ =	shalt  }
0x83: {  	_ =	shalt  }
0x84: {  	_ =	shalt  }
0x85: {  	_ =	shalt  }
0x86: {  	_ =	shalt  }
0x87: {  	_ =	shalt  }
.Lfunc_end0:
.L_simem_size_0:
called_computation_lowered:
.L_overlay_start_0:
0x88: {  	s2 =	sld [smem:$0x3FD9]  }
0x89: {  	s3 =	sld [smem:$0x3FFE];
	_ =	sdelay $0x1  }
0x8a: {  	s1 =	srdreg.scid  }
0x8b: {  	s0 =	sand.u32 $0x1, s1  }
0x8c: {  	s17 =	sshll.u32 s0, $0xA;
	s2 =	sadd.s32 s3, s2  }
0x8d: {  	s2 =	sadd.s32 s2, s17  }
0x8e: {  	[smem:$0x3FC6] =	sst s2  }
0x8f: {  	_ = 	snop  }
0x90: {  	s2 =	sld [smem:$0x3FC9]  }
0x91: {  	s18 =	sld [smem:$0x3FC8];
	(tm) =	ssettm $0x1  }
0x92: {  	s4 =	sld [smem:$0x3FFB];
	_ =	sdelay $0x3  }
0x93: {  	_ =	strace s4  }
0x94: {  	s4 =	sld [smem:$0x3FFC];
	_ =	sdelay $0x3  }
0x95: {  	_ =	strace s4  }
0x96: {  	s4 =	sld [smem:$0x3FFD];
	_ =	sdelay $0x3  }
0x97: {  	_ =	strace s4  }
0x98: {  	_ =	strace $0x8FFFFFFF  }
0x99: {  	s19 =	sld [smem:$0x3FDB];
	_ =	sdelay $0x1  }
0x9a: {  	s5 =	simm.s32 $_scs_section_size  }
0x9b: {  	s6 =	simm.s32 $_size__tile_overlayer_lowered;
	s7 =	simm.s32 $_tile_overlayer_lowered  }
0x9c: {  	s22 =	simm.s32 $0x1BFF;
	s21 =	sshll.u32 s7, $0x1;
	s4 =	sadd.s32 s5, s19  }
0x9d: {  	s8 =	simm.s32 $0x0;
	s20 =	sshll.u32 s6, $0x1;
	s6 =	sadd.s32 s21, s4  }
0x9e: {  	[timem:s8], [sflag:s22] =	dma.local [hbm:s6], s20  }
0x9f: {  	_ =	swait.ge [sflag:s22], s20  }
0xa0: {  	s5 =	ssub.s32 $0x0, s20;
	[sflag:s22] =	ssyncset.done $0x0  }
0xa1: {  	[sflag:s22] =	ssyncadd.s32 s5;
	_ =	sdelay $0x1  }
0xa2: {  	s23 =	simm.s32 $0x1B8B  }
0xa3: {  	_ =	swait.ge [sflag:s23], $0x1  }
0xa4: {  	[sflag:s23] =	ssyncset.done $0x0  }
0xa5: {  	s25 =	simm.s32 $0x1B8E;
	s24 =	sld [smem:$0x3FFE];
	[sflag:s23] =	ssyncadd.s32 $0xFFFFFFFF  }
0xa6: {  	s26 =	simm.s32 $execute0_lowered;
	[smem:$0x3FD2] =	sst s25  }
0xa7: {  	s6 =	sshll.u32 s26, $0x1;
	_ =	strace $0x80000046;
	[dreg:$0x1] =	wrdreg $0xFFFFFFFF  }
0xa8: {  	s28 =	simm.s32 $_size_execute0_lowered;
	s4 =	sadd.s32 s4, s6;
	[dreg:$0x0] =	wrdreg $0x0  }
0xa9: {  	s6 =	sshll.u32 s28, $0x1;
	[dreg:$0x2] =	wrdreg s4  }
0xaa: {  	[dreg:$0x3] =	wrdreg s6  }
0xab: {  	[dreg:$0x4] =	wrdreg $0xC0  }
0xac: {  	_ =	task [dreg:s8], $0x5FFFF  }
0xad: {  	[dreg:$0x1] =	wrdreg $0xFFFFFFFF  }
0xae: {  	[dreg:$0x0] =	wrdreg $0x60  }
0xaf: {  	[dreg:$0x2] =	wrdreg s2  }
0xb0: {  	[dreg:$0x3] =	wrdreg s18  }
0xb1: {  	[dreg:$0x4] =	wrdreg s24  }
0xb2: {  	[dreg:$0x5] =	wrdreg $0x9  }
0xb3: {  	_ =	task.clear_ibuf [dreg:s8], $0x6FFFF;
	_ =	strace $0x90000046  }
0xb4: {  	s29 =	simm.s32 $0x9;
	_ =	strace $0x80000048  }
0xb5: {  	_ =	swait.ge [sflag:s29], $0x1  }
0xb6: {  	[sflag:s29] =	ssyncadd.s32 $0xFFFFFFFF  }
0xb7: {  	_ =	strace $0x90000048  }
0xb8: {  	_ =	sfence  }
0xb9: {  	s30 =	sld [smem:$0x0];
	_ =	sdelay $0x2  }
0xba: {  	s31 =	sshll.u32 s1, $0xD;
	s1 =	sshrl.u32 s1, $0x2  }
0xbb: {  	s3 =	sand.u32 $0x4000, s31;
	s1 =	sadd.s32 s1, s30  }
0xbc: {  	s0 =	sor.u32 s3, s0;
	s1 =	sshll.u32 s1, $0x11  }
0xbd: {  	s0 =	sor.u32 s1, s0  }
0xbe: {  	s0 =	sadd.s32 $0x8F2B, s0  }
0xbf: {  	[sflag:s0] =	ssyncadd.remote.s32 $0x1  }
0xc0: {  	_ =	sfence.sel $0xFFFF  }
0xc1: {  	[dreg:$0x0] =	wrdreg $0xFFFFFFFF;
	(pc) =	sbr.abs _section_cstart, $3  }
0xc2: {  	[dreg:$0x1] =	wrdreg $0xFFFFFFFF  }
0xc3: {  	_ =	task.clear_ibuf [dreg:s8], $0x2FFFF;
	_ =	strace $0x9FFFFFFF  }
0xc4: {  	(tm) =	ssettm $0x7FFFFFFF  }
0xc5: {  	_ =	shalt  }
tec
execute0_lowered:
.L_overlay_start_1:
0x0: {  	(tag) =	ssettag $0x1  }
0x1: {  	s0 =	rddreg [dreg:$0x0];
	s5 =	stileid.u32  }
0x2: {  	s1 =	rddreg [dreg:$0x2];
	s3 =	srdreg.scid;
	s2 =	sshll.u32 s5, $0xA  }
0x3: {  	s4 =	sand.u32 $0x1, s3;
	s5 =	sshll.u32 s5, $0x1;
	s2 =	sand.u32 $0x3000, s2  }
0x4: {  	s13 =	ssub.s32 $0x2, s4;
	s3 =	sadd.s32 s2, s1;
	s1 =	sor.u32 s4, s5  }
0x5: {  	s14 =	sshrl.u32 s13, $0x1;
	s5 =	sshll.u32 s1, $0xD;
	s6 =	sshll.u32 s1, $0xC  }
0x6: {  	s4 =	ssub.s32 s13, s14;
	s15 =	sadd.s32 s0, s6;
	s2 =	sor.u32 $0x40000, s5  }
0x7: {  	s7 =	sor.u32 $0x80000, s5;
	s8 =	sor.u32 $0xC0000, s5;
	s10 =	sor.u32 $0x140000, s5  }
0x8: {  	s11 =	sor.u32 $0x180000, s5;
	s13 =	sor.u32 $0x200000, s5;
	s14 =	sor.u32 $0x240000, s5  }
0x9: {  	s4 =	smax.u32 s4, $0x1;
	[dreg:$0x4] =	wrdreg s15;
	s16 =	sshrl.u32 s2, $0x1  }
0xa: {  	s17 =	sshrl.u32 s7, $0x1;
	s9 =	sshrl.u32 s8, $0x1;
	s20 =	sshrl.u32 s10, $0x1  }
0xb: {  	s12 =	sshrl.u32 s11, $0x1;
	s23 =	sshrl.u32 s13, $0x1;
	s6 =	sadd.s32 s0, s16  }
0xc: {  	s15 =	sshrl.u32 s14, $0x1;
	s18 =	sadd.s32 s0, s9;
	[dreg:$0x5] =	wrdreg s6  }
0xd: {  	s21 =	sadd.s32 s0, s12;
	s24 =	sadd.s32 s0, s15;
	[dreg:$0x7] =	wrdreg s18  }
0xe: {  	s16 =	sor.u32 $0x2C0000, s5;
	s6 =	sadd.s32 s0, s17;
	[dreg:$0xa] =	wrdreg s21  }
0xf: {  	s18 =	sor.u32 $0x300000, s5;
	[dreg:$0x6] =	wrdreg s6;
	s6 =	sor.u32 $0x100000, s5  }
0x10: {  	[dreg:$0xd] =	wrdreg s24;
	s17 =	sshrl.u32 s18, $0x1;
	s19 =	sshrl.u32 s6, $0x1  }
0x11: {  	s26 =	sshrl.u32 s16, $0x1;
	s28 =	sadd.s32 s0, s17;
	s9 =	sadd.s32 s0, s19  }
0x12: {  	s19 =	sor.u32 $0x340000, s5;
	[dreg:$0x8] =	wrdreg s9;
	s9 =	sadd.s32 s0, s20  }
0x13: {  	s29 =	sshrl.u32 s19, $0x1;
	[dreg:$0x9] =	wrdreg s9;
	s9 =	sor.u32 $0x1C0000, s5  }
0x14: {  	[dreg:$0x10] =	wrdreg s28;
	s17 =	sadd.s32 s0, s29;
	s22 =	sshrl.u32 s9, $0x1  }
0x15: {  	s24 =	sshll.u32 s1, $0xA;
	[dreg:$0x11] =	wrdreg s17;
	s12 =	sadd.s32 s0, s22  }
0x16: {  	s28 =	sshrl.u32 s8, $0x3;
	[dreg:$0xb] =	wrdreg s12;
	s12 =	sadd.s32 s0, s23  }
0x17: {  	s17 =	simm.s32 $0x0;
	[dreg:$0xc] =	wrdreg s12;
	s12 =	sor.u32 $0x280000, s5  }
0x18: {  	s9 =	sshrl.u32 s9, $0x3;
	[smem:$0x7FF] =	sst s17;
	s25 =	sshrl.u32 s12, $0x1  }
0x19: {  	s15 =	sadd.s32 s0, s25;
	s25 =	sshrl.u32 s2, $0x3;
	s2 =	sshrl.u32 s6, $0x3  }
0x1a: {  	s6 =	sshrl.u32 s10, $0x3;
	s10 =	sshrl.u32 s13, $0x3;
	[dreg:$0xe] =	wrdreg s15  }
0x1b: {  	s15 =	sadd.s32 s0, s26;
	s26 =	sshrl.u32 s7, $0x3;
	s7 =	sshrl.u32 s11, $0x3  }
0x1c: {  	[dreg:$0xf] =	wrdreg s15;
	s15 =	sor.u32 $0x3C0000, s5;
	s5 =	sor.u32 $0x380000, s5  }
0x1d: {  	s11 =	sshrl.u32 s14, $0x3;
	s14 =	sshrl.u32 s12, $0x3;
	s21 =	sshrl.u32 s5, $0x1  }
0x1e: {  	s20 =	smin.u32 s15, $0x3CE900;
	s23 =	sadd.s32 s0, s21;
	s21 =	rddreg [dreg:$0x1]  }
0x1f: {  	s12 =	simm.s32 $0x4;
	s22 =	sshrl.u32 s20, $0x1;
	[dreg:$0x12] =	wrdreg s23  }
0x20: {  	s0 =	sadd.s32 s0, s22;
	s29 =	sadd.s32 s21, s28;
	s8 =	sadd.s32 s21, s7  }
0x21: {  	s13 =	sadd.s32 s21, s11;
	s22 =	sshrl.u32 s16, $0x3;
	[dreg:$0x13] =	wrdreg s0  }
0x22: {  	s23 =	sshrl.u32 s18, $0x3;
	s28 =	sshrl.u32 s20, $0x3;
	[dreg:$0x17] =	wrdreg s29  }
0x23: {  	s7 =	simm.s32 $0x12000;
	s11 =	simm.s32 $0x2;
	[dreg:$0x1a] =	wrdreg s8  }
0x24: {  	s0 =	sadd.s32 s21, s24;
	[dreg:$0x1d] =	wrdreg s13;
	s30 =	sadd.s32 s21, s22  }
0x25: {  	s31 =	sadd.s32 s21, s23;
	s24 =	sshrl.u32 s19, $0x3;
	s29 =	ssub.s32 s15, s20  }
0x26: {  	s8 =	simm.s32 $0x1;
	[dreg:$0x14] =	wrdreg s0;
	s0 =	sadd.s32 s21, s25  }
0x27: {  	s13 =	simm.s32 $0x5;
	s25 =	sshrl.u32 s5, $0x3;
	[dreg:$0x15] =	wrdreg s0  }
0x28: {  	s0 =	sadd.s32 s21, s26;
	s26 =	sshll.u32 s1, $0x4;
	s1 =	sadd.s32 s21, s25  }
0x29: {  	[dreg:$0x16] =	wrdreg s0;
	s0 =	sadd.s32 s21, s2;
	s5 =	sand.u32 $0x70, s26  }
0x2a: {  	s2 =	sadd.s32 s21, s28;
	[dreg:$0x18] =	wrdreg s0;
	s0 =	sadd.s32 s21, s6  }
0x2b: {  	s3 =	sadd.s32 s5, s3;
	[dreg:$0x19] =	wrdreg s0;
	s0 =	sadd.s32 s21, s9  }
0x2c: {  	s5 =	simm.s32 $0x10000;
	[dreg:$0x1b] =	wrdreg s0;
	s0 =	sadd.s32 s21, s10  }
0x2d: {  	v0 =	vlaneseq.u32;
	s6 =	simm.s32 $0x8000;
	[dreg:$0x1c] =	wrdreg s0;
	s0 =	sadd.s32 s21, s14  }
0x2e: {  	v2 =	vimm.f32 $0.0e+00;
	v6 =	vimm.f32 $1.000000000e+00;
	v3 =	vor.u32 $0x400, v0;
	s3 =	sadd.s32 $0x400, s3;
	s9 =	simm.s32 $0x3;
	[dreg:$0x1e] =	wrdreg s0  }
0x2f: {  	v4 =	vor.u32 $0x800, v0;
	v5 =	vor.u32 $0xC00, v0;
	v1 =	vmov s29;
	s10 =	simm.s32 $0x14000;
	s0 =	sadd.s32 s21, s24;
	_ =	strace $0x80000047  }
.LBB2_1:
0x30: {  	s14 =	simm.s32 $0x40;
	s15 =	simm.s32 $0x0  }
.LBB2_2:
0x31: {  	p0 =	sne.s32 s14, $0x3FC0;
	[tilespmem:s15+$0x14000] =	vst v2;
	s15 =	smov.u32 s14;
	s14 =	sadd.s32 $0x40, s14  }
.Ltmp0:
0x32: {  	(pc) =	sbr.rel @p0 .LBB2_2-.Ltmp0, $2  }
0x33: {  	_ =	sdelay $0x2  }
0x34: {  	s15 =	sshra.s32 s15, $0x2  }
0x35: {  	[tilespmem:s15+$0x14000] =	vst v2;
	s14 =	simm.s32 $0x0;
	s19 =	rddreg [dreg:$0x4]  }
0x36: {  	[tilespmem:s14], [sflag:$0x1] =	stream.linear.gather [hbm4b:s19+s14], $0x8000, $0x38;
	[tilespmem:$0x15000] =	vst v63  }
0x37: {  	s20 =	rddreg [dreg:$0x14]  }
0x38: {  	[tilespmem:s5], [sflag:$0x3] =	stream.linear.gather [hbm4b:s20+s14], $0x2000, $0x38;
	[tilespmem:$0x15000] =	vst v63  }
0x39: {  	s21 =	rddreg [dreg:$0x5]  }
0x3a: {  	[tilespmem:s6], [sflag:$0x2] =	stream.linear.gather [hbm4b:s21+s14], $0x8000, $0x38;
	[tilespmem:$0x15000] =	vst v63  }
0x3b: {  	s22 =	rddreg [dreg:$0x15]  }
0x3c: {  	[tilespmem:s7], [sflag:$0x4] =	stream.linear.gather [hbm4b:s22+s14], $0x2000, $0x38;
	[tilespmem:$0x15000] =	vst v63  }
0x3d: {  	_ =	swait.ge [sflag:s8], $0x8000  }
0x3e: {  	[sflag:s8] =	ssyncset.done $0x0  }
0x3f: {  	s23 =	simm.s32 $0x0;
	[sflag:s8] =	ssyncadd.s32 $0xFFFF8000  }
0x40: {  	s16 =	sand.u32 $0x40, s23;
	s15 =	sand.u32 $0x1F80, s23;
	_ =	swait.ge [sflag:s9], $0x2000  }
0x41: {  	s15 =	sor.u32 $0x10000, s15;
	s18 =	sor.u32 $0x30, s16;
	[sflag:s9] =	ssyncset.done $0x0  }
0x42: {  	s19 =	sor.u32 s18, s15;
	s20 =	sor.u32 $0x10, s16;
	[sflag:s9] =	ssyncadd.s32 $0xFFFFE000  }
0x43: {  	s24 =	sor.u32 s20, s15;
	v7 =	vld [tilespmem:s19+$0x0]  }
0x44: {  	s21 =	sor.u32 $0x20, s16;
	v8 =	vld [tilespmem:s24+$0x0]  }
0x45: {  	s15 =	sor.u32 s21, s15  }
0x46: {  	s25 =	simm.s32 $0x0;
	v9 =	vld [tilespmem:s15+$0x0]  }
0x47: {  	s14 =	sand.u32 $0x7E00, s14;
	v10 =	vld [tilespmem:s25+$0x10000]  }
0x48: {  	s26 =	sor.u32 s18, s14;
	v7 =	vshll.u32 v7, $0x4  }
0x49: {  	s28 =	sor.u32 s20, s14;
	v11 =	vld [tilespmem:s26+$0x0];
	v8 =	vshll.u32 v8, $0x4;
	v12 =	vor.u32 v0, v7  }
0x4a: {  	v13 =	vld [tilespmem:s28+$0x0];
	v14 =	vor.u32 v0, v8  }
0x4b: {  	s29 =	sor.u32 s21, s14;
	v9 =	vshll.u32 v9, $0x4  }
0x4c: {  	s14 =	sor.u32 s16, s14;
	v15 =	vld [tilespmem:s29+$0x0];
	v10 =	vshll.u32 v10, $0x4;
	v16 =	vor.u32 v0, v9  }
0x4d: {  	v17 =	vld [tilespmem:s14+$0x0];
	v18 =	vor.u32 v0, v10  }
0x4e: {  	[tilespmem:v12+s10+$0x0] =	vst.idx.add.f32.msk $0xffff, v11  }
0x4f: {  	[tilespmem:v14+s10+$0x0] =	vst.idx.add.f32.msk $0xffff, v13  }
0x50: {  	p0 =	por $0x0, $0x0;
	s15 =	simm.s32 $0x1;
	v12 =	vadd.s32 v3, v7;
	v11 =	vld [tilespmem:s26+$0x80]  }
0x51: {  	s15 =	simm.s32 @!p0 $0x0;
	[tilespmem:v16+s10+$0x0] =	vst.idx.add.f32.msk $0xffff, v15  }
0x52: {  	s15 =	sshll.u32 s15, $0x6;
	[tilespmem:v18+s10+$0x0] =	vst.idx.add.f32.msk $0xffff, v17  }
0x53: {  	s15 =	sadd.s32 $0x0, s15;
	v14 =	vadd.s32 v3, v8;
	v13 =	vld [tilespmem:s28+$0x80]  }
0x54: {  	s18 =	sadd.s32 $0x30, s15;
	v16 =	vadd.s32 v3, v9;
	v15 =	vld [tilespmem:s29+$0x80]  }
0x55: {  	s16 =	sor.u32 $0x100, s18;
	[tilespmem:v12+s10+$0x0] =	vst.idx.add.f32.msk $0xffff, v11  }
0x56: {  	v12 =	vadd.s32 v4, v7;
	v11 =	vld [tilespmem:s16+$0x0]  }
0x57: {  	v17 =	vld [tilespmem:s14+$0x80];
	v7 =	vadd.s32 v5, v7  }
0x58: {  	s19 =	sadd.s32 $0x10, s15;
	[tilespmem:v14+s10+$0x0] =	vst.idx.add.f32.msk $0xffff, v13  }
0x59: {  	s20 =	sor.u32 $0x100, s19;
	v61 =	vadd.s32 v3, v10;
	[tilespmem:v16+s10+$0x0] =	vst.idx.add.f32.msk $0xffff, v15  }
0x5a: {  	v13 =	vld [tilespmem:s20+$0x0]  }
0x5b: {  	s21 =	sadd.s32 $0x20, s15;
	[tilespmem:v12+s10+$0x0] =	vst.idx.add.f32.msk $0xffff, v11;
	v11 =	vadd.s32 v4, v8  }
0x5c: {  	s14 =	sor.u32 $0x100, s21;
	[tilespmem:v7+s10+$0x0] =	vst.idx.add.f32.msk $0xffff, v6  }
0x5d: {  	v7 =	vadd.s32 v5, v8;
	v8 =	vld [tilespmem:s14+$0x0];
	s14 =	simm.s32 $0x40  }
0x5e: {  	s15 =	sor.u32 $0x100, s15;
	[tilespmem:v61+s10+$0x0] =	vst.idx.add.f32.msk $0xffff, v17;
	s16 =	sand.u32 $0x40, s14;
	s22 =	sand.u32 $0x1F80, s14  }
0x5f: {  	v12 =	vld [tilespmem:s15+$0x0];
	s15 =	sor.u32 $0x10000, s22;
	s24 =	sor.u32 $0x10, s16  }
0x60: {  	v14 =	vadd.s32 v4, v9;
	s26 =	sor.u32 s24, s15;
	[tilespmem:v11+s10+$0x0] =	vst.idx.add.f32.msk $0xffff, v13  }
0x61: {  	v9 =	vadd.s32 v5, v9;
	s23 =	sor.u32 $0x30, s16;
	v11 =	vld [tilespmem:s26+$0x0]  }
0x62: {  	s22 =	sor.u32 $0x20, s16;
	s25 =	sor.u32 s23, s15;
	[tilespmem:v7+s10+$0x0] =	vst.idx.add.f32.msk $0xffff, v6  }
0x63: {  	s15 =	sor.u32 s22, s15;
	v7 =	vld [tilespmem:s25+$0x0]  }
0x64: {  	v13 =	vld [tilespmem:s15+$0x0]  }
0x65: {  	s15 =	simm.s32 $0x100;
	[tilespmem:v14+s10+$0x0] =	vst.idx.add.f32.msk $0xffff, v8  }
0x66: {  	s28 =	simm.s32 $0x40;
	s29 =	sand.u32 $0x7E00, s15;
	[tilespmem:v9+s10+$0x0] =	vst.idx.add.f32.msk $0xffff, v6  }
0x67: {  	v8 =	vadd.s32 v4, v10;
	v9 =	vld [tilespmem:s28+$0x10000];
	s19 =	sor.u32 s24, s29;
	v16 =	vshll.u32 v11, $0x4  }
0x68: {  	s18 =	sor.u32 s23, s29;
	v11 =	vld [tilespmem:s19+$0x0];
	v7 =	vshll.u32 v7, $0x4;
	v17 =	vor.u32 v0, v16  }
0x69: {  	s23 =	sor.u32 s22, s29;
	v14 =	vld [tilespmem:s18+$0x0];
	v15 =	vor.u32 v0, v7  }
0x6a: {  	s16 =	sor.u32 s16, s29;
	v62 =	vld [tilespmem:s23+$0x0];
	v13 =	vshll.u32 v13, $0x4  }
0x6b: {  	v20 =	vld [tilespmem:s16+$0x0];
	v19 =	vor.u32 v0, v13  }
0x6c: {  	[tilespmem:v8+s10+$0x0] =	vst.idx.add.f32.msk $0xffff, v12;
	v21 =	vshll.u32 v9, $0x4  }
0x6d: {  	v8 =	vor.u32 v0, v21;
	[tilespmem:v17+s10+$0x0] =	vst.idx.add.f32.msk $0xffff, v11  }
0x6e: {  	[tilespmem:v15+s10+$0x0] =	vst.idx.add.f32.msk $0xffff, v14  }
0x6f: {  	v12 =	vadd.s32 v3, v7;
	v9 =	vld [tilespmem:s18+$0x80]  }
0x70: {  	p0 =	por !p0, !p0;
	[tilespmem:v19+s10+$0x0] =	vst.idx.add.f32.msk $0xffff, v62;
	s18 =	simm.s32 $0x1  }
0x71: {  	v11 =	vld [tilespmem:s19+$0x80];
	s18 =	simm.s32 @!p0 $0x0  }
0x72: {  	v14 =	vadd.s32 v3, v16;
	[tilespmem:v8+s10+$0x0] =	vst.idx.add.f32.msk $0xffff, v20;
	s18 =	sshll.u32 s18, $0x6  }
0x73: {  	v17 =	vld [tilespmem:s16+$0x80];
	s18 =	sadd.s32 $0x100, s18  }
0x74: {  	v63 =	vadd.s32 v3, v21;
	s24 =	sadd.s32 $0x30, s18;
	[tilespmem:v12+s10+$0x0] =	vst.idx.add.f32.msk $0xffff, v9  }
0x75: {  	v15 =	vadd.s32 v3, v13;
	s19 =	sor.u32 $0x100, s24;
	v12 =	vld [tilespmem:s23+$0x80]  }
0x76: {  	s25 =	sadd.s32 $0x10, s18;
	v9 =	vadd.s32 v4, v7;
	v8 =	vld [tilespmem:s19+$0x0]  }
0x77: {  	[tilespmem:v14+s10+$0x0] =	vst.idx.add.f32.msk $0xffff, v11;
	v7 =	vadd.s32 v5, v7;
	s26 =	sor.u32 $0x100, s25  }
0x78: {  	v14 =	vld [tilespmem:s26+$0x0]  }
0x79: {  	[tilespmem:v63+s10+$0x0] =	vst.idx.add.f32.msk $0xffff, v17  }
0x7a: {  	v11 =	vadd.s32 v4, v16;
	[tilespmem:v15+s10+$0x0] =	vst.idx.add.f32.msk $0xffff, v12  }
0x7b: {  	s28 =	sadd.s32 $0x20, s18;
	v12 =	vadd.s32 v5, v16;
	[tilespmem:v9+s10+$0x0] =	vst.idx.add.f32.msk $0xffff, v8  }
0x7c: {  	s29 =	sor.u32 $0x100, s28;
	v9 =	vadd.s32 v5, v13;
	[tilespmem:v7+s10+$0x0] =	vst.idx.add.f32.msk $0xffff, v6;
	v7 =	vadd.s32 v5, v10  }
0x7d: {  	s16 =	sor.u32 $0x100, s18;
	v8 =	vadd.s32 v4, v21;
	v15 =	vld [tilespmem:s29+$0x0];
	v10 =	vadd.s32 v4, v13;
	v13 =	vadd.s32 v5, v21  }
.LBB2_4:
0x7e: {  	s14 =	sadd.s32 $0x40, s14;
	v16 =	vld [tilespmem:s16+$0x0]  }
0x7f: {  	s16 =	sand.u32 $0x40, s14;
	s18 =	sand.u32 $0x1F80, s14;
	p1 =	slt.u32 s14, $0x1FC0;
	[tilespmem:v11+s10+$0x0] =	vst.idx.add.f32.msk $0xffff, v14  }
0x80: {  	s19 =	sor.u32 $0x10, s16;
	s18 =	sor.u32 $0x10000, s18;
	s20 =	sor.u32 $0x30, s16;
	[tilespmem:v12+s10+$0x0] =	vst.idx.add.f32.msk $0xffff, v6  }
0x81: {  	s22 =	sor.u32 $0x20, s16;
	s21 =	sor.u32 s19, s18;
	s23 =	sor.u32 s20, s18;
	[tilespmem:v7+s10+$0x0] =	vst.idx.add.f32.msk $0xffff, v6;
	v7 =	vmov v13  }
0x82: {  	s18 =	sor.u32 s22, s18;
	v11 =	vld [tilespmem:s23+$0x0]  }
0x83: {  	v12 =	vld [tilespmem:s21+$0x0]  }
0x84: {  	v13 =	vld [tilespmem:s18+$0x0]  }
0x85: {  	s15 =	sadd.s32 $0x100, s15;
	[tilespmem:v10+s10+$0x0] =	vst.idx.add.f32.msk $0xffff, v15  }
0x86: {  	s21 =	sand.u32 $0x7E00, s15;
	s18 =	sshra.s32 s15, $0x2;
	[tilespmem:v9+s10+$0x0] =	vst.idx.add.f32.msk $0xffff, v6  }
0x87: {  	s20 =	sor.u32 s20, s21;
	v14 =	vld [tilespmem:s18+$0x10000];
	s18 =	sor.u32 s19, s21;
	s19 =	sor.u32 s22, s21;
	v15 =	vshll.u32 v11, $0x4  }
0x88: {  	s21 =	sor.u32 s16, s21;
	v9 =	vshll.u32 v12, $0x4;
	v17 =	vld [tilespmem:s20+$0x0];
	v18 =	vor.u32 v0, v15  }
0x89: {  	v19 =	vld [tilespmem:s18+$0x0];
	v20 =	vor.u32 v0, v9;
	v21 =	vadd.s32 v3, v9;
	v13 =	vshll.u32 v13, $0x4  }
0x8a: {  	v11 =	vadd.s32 v4, v9;
	v22 =	vld [tilespmem:s19+$0x0];
	v23 =	vor.u32 v0, v13;
	v24 =	vadd.s32 v3, v13  }
0x8b: {  	v12 =	vadd.s32 v5, v9;
	v10 =	vadd.s32 v4, v13;
	v9 =	vadd.s32 v5, v13;
	v25 =	vld [tilespmem:s21+$0x0]  }
0x8c: {  	v13 =	vshll.u32 v14, $0x4;
	[tilespmem:v8+s10+$0x0] =	vst.idx.add.f32.msk $0xffff, v16  }
0x8d: {  	v14 =	vor.u32 v0, v13;
	v16 =	vadd.s32 v3, v13;
	[tilespmem:v18+s10+$0x0] =	vst.idx.add.f32.msk $0xffff, v17  }
0x8e: {  	p0 =	por !p0, !p0;
	s16 =	simm.s32 $0x1;
	v8 =	vadd.s32 v4, v13;
	v13 =	vadd.s32 v5, v13;
	v18 =	vadd.s32 v3, v15;
	v17 =	vld [tilespmem:s20+$0x80]  }
0x8f: {  	s16 =	simm.s32 @!p0 $0x0;
	[tilespmem:v20+s10+$0x0] =	vst.idx.add.f32.msk $0xffff, v19  }
0x90: {  	s16 =	sshll.u32 s16, $0x6;
	[tilespmem:v23+s10+$0x0] =	vst.idx.add.f32.msk $0xffff, v22  }
0x91: {  	s16 =	sadd.s32 s16, s15;
	v19 =	vld [tilespmem:s18+$0x80]  }
0x92: {  	s22 =	sadd.s32 $0x30, s16;
	s20 =	sadd.s32 $0x20, s16;
	s18 =	sadd.s32 $0x10, s16;
	[tilespmem:v14+s10+$0x0] =	vst.idx.add.f32.msk $0xffff, v25  }
0x93: {  	s22 =	sor.u32 $0x100, s22;
	s20 =	sor.u32 $0x100, s20;
	s18 =	sor.u32 $0x100, s18;
	[tilespmem:v18+s10+$0x0] =	vst.idx.add.f32.msk $0xffff, v17  }
0x94: {  	s16 =	sor.u32 $0x100, s16;
	v18 =	vadd.s32 v4, v15;
	v17 =	vld [tilespmem:s22+$0x0]  }
0x95: {  	v15 =	vadd.s32 v5, v15;
	v20 =	vld [tilespmem:s19+$0x80]  }
0x96: {  	v22 =	vld [tilespmem:s21+$0x80]  }
0x97: {  	[tilespmem:v21+s10+$0x0] =	vst.idx.add.f32.msk $0xffff, v19  }
0x98: {  	v14 =	vld [tilespmem:s18+$0x0]  }
.Ltmp1:
0x99: {  	[tilespmem:v18+s10+$0x0] =	vst.idx.add.f32.msk $0xffff, v17;
	(pc) =	sbr.rel @p1 .LBB2_4-.Ltmp1, $4  }
0x9a: {  	[tilespmem:v15+s10+$0x0] =	vst.idx.add.f32.msk $0xffff, v6  }
0x9b: {  	[tilespmem:v24+s10+$0x0] =	vst.idx.add.f32.msk $0xffff, v20  }
0x9c: {  	[tilespmem:v16+s10+$0x0] =	vst.idx.add.f32.msk $0xffff, v22  }
0x9d: {  	v15 =	vld [tilespmem:s20+$0x0]  }
0x9e: {  	_ =	sdelay $0x2  }
0x9f: {  	v16 =	vld [tilespmem:s16+$0x0]  }
0xa0: {  	[tilespmem:v11+s10+$0x0] =	vst.idx.add.f32.msk $0xffff, v14  }
0xa1: {  	[tilespmem:v7+s10+$0x0] =	vst.idx.add.f32.msk $0xffff, v6  }
0xa2: {  	[tilespmem:v12+s10+$0x0] =	vst.idx.add.f32.msk $0xffff, v6  }
0xa3: {  	[tilespmem:v10+s10+$0x0] =	vst.idx.add.f32.msk $0xffff, v15  }
0xa4: {  	[tilespmem:v9+s10+$0x0] =	vst.idx.add.f32.msk $0xffff, v6  }
0xa5: {  	[tilespmem:v8+s10+$0x0] =	vst.idx.add.f32.msk $0xffff, v16  }
0xa6: {  	[tilespmem:v13+s10+$0x0] =	vst.idx.add.f32.msk $0xffff, v6  }
0xa7: {  	s15 =	simm.s32 $0x0;
	s14 =	rddreg [dreg:$0x6]  }
0xa8: {  	[tilespmem:s15], [sflag:$0x1] =	stream.linear.gather [hbm4b:s14+s15], $0x8000, $0x38;
	[tilespmem:$0x15000] =	vst v63  }
0xa9: {  	s24 =	rddreg [dreg:$0x16]  }
0xaa: {  	[tilespmem:s5], [sflag:$0x3] =	stream.linear.gather [hbm4b:s24+s15], $0x2000, $0x38;
	[tilespmem:$0x15000] =	vst v63  }
0xab: {  	_ =	swait.ge [sflag:s11], $0x8000  }
0xac: {  	[sflag:s11] =	ssyncset.done $0x0  }
0xad: {  	[sflag:s11] =	ssyncadd.s32 $0xFFFF8000  }
0xae: {  	_ =	swait.ge [sflag:s12], $0x2000  }
0xaf: {  	[sflag:s12] =	ssyncset.done $0x0  }
0xb0: {  	s25 =	simm.s32 $0x0;
	s14 =	simm.s32 $0x0;
	[sflag:s12] =	ssyncadd.s32 $0xFFFFE000  }
0xb1: {  	s26 =	sand.u32 $0x40, s14;
	s18 =	sand.u32 $0x1F80, s14;
	v7 =	vld [tilespmem:s25+$0x12000]  }
0xb2: {  	s19 =	sor.u32 $0x10, s26;
	s18 =	sor.u32 $0x12000, s18  }
0xb3: {  	s21 =	sor.u32 $0x20, s26;
	s20 =	sor.u32 s19, s18  }
0xb4: {  	s15 =	sand.u32 $0x7E00, s15;
	s16 =	sor.u32 $0x30, s26;
	s22 =	sor.u32 s21, s18;
	v8 =	vld [tilespmem:s20+$0x0]  }
0xb5: {  	s15 =	sor.u32 $0x8000, s15;
	s18 =	sor.u32 s16, s18;
	v9 =	vld [tilespmem:s22+$0x0]  }
0xb6: {  	s28 =	sor.u32 s26, s15;
	v13 =	vld [tilespmem:s18+$0x0];
	v10 =	vshll.u32 v7, $0x4  }
0xb7: {  	v11 =	vld [tilespmem:s28+$0x0];
	v12 =	vor.u32 v0, v10;
	_ =	sdelay $0x1  }
0xb8: {  	s19 =	sor.u32 s19, s15  }
0xb9: {  	s29 =	sor.u32 s21, s15;
	s15 =	sor.u32 s16, s15;
	v14 =	vld [tilespmem:s19+$0x0];
	v7 =	vshll.u32 v8, $0x4  }
0xba: {  	v8 =	vshll.u32 v9, $0x4;
	v9 =	vshll.u32 v13, $0x4;
	v13 =	vld [tilespmem:s15+$0x0];
	v16 =	vor.u32 v0, v7  }
0xbb: {  	v18 =	vor.u32 v0, v9;
	[tilespmem:v12+s10+$0x0] =	vst.idx.add.f32.msk $0xffff, v11  }
0xbc: {  	v17 =	vadd.s32 v3, v10;
	v12 =	vld [tilespmem:s28+$0x80]  }
0xbd: {  	p0 =	por $0x0, $0x0;
	s16 =	simm.s32 $0x1  }
0xbe: {  	s16 =	simm.s32 @!p0 $0x0;
	v15 =	vld [tilespmem:s29+$0x0]  }
0xbf: {  	s16 =	sshll.u32 s16, $0x6;
	v11 =	vor.u32 v0, v8;
	[tilespmem:v16+s10+$0x0] =	vst.idx.add.f32.msk $0xffff, v14  }
0xc0: {  	s20 =	sadd.s32 $0x0, s16;
	[tilespmem:v18+s10+$0x0] =	vst.idx.add.f32.msk $0xffff, v13  }
0xc1: {  	s16 =	sor.u32 $0x100, s20;
	[tilespmem:v17+s10+$0x0] =	vst.idx.add.f32.msk $0xffff, v12  }
0xc2: {  	v19 =	vadd.s32 v4, v10;
	v17 =	vld [tilespmem:s16+$0x8000]  }
0xc3: {  	v10 =	vadd.s32 v5, v10;
	v14 =	vld [tilespmem:s19+$0x80]  }
0xc4: {  	[tilespmem:v11+s10+$0x0] =	vst.idx.add.f32.msk $0xffff, v15;
	v15 =	vadd.s32 v3, v7  }
0xc5: {  	v16 =	vadd.s32 v3, v8;
	v13 =	vld [tilespmem:s29+$0x80]  }
0xc6: {  	p0 =	por !p0, !p0;
	v11 =	vld [tilespmem:s15+$0x80];
	v12 =	vadd.s32 v3, v9  }
0xc7: {  	s23 =	sadd.s32 $0x10, s20;
	s19 =	sadd.s32 $0x30, s20;
	s15 =	simm.s32 $0x100;
	[tilespmem:v19+s10+$0x0] =	vst.idx.add.f32.msk $0xffff, v17  }
.LBB2_6:
0xc8: {  	s14 =	sadd.s32 $0x40, s14;
	s24 =	sshra.s32 s15, $0x2;
	s16 =	sand.u32 $0x7E00, s15;
	[tilespmem:v10+s10+$0x0] =	vst.idx.add.f32.msk $0xffff, v6  }
0xc9: {  	s25 =	sand.u32 $0x40, s14;
	s21 =	sor.u32 $0x8000, s16;
	s16 =	sand.u32 $0x1F80, s14;
	[tilespmem:v15+s10+$0x0] =	vst.idx.add.f32.msk $0xffff, v14  }
0xca: {  	s18 =	sor.u32 $0x10, s25;
	s26 =	sor.u32 $0x12000, s16;
	s22 =	sor.u32 $0x30, s25;
	[tilespmem:v16+s10+$0x0] =	vst.idx.add.f32.msk $0xffff, v13  }
0xcb: {  	s28 =	sor.u32 s18, s26;
	s16 =	sor.u32 s18, s21;
	s18 =	sor.u32 $0x20, s25;
	[tilespmem:v12+s10+$0x0] =	vst.idx.add.f32.msk $0xffff, v11  }
0xcc: {  	v10 =	vld [tilespmem:s16+$0x0];
	s29 =	sor.u32 s18, s26;
	s18 =	sor.u32 s18, s21;
	s26 =	sor.u32 s22, s26  }
0xcd: {  	s23 =	sor.u32 $0x100, s23;
	s20 =	sadd.s32 $0x20, s20;
	p1 =	slt.u32 s14, $0x1FC0;
	v11 =	vld [tilespmem:s18+$0x0]  }
0xce: {  	s20 =	sor.u32 $0x100, s20;
	s25 =	sor.u32 s25, s21;
	v12 =	vld [tilespmem:s23+$0x8000]  }
0xcf: {  	v13 =	vadd.s32 v4, v7;
	v14 =	vld [tilespmem:s20+$0x8000]  }
0xd0: {  	v15 =	vld [tilespmem:s24+$0x12000]  }
0xd1: {  	v17 =	vadd.s32 v4, v8;
	s19 =	sor.u32 $0x100, s19;
	v16 =	vld [tilespmem:s25+$0x0]  }
0xd2: {  	v18 =	vld [tilespmem:s19+$0x8000]  }
0xd3: {  	v8 =	vadd.s32 v5, v8;
	v19 =	vld [tilespmem:s28+$0x0]  }
0xd4: {  	[tilespmem:v13+s10+$0x0] =	vst.idx.add.f32.msk $0xffff, v12;
	v12 =	vadd.s32 v4, v9  }
0xd5: {  	v9 =	vadd.s32 v5, v9;
	v13 =	vshll.u32 v15, $0x4;
	v15 =	vld [tilespmem:s29+$0x0]  }
0xd6: {  	v20 =	vor.u32 v0, v13;
	[tilespmem:v17+s10+$0x0] =	vst.idx.add.f32.msk $0xffff, v14  }
0xd7: {  	v17 =	vadd.s32 v5, v7;
	v14 =	vld [tilespmem:s26+$0x0]  }
0xd8: {  	[tilespmem:v8+s10+$0x0] =	vst.idx.add.f32.msk $0xffff, v6  }
0xd9: {  	v7 =	vshll.u32 v19, $0x4;
	[tilespmem:v12+s10+$0x0] =	vst.idx.add.f32.msk $0xffff, v18  }
0xda: {  	v12 =	vor.u32 v0, v7;
	v8 =	vshll.u32 v15, $0x4;
	[tilespmem:v9+s10+$0x0] =	vst.idx.add.f32.msk $0xffff, v6  }
0xdb: {  	[tilespmem:v20+s10+$0x0] =	vst.idx.add.f32.msk $0xffff, v16;
	v15 =	vor.u32 v0, v8  }
0xdc: {  	v18 =	vadd.s32 v3, v13;
	v16 =	vld [tilespmem:s25+$0x80]  }
0xdd: {  	s21 =	sor.u32 s22, s21;
	s19 =	simm.s32 $0x1;
	v9 =	vshll.u32 v14, $0x4;
	[tilespmem:v17+s10+$0x0] =	vst.idx.add.f32.msk $0xffff, v6  }
0xde: {  	s19 =	simm.s32 @!p0 $0x0;
	v17 =	vor.u32 v0, v9;
	v14 =	vld [tilespmem:s21+$0x0]  }
0xdf: {  	s19 =	sshll.u32 s19, $0x6;
	[tilespmem:v12+s10+$0x0] =	vst.idx.add.f32.msk $0xffff, v10  }
0xe0: {  	s20 =	sadd.s32 s19, s15;
	[tilespmem:v15+s10+$0x0] =	vst.idx.add.f32.msk $0xffff, v11  }
0xe1: {  	s22 =	sor.u32 $0x100, s20;
	s23 =	sadd.s32 $0x10, s20;
	s19 =	sadd.s32 $0x30, s20;
	[tilespmem:v18+s10+$0x0] =	vst.idx.add.f32.msk $0xffff, v16  }
0xe2: {  	v19 =	vadd.s32 v4, v13;
	v18 =	vld [tilespmem:s22+$0x8000]  }
.Ltmp2:
0xe3: {  	v10 =	vadd.s32 v5, v13;
	[tilespmem:v17+s10+$0x0] =	vst.idx.add.f32.msk $0xffff, v14;
	(pc) =	sbr.rel @p1 .LBB2_6-.Ltmp2, $4  }
0xe4: {  	v15 =	vadd.s32 v3, v7;
	v14 =	vld [tilespmem:s16+$0x80]  }
0xe5: {  	v16 =	vadd.s32 v3, v8;
	v13 =	vld [tilespmem:s18+$0x80]  }
0xe6: {  	v12 =	vadd.s32 v3, v9;
	v11 =	vld [tilespmem:s21+$0x80]  }
0xe7: {  	p0 =	por !p0, !p0;
	s15 =	sadd.s32 $0x100, s15;
	[tilespmem:v19+s10+$0x0] =	vst.idx.add.f32.msk $0xffff, v18  }
0xe8: {  	_ =	sdelay $0x3  }
0xe9: {  	[tilespmem:v15+s10+$0x0] =	vst.idx.add.f32.msk $0xffff, v14  }
0xea: {  	s14 =	sor.u32 $0x100, s23;
	s15 =	sadd.s32 $0x20, s20;
	[tilespmem:v16+s10+$0x0] =	vst.idx.add.f32.msk $0xffff, v13  }
0xeb: {  	s26 =	sor.u32 $0x100, s15;
	v14 =	vadd.s32 v4, v7;
	v13 =	vld [tilespmem:s14+$0x8000]  }
0xec: {  	v16 =	vadd.s32 v4, v8;
	v15 =	vld [tilespmem:s26+$0x8000]  }
0xed: {  	[tilespmem:v10+s10+$0x0] =	vst.idx.add.f32.msk $0xffff, v6;
	v7 =	vadd.s32 v5, v7  }
0xee: {  	s28 =	sor.u32 $0x100, s19;
	v8 =	vadd.s32 v5, v8;
	[tilespmem:v12+s10+$0x0] =	vst.idx.add.f32.msk $0xffff, v11  }
0xef: {  	v12 =	vadd.s32 v4, v9;
	v11 =	vld [tilespmem:s28+$0x8000]  }
0xf0: {  	v9 =	vadd.s32 v5, v9;
	[tilespmem:v14+s10+$0x0] =	vst.idx.add.f32.msk $0xffff, v13  }
0xf1: {  	[tilespmem:v16+s10+$0x0] =	vst.idx.add.f32.msk $0xffff, v15  }
0xf2: {  	[tilespmem:v7+s10+$0x0] =	vst.idx.add.f32.msk $0xffff, v6  }
0xf3: {  	[tilespmem:v8+s10+$0x0] =	vst.idx.add.f32.msk $0xffff, v6  }
0xf4: {  	[tilespmem:v12+s10+$0x0] =	vst.idx.add.f32.msk $0xffff, v11  }
0xf5: {  	[tilespmem:v9+s10+$0x0] =	vst.idx.add.f32.msk $0xffff, v6  }
0xf6: {  	s29 =	simm.s32 $0x0;
	s19 =	rddreg [dreg:$0x7]  }
0xf7: {  	[tilespmem:s6], [sflag:$0x2] =	stream.linear.gather [hbm4b:s19+s29], $0x8000, $0x38;
	[tilespmem:$0x15000] =	vst v63  }
0xf8: {  	s20 =	rddreg [dreg:$0x17]  }
0xf9: {  	[tilespmem:s7], [sflag:$0x4] =	stream.linear.gather [hbm4b:s20+s29], $0x2000, $0x38;
	[tilespmem:$0x15000] =	vst v63  }
0xfa: {  	_ =	swait.ge [sflag:s8], $0x8000  }
0xfb: {  	[sflag:s8] =	ssyncset.done $0x0  }
0xfc: {  	s21 =	simm.s32 $0x0;
	[sflag:s8] =	ssyncadd.s32 $0xFFFF8000  }
0xfd: {  	s16 =	sand.u32 $0x40, s21;
	s15 =	sand.u32 $0x1F80, s21;
	_ =	swait.ge [sflag:s9], $0x2000  }
0xfe: {  	s15 =	sor.u32 $0x10000, s15;
	s18 =	sor.u32 $0x30, s16;
	[sflag:s9] =	ssyncset.done $0x0  }
0xff: {  	s23 =	sor.u32 $0x10, s16;
	s22 =	sor.u32 s18, s15;
	[sflag:s9] =	ssyncadd.s32 $0xFFFFE000  }
0x100: {  	s24 =	sor.u32 s23, s15;
	v7 =	vld [tilespmem:s22+$0x0]  }
0x101: {  	s21 =	sor.u32 $0x20, s16;
	v8 =	vld [tilespmem:s24+$0x0]  }
0x102: {  	s15 =	sor.u32 s21, s15  }
0x103: {  	s25 =	simm.s32 $0x0;
	v9 =	vld [tilespmem:s15+$0x0]  }
0x104: {  	s14 =	sand.u32 $0x7E00, s29;
	v10 =	vld [tilespmem:s25+$0x10000]  }
0x105: {  	s26 =	sor.u32 s18, s14;
	v7 =	vshll.u32 v7, $0x4  }
0x106: {  	s28 =	sor.u32 s23, s14;
	v11 =	vld [tilespmem:s26+$0x0];
	v8 =	vshll.u32 v8, $0x4;
	v12 =	vor.u32 v0, v7  }
0x107: {  	v13 =	vld [tilespmem:s28+$0x0];
	v14 =	vor.u32 v0, v8  }
0x108: {  	s29 =	sor.u32 s21, s14;
	v9 =	vshll.u32 v9, $0x4  }
0x109: {  	s14 =	sor.u32 s16, s14;
	v15 =	vld [tilespmem:s29+$0x0];
	v10 =	vshll.u32 v10, $0x4;
	v16 =	vor.u32 v0, v9  }
0x10a: {  	v17 =	vld [tilespmem:s14+$0x0];
	v18 =	vor.u32 v0, v10  }
0x10b: {  	[tilespmem:v12+s10+$0x0] =	vst.idx.add.f32.msk $0xffff, v11  }
0x10c: {  	[tilespmem:v14+s10+$0x0] =	vst.idx.add.f32.msk $0xffff, v13  }
0x10d: {  	p0 =	por $0x0, $0x0;
	s15 =	simm.s32 $0x1;
	v12 =	vadd.s32 v3, v7;
	v11 =	vld [tilespmem:s26+$0x80]  }
0x10e: {  	s15 =	simm.s32 @!p0 $0x0;
	[tilespmem:v16+s10+$0x0] =	vst.idx.add.f32.msk $0xffff, v15  }
0x10f: {  	s15 =	sshll.u32 s15, $0x6;
	[tilespmem:v18+s10+$0x0] =	vst.idx.add.f32.msk $0xffff, v17  }
0x110: {  	s15 =	sadd.s32 $0x0, s15;
	v14 =	vadd.s32 v3, v8;
	v13 =	vld [tilespmem:s28+$0x80]  }
0x111: {  	s18 =	sadd.s32 $0x30, s15;
	v16 =	vadd.s32 v3, v9;
	v15 =	vld [tilespmem:s29+$0x80]  }
0x112: {  	s16 =	sor.u32 $0x100, s18;
	[tilespmem:v12+s10+$0x0] =	vst.idx.add.f32.msk $0xffff, v11  }
0x113: {  	v12 =	vadd.s32 v4, v7;
	v11 =	vld [tilespmem:s16+$0x0]  }
0x114: {  	v17 =	vld [tilespmem:s14+$0x80];
	v7 =	vadd.s32 v5, v7  }
0x115: {  	s19 =	sadd.s32 $0x10, s15;
	[tilespmem:v14+s10+$0x0] =	vst.idx.add.f32.msk $0xffff, v13  }
0x116: {  	s20 =	sor.u32 $0x100, s19;
	v61 =	vadd.s32 v3, v10;
	[tilespmem:v16+s10+$0x0] =	vst.idx.add.f32.msk $0xffff, v15  }
0x117: {  	v13 =	vld [tilespmem:s20+$0x0]  }
0x118: {  	s21 =	sadd.s32 $0x20, s15;
	[tilespmem:v12+s10+$0x0] =	vst.idx.add.f32.msk $0xffff, v11;
	v11 =	vadd.s32 v4, v8  }
0x119: {  	s14 =	sor.u32 $0x100, s21;
	[tilespmem:v7+s10+$0x0] =	vst.idx.add.f32.msk $0xffff, v6  }
0x11a: {  	v7 =	vadd.s32 v5, v8;
	v8 =	vld [tilespmem:s14+$0x0];
	s14 =	simm.s32 $0x40  }
0x11b: {  	s15 =	sor.u32 $0x100, s15;
	[tilespmem:v61+s10+$0x0] =	vst.idx.add.f32.msk $0xffff, v17;
	s16 =	sand.u32 $0x40, s14;
	s22 =	sand.u32 $0x1F80, s14  }
0x11c: {  	v12 =	vld [tilespmem:s15+$0x0];
	s15 =	sor.u32 $0x10000, s22;
	s24 =	sor.u32 $0x10, s16  }
0x11d: {  	v14 =	vadd.s32 v4, v9;
	s26 =	sor.u32 s24, s15;
	[tilespmem:v11+s10+$0x0] =	vst.idx.add.f32.msk $0xffff, v13  }
0x11e: {  	v9 =	vadd.s32 v5, v9;
	s23 =	sor.u32 $0x30, s16;
	v11 =	vld [tilespmem:s26+$0x0]  }
0x11f: {  	s22 =	sor.u32 $0x20, s16;
	s25 =	sor.u32 s23, s15;
	[tilespmem:v7+s10+$0x0] =	vst.idx.add.f32.msk $0xffff, v6  }
0x120: {  	s15 =	sor.u32 s22, s15;
	v7 =	vld [tilespmem:s25+$0x0]  }
0x121: {  	v13 =	vld [tilespmem:s15+$0x0]  }
0x122: {  	s15 =	simm.s32 $0x100;
	[tilespmem:v14+s10+$0x0] =	vst.idx.add.f32.msk $0xffff, v8  }
0x123: {  	s28 =	simm.s32 $0x40;
	s29 =	sand.u32 $0x7E00, s15;
	[tilespmem:v9+s10+$0x0] =	vst.idx.add.f32.msk $0xffff, v6  }
0x124: {  	v8 =	vadd.s32 v4, v10;
	v9 =	vld [tilespmem:s28+$0x10000];
	s19 =	sor.u32 s24, s29;
	v16 =	vshll.u32 v11, $0x4  }
0x125: {  	s18 =	sor.u32 s23, s29;
	v11 =	vld [tilespmem:s19+$0x0];
	v7 =	vshll.u32 v7, $0x4;
	v17 =	vor.u32 v0, v16  }
0x126: {  	s23 =	sor.u32 s22, s29;
	v14 =	vld [tilespmem:s18+$0x0];
	v15 =	vor.u32 v0, v7  }
0x127: {  	s16 =	sor.u32 s16, s29;
	v62 =	vld [tilespmem:s23+$0x0];
	v13 =	vshll.u32 v13, $0x4  }
0x128: {  	v20 =	vld [tilespmem:s16+$0x0];
	v19 =	vor.u32 v0, v13  }
0x129: {  	[tilespmem:v8+s10+$0x0] =	vst.idx.add.f32.msk $0xffff, v12;
	v21 =	vshll.u32 v9, $0x4  }
0x12a: {  	v8 =	vor.u32 v0, v21;
	[tilespmem:v17+s10+$0x0] =	vst.idx.add.f32.msk $0xffff, v11  }
0x12b: {  	[tilespmem:v15+s10+$0x0] =	vst.idx.add.f32.msk $0xffff, v14  }
0x12c: {  	v12 =	vadd.s32 v3, v7;
	v9 =	vld [tilespmem:s18+$0x80]  }
0x12d: {  	p0 =	por !p0, !p0;
	[tilespmem:v19+s10+$0x0] =	vst.idx.add.f32.msk $0xffff, v62;
	s18 =	simm.s32 $0x1  }
0x12e: {  	v11 =	vld [tilespmem:s19+$0x80];
	s18 =	simm.s32 @!p0 $0x0  }
0x12f: {  	v14 =	vadd.s32 v3, v16;
	[tilespmem:v8+s10+$0x0] =	vst.idx.add.f32.msk $0xffff, v20;
	s18 =	sshll.u32 s18, $0x6  }
0x130: {  	v17 =	vld [tilespmem:s16+$0x80];
	s18 =	sadd.s32 $0x100, s18  }
0x131: {  	v63 =	vadd.s32 v3, v21;
	s24 =	sadd.s32 $0x30, s18;
	[tilespmem:v12+s10+$0x0] =	vst.idx.add.f32.msk $0xffff, v9  }
0x132: {  	v15 =	vadd.s32 v3, v13;
	s19 =	sor.u32 $0x100, s24;
	v12 =	vld [tilespmem:s23+$0x80]  }
0x133: {  	s25 =	sadd.s32 $0x10, s18;
	v9 =	vadd.s32 v4, v7;
	v8 =	vld [tilespmem:s19+$0x0]  }
0x134: {  	[tilespmem:v14+s10+$0x0] =	vst.idx.add.f32.msk $0xffff, v11;
	v7 =	vadd.s32 v5, v7;
	s26 =	sor.u32 $0x100, s25  }
0x135: {  	v14 =	vld [tilespmem:s26+$0x0]  }
0x136: {  	[tilespmem:v63+s10+$0x0] =	vst.idx.add.f32.msk $0xffff, v17  }
0x137: {  	v11 =	vadd.s32 v4, v16;
	[tilespmem:v15+s10+$0x0] =	vst.idx.add.f32.msk $0xffff, v12  }
0x138: {  	s28 =	sadd.s32 $0x20, s18;
	v12 =	vadd.s32 v5, v16;
	[tilespmem:v9+s10+$0x0] =	vst.idx.add.f32.msk $0xffff, v8  }
0x139: {  	s29 =	sor.u32 $0x100, s28;
	v9 =	vadd.s32 v5, v13;
	[tilespmem:v7+s10+$0x0] =	vst.idx.add.f32.msk $0xffff, v6;
	v7 =	vadd.s32 v5, v10  }
0x13a: {  	s16 =	sor.u32 $0x100, s18;
	v8 =	vadd.s32 v4, v21;
	v15 =	vld [tilespmem:s29+$0x0];
	v10 =	vadd.s32 v4, v13;
	v13 =	vadd.s32 v5, v21  }
.LBB2_8:
0x13b: {  	s14 =	sadd.s32 $0x40, s14;
	v16 =	vld [tilespmem:s16+$0x0]  }
0x13c: {  	s16 =	sand.u32 $0x40, s14;
	s18 =	sand.u32 $0x1F80, s14;
	p1 =	slt.u32 s14, $0x1FC0;
	[tilespmem:v11+s10+$0x0] =	vst.idx.add.f32.msk $0xffff, v14  }
0x13d: {  	s19 =	sor.u32 $0x10, s16;
	s18 =	sor.u32 $0x10000, s18;
	s20 =	sor.u32 $0x30, s16;
	[tilespmem:v12+s10+$0x0] =	vst.idx.add.f32.msk $0xffff, v6  }
0x13e: {  	s22 =	sor.u32 $0x20, s16;
	s21 =	sor.u32 s19, s18;
	s23 =	sor.u32 s20, s18;
	[tilespmem:v7+s10+$0x0] =	vst.idx.add.f32.msk $0xffff, v6;
	v7 =	vmov v13  }
0x13f: {  	s18 =	sor.u32 s22, s18;
	v11 =	vld [tilespmem:s23+$0x0]  }
0x140: {  	v12 =	vld [tilespmem:s21+$0x0]  }
0x141: {  	v13 =	vld [tilespmem:s18+$0x0]  }
0x142: {  	s15 =	sadd.s32 $0x100, s15;
	[tilespmem:v10+s10+$0x0] =	vst.idx.add.f32.msk $0xffff, v15  }
0x143: {  	s21 =	sand.u32 $0x7E00, s15;
	s18 =	sshra.s32 s15, $0x2;
	[tilespmem:v9+s10+$0x0] =	vst.idx.add.f32.msk $0xffff, v6  }
0x144: {  	s20 =	sor.u32 s20, s21;
	v14 =	vld [tilespmem:s18+$0x10000];
	s18 =	sor.u32 s19, s21;
	s19 =	sor.u32 s22, s21;
	v15 =	vshll.u32 v11, $0x4  }
0x145: {  	s21 =	sor.u32 s16, s21;
	v9 =	vshll.u32 v12, $0x4;
	v17 =	vld [tilespmem:s20+$0x0];
	v18 =	vor.u32 v0, v15  }
0x146: {  	v19 =	vld [tilespmem:s18+$0x0];
	v20 =	vor.u32 v0, v9;
	v21 =	vadd.s32 v3, v9;
	v13 =	vshll.u32 v13, $0x4  }
0x147: {  	v11 =	vadd.s32 v4, v9;
	v22 =	vld [tilespmem:s19+$0x0];
	v23 =	vor.u32 v0, v13;
	v24 =	vadd.s32 v3, v13  }
0x148: {  	v12 =	vadd.s32 v5, v9;
	v10 =	vadd.s32 v4, v13;
	v9 =	vadd.s32 v5, v13;
	v25 =	vld [tilespmem:s21+$0x0]  }
0x149: {  	v13 =	vshll.u32 v14, $0x4;
	[tilespmem:v8+s10+$0x0] =	vst.idx.add.f32.msk $0xffff, v16  }
0x14a: {  	v14 =	vor.u32 v0, v13;
	v16 =	vadd.s32 v3, v13;
	[tilespmem:v18+s10+$0x0] =	vst.idx.add.f32.msk $0xffff, v17  }
0x14b: {  	p0 =	por !p0, !p0;
	s16 =	simm.s32 $0x1;
	v8 =	vadd.s32 v4, v13;
	v13 =	vadd.s32 v5, v13;
	v18 =	vadd.s32 v3, v15;
	v17 =	vld [tilespmem:s20+$0x80]  }
0x14c: {  	s16 =	simm.s32 @!p0 $0x0;
	[tilespmem:v20+s10+$0x0] =	vst.idx.add.f32.msk $0xffff, v19  }
0x14d: {  	s16 =	sshll.u32 s16, $0x6;
	[tilespmem:v23+s10+$0x0] =	vst.idx.add.f32.msk $0xffff, v22  }
0x14e: {  	s16 =	sadd.s32 s16, s15;
	v19 =	vld [tilespmem:s18+$0x80]  }
0x14f: {  	s22 =	sadd.s32 $0x30, s16;
	s20 =	sadd.s32 $0x20, s16;
	s18 =	sadd.s32 $0x10, s16;
	[tilespmem:v14+s10+$0x0] =	vst.idx.add.f32.msk $0xffff, v25  }
0x150: {  	s22 =	sor.u32 $0x100, s22;
	s20 =	sor.u32 $0x100, s20;
	s18 =	sor.u32 $0x100, s18;
	[tilespmem:v18+s10+$0x0] =	vst.idx.add.f32.msk $0xffff, v17  }
0x151: {  	s16 =	sor.u32 $0x100, s16;
	v18 =	vadd.s32 v4, v15;
	v17 =	vld [tilespmem:s22+$0x0]  }
0x152: {  	v15 =	vadd.s32 v5, v15;
	v20 =	vld [tilespmem:s19+$0x80]  }
0x153: {  	v22 =	vld [tilespmem:s21+$0x80]  }
0x154: {  	[tilespmem:v21+s10+$0x0] =	vst.idx.add.f32.msk $0xffff, v19  }
0x155: {  	v14 =	vld [tilespmem:s18+$0x0]  }
.Ltmp3:
0x156: {  	[tilespmem:v18+s10+$0x0] =	vst.idx.add.f32.msk $0xffff, v17;
	(pc) =	sbr.rel @p1 .LBB2_8-.Ltmp3, $4  }
0x157: {  	[tilespmem:v15+s10+$0x0] =	vst.idx.add.f32.msk $0xffff, v6  }
0x158: {  	[tilespmem:v24+s10+$0x0] =	vst.idx.add.f32.msk $0xffff, v20  }
0x159: {  	[tilespmem:v16+s10+$0x0] =	vst.idx.add.f32.msk $0xffff, v22  }
0x15a: {  	v15 =	vld [tilespmem:s20+$0x0]  }
0x15b: {  	_ =	sdelay $0x2  }
0x15c: {  	v16 =	vld [tilespmem:s16+$0x0]  }
0x15d: {  	[tilespmem:v11+s10+$0x0] =	vst.idx.add.f32.msk $0xffff, v14  }
0x15e: {  	[tilespmem:v7+s10+$0x0] =	vst.idx.add.f32.msk $0xffff, v6  }
0x15f: {  	[tilespmem:v12+s10+$0x0] =	vst.idx.add.f32.msk $0xffff, v6  }
0x160: {  	[tilespmem:v10+s10+$0x0] =	vst.idx.add.f32.msk $0xffff, v15  }
0x161: {  	[tilespmem:v9+s10+$0x0] =	vst.idx.add.f32.msk $0xffff, v6  }
0x162: {  	[tilespmem:v8+s10+$0x0] =	vst.idx.add.f32.msk $0xffff, v16  }
0x163: {  	[tilespmem:v13+s10+$0x0] =	vst.idx.add.f32.msk $0xffff, v6  }
0x164: {  	s15 =	simm.s32 $0x0;
	s14 =	rddreg [dreg:$0x8]  }
0x165: {  	[tilespmem:s15], [sflag:$0x1] =	stream.linear.gather [hbm4b:s14+s15], $0x8000, $0x38;
	[tilespmem:$0x15000] =	vst v63  }
0x166: {  	s24 =	rddreg [dreg:$0x18]  }
0x167: {  	[tilespmem:s5], [sflag:$0x3] =	stream.linear.gather [hbm4b:s24+s15], $0x2000, $0x38;
	[tilespmem:$0x15000] =	vst v63  }
0x168: {  	_ =	swait.ge [sflag:s11], $0x8000  }
0x169: {  	[sflag:s11] =	ssyncset.done $0x0  }
0x16a: {  	[sflag:s11] =	ssyncadd.s32 $0xFFFF8000  }
0x16b: {  	_ =	swait.ge [sflag:s12], $0x2000  }
0x16c: {  	[sflag:s12] =	ssyncset.done $0x0  }
0x16d: {  	s25 =	simm.s32 $0x0;
	s14 =	simm.s32 $0x0;
	[sflag:s12] =	ssyncadd.s32 $0xFFFFE000  }
0x16e: {  	s26 =	sand.u32 $0x40, s14;
	s18 =	sand.u32 $0x1F80, s14;
	v7 =	vld [tilespmem:s25+$0x12000]  }
0x16f: {  	s19 =	sor.u32 $0x10, s26;
	s18 =	sor.u32 $0x12000, s18  }
0x170: {  	s21 =	sor.u32 $0x20, s26;
	s20 =	sor.u32 s19, s18  }
0x171: {  	s15 =	sand.u32 $0x7E00, s15;
	s16 =	sor.u32 $0x30, s26;
	s22 =	sor.u32 s21, s18;
	v8 =	vld [tilespmem:s20+$0x0]  }
0x172: {  	s15 =	sor.u32 $0x8000, s15;
	s18 =	sor.u32 s16, s18;
	v9 =	vld [tilespmem:s22+$0x0]  }
0x173: {  	s28 =	sor.u32 s26, s15;
	v13 =	vld [tilespmem:s18+$0x0];
	v10 =	vshll.u32 v7, $0x4  }
0x174: {  	v11 =	vld [tilespmem:s28+$0x0];
	v12 =	vor.u32 v0, v10;
	_ =	sdelay $0x1  }
0x175: {  	s19 =	sor.u32 s19, s15  }
0x176: {  	s29 =	sor.u32 s21, s15;
	s15 =	sor.u32 s16, s15;
	v14 =	vld [tilespmem:s19+$0x0];
	v7 =	vshll.u32 v8, $0x4  }
0x177: {  	v8 =	vshll.u32 v9, $0x4;
	v9 =	vshll.u32 v13, $0x4;
	v13 =	vld [tilespmem:s15+$0x0];
	v16 =	vor.u32 v0, v7  }
0x178: {  	v18 =	vor.u32 v0, v9;
	[tilespmem:v12+s10+$0x0] =	vst.idx.add.f32.msk $0xffff, v11  }
0x179: {  	v17 =	vadd.s32 v3, v10;
	v12 =	vld [tilespmem:s28+$0x80]  }
0x17a: {  	p0 =	por $0x0, $0x0;
	s16 =	simm.s32 $0x1  }
0x17b: {  	s16 =	simm.s32 @!p0 $0x0;
	v15 =	vld [tilespmem:s29+$0x0]  }
0x17c: {  	s16 =	sshll.u32 s16, $0x6;
	v11 =	vor.u32 v0, v8;
	[tilespmem:v16+s10+$0x0] =	vst.idx.add.f32.msk $0xffff, v14  }
0x17d: {  	s20 =	sadd.s32 $0x0, s16;
	[tilespmem:v18+s10+$0x0] =	vst.idx.add.f32.msk $0xffff, v13  }
0x17e: {  	s16 =	sor.u32 $0x100, s20;
	[tilespmem:v17+s10+$0x0] =	vst.idx.add.f32.msk $0xffff, v12  }
0x17f: {  	v19 =	vadd.s32 v4, v10;
	v17 =	vld [tilespmem:s16+$0x8000]  }
0x180: {  	v10 =	vadd.s32 v5, v10;
	v14 =	vld [tilespmem:s19+$0x80]  }
0x181: {  	[tilespmem:v11+s10+$0x0] =	vst.idx.add.f32.msk $0xffff, v15;
	v15 =	vadd.s32 v3, v7  }
0x182: {  	v16 =	vadd.s32 v3, v8;
	v13 =	vld [tilespmem:s29+$0x80]  }
0x183: {  	p0 =	por !p0, !p0;
	v11 =	vld [tilespmem:s15+$0x80];
	v12 =	vadd.s32 v3, v9  }
0x184: {  	s23 =	sadd.s32 $0x10, s20;
	s19 =	sadd.s32 $0x30, s20;
	s15 =	simm.s32 $0x100;
	[tilespmem:v19+s10+$0x0] =	vst.idx.add.f32.msk $0xffff, v17  }
.LBB2_10:
0x185: {  	s14 =	sadd.s32 $0x40, s14;
	s24 =	sshra.s32 s15, $0x2;
	s16 =	sand.u32 $0x7E00, s15;
	[tilespmem:v10+s10+$0x0] =	vst.idx.add.f32.msk $0xffff, v6  }
0x186: {  	s25 =	sand.u32 $0x40, s14;
	s21 =	sor.u32 $0x8000, s16;
	s16 =	sand.u32 $0x1F80, s14;
	[tilespmem:v15+s10+$0x0] =	vst.idx.add.f32.msk $0xffff, v14  }
0x187: {  	s18 =	sor.u32 $0x10, s25;
	s26 =	sor.u32 $0x12000, s16;
	s22 =	sor.u32 $0x30, s25;
	[tilespmem:v16+s10+$0x0] =	vst.idx.add.f32.msk $0xffff, v13  }
0x188: {  	s28 =	sor.u32 s18, s26;
	s16 =	sor.u32 s18, s21;
	s18 =	sor.u32 $0x20, s25;
	[tilespmem:v12+s10+$0x0] =	vst.idx.add.f32.msk $0xffff, v11  }
0x189: {  	v10 =	vld [tilespmem:s16+$0x0];
	s29 =	sor.u32 s18, s26;
	s18 =	sor.u32 s18, s21;
	s26 =	sor.u32 s22, s26  }
0x18a: {  	s23 =	sor.u32 $0x100, s23;
	s20 =	sadd.s32 $0x20, s20;
	p1 =	slt.u32 s14, $0x1FC0;
	v11 =	vld [tilespmem:s18+$0x0]  }
0x18b: {  	s20 =	sor.u32 $0x100, s20;
	s25 =	sor.u32 s25, s21;
	v12 =	vld [tilespmem:s23+$0x8000]  }
0x18c: {  	v13 =	vadd.s32 v4, v7;
	v14 =	vld [tilespmem:s20+$0x8000]  }
0x18d: {  	v15 =	vld [tilespmem:s24+$0x12000]  }
0x18e: {  	v17 =	vadd.s32 v4, v8;
	s19 =	sor.u32 $0x100, s19;
	v16 =	vld [tilespmem:s25+$0x0]  }
0x18f: {  	v18 =	vld [tilespmem:s19+$0x8000]  }
0x190: {  	v8 =	vadd.s32 v5, v8;
	v19 =	vld [tilespmem:s28+$0x0]  }
0x191: {  	[tilespmem:v13+s10+$0x0] =	vst.idx.add.f32.msk $0xffff, v12;
	v12 =	vadd.s32 v4, v9  }
0x192: {  	v9 =	vadd.s32 v5, v9;
	v13 =	vshll.u32 v15, $0x4;
	v15 =	vld [tilespmem:s29+$0x0]  }
0x193: {  	v20 =	vor.u32 v0, v13;
	[tilespmem:v17+s10+$0x0] =	vst.idx.add.f32.msk $0xffff, v14  }
0x194: {  	v17 =	vadd.s32 v5, v7;
	v14 =	vld [tilespmem:s26+$0x0]  }
0x195: {  	[tilespmem:v8+s10+$0x0] =	vst.idx.add.f32.msk $0xffff, v6  }
0x196: {  	v7 =	vshll.u32 v19, $0x4;
	[tilespmem:v12+s10+$0x0] =	vst.idx.add.f32.msk $0xffff, v18  }
0x197: {  	v12 =	vor.u32 v0, v7;
	v8 =	vshll.u32 v15, $0x4;
	[tilespmem:v9+s10+$0x0] =	vst.idx.add.f32.msk $0xffff, v6  }
0x198: {  	[tilespmem:v20+s10+$0x0] =	vst.idx.add.f32.msk $0xffff, v16;
	v15 =	vor.u32 v0, v8  }
0x199: {  	v18 =	vadd.s32 v3, v13;
	v16 =	vld [tilespmem:s25+$0x80]  }
0x19a: {  	s21 =	sor.u32 s22, s21;
	s19 =	simm.s32 $0x1;
	v9 =	vshll.u32 v14, $0x4;
	[tilespmem:v17+s10+$0x0] =	vst.idx.add.f32.msk $0xffff, v6  }
0x19b: {  	s19 =	simm.s32 @!p0 $0x0;
	v17 =	vor.u32 v0, v9;
	v14 =	vld [tilespmem:s21+$0x0]  }
0x19c: {  	s19 =	sshll.u32 s19, $0x6;
	[tilespmem:v12+s10+$0x0] =	vst.idx.add.f32.msk $0xffff, v10  }
0x19d: {  	s20 =	sadd.s32 s19, s15;
	[tilespmem:v15+s10+$0x0] =	vst.idx.add.f32.msk $0xffff, v11  }
0x19e: {  	s22 =	sor.u32 $0x100, s20;
	s23 =	sadd.s32 $0x10, s20;
	s19 =	sadd.s32 $0x30, s20;
	[tilespmem:v18+s10+$0x0] =	vst.idx.add.f32.msk $0xffff, v16  }
0x19f: {  	v19 =	vadd.s32 v4, v13;
	v18 =	vld [tilespmem:s22+$0x8000]  }
.Ltmp4:
0x1a0: {  	v10 =	vadd.s32 v5, v13;
	[tilespmem:v17+s10+$0x0] =	vst.idx.add.f32.msk $0xffff, v14;
	(pc) =	sbr.rel @p1 .LBB2_10-.Ltmp4, $4  }
0x1a1: {  	v15 =	vadd.s32 v3, v7;
	v14 =	vld [tilespmem:s16+$0x80]  }
0x1a2: {  	v16 =	vadd.s32 v3, v8;
	v13 =	vld [tilespmem:s18+$0x80]  }
0x1a3: {  	v12 =	vadd.s32 v3, v9;
	v11 =	vld [tilespmem:s21+$0x80]  }
0x1a4: {  	p0 =	por !p0, !p0;
	s15 =	sadd.s32 $0x100, s15;
	[tilespmem:v19+s10+$0x0] =	vst.idx.add.f32.msk $0xffff, v18  }
0x1a5: {  	_ =	sdelay $0x3  }
0x1a6: {  	[tilespmem:v15+s10+$0x0] =	vst.idx.add.f32.msk $0xffff, v14  }
0x1a7: {  	s14 =	sor.u32 $0x100, s23;
	s15 =	sadd.s32 $0x20, s20;
	[tilespmem:v16+s10+$0x0] =	vst.idx.add.f32.msk $0xffff, v13  }
0x1a8: {  	s26 =	sor.u32 $0x100, s15;
	v14 =	vadd.s32 v4, v7;
	v13 =	vld [tilespmem:s14+$0x8000]  }
0x1a9: {  	v16 =	vadd.s32 v4, v8;
	v15 =	vld [tilespmem:s26+$0x8000]  }
0x1aa: {  	[tilespmem:v10+s10+$0x0] =	vst.idx.add.f32.msk $0xffff, v6;
	v7 =	vadd.s32 v5, v7  }
0x1ab: {  	s28 =	sor.u32 $0x100, s19;
	v8 =	vadd.s32 v5, v8;
	[tilespmem:v12+s10+$0x0] =	vst.idx.add.f32.msk $0xffff, v11  }
0x1ac: {  	v12 =	vadd.s32 v4, v9;
	v11 =	vld [tilespmem:s28+$0x8000]  }
0x1ad: {  	v9 =	vadd.s32 v5, v9;
	[tilespmem:v14+s10+$0x0] =	vst.idx.add.f32.msk $0xffff, v13  }
0x1ae: {  	[tilespmem:v16+s10+$0x0] =	vst.idx.add.f32.msk $0xffff, v15  }
0x1af: {  	[tilespmem:v7+s10+$0x0] =	vst.idx.add.f32.msk $0xffff, v6  }
0x1b0: {  	[tilespmem:v8+s10+$0x0] =	vst.idx.add.f32.msk $0xffff, v6  }
0x1b1: {  	[tilespmem:v12+s10+$0x0] =	vst.idx.add.f32.msk $0xffff, v11  }
0x1b2: {  	[tilespmem:v9+s10+$0x0] =	vst.idx.add.f32.msk $0xffff, v6  }
0x1b3: {  	s29 =	simm.s32 $0x0;
	s19 =	rddreg [dreg:$0x9]  }
0x1b4: {  	[tilespmem:s6], [sflag:$0x2] =	stream.linear.gather [hbm4b:s19+s29], $0x8000, $0x38;
	[tilespmem:$0x15000] =	vst v63  }
0x1b5: {  	s20 =	rddreg [dreg:$0x19]  }
0x1b6: {  	[tilespmem:s7], [sflag:$0x4] =	stream.linear.gather [hbm4b:s20+s29], $0x2000, $0x38;
	[tilespmem:$0x15000] =	vst v63  }
0x1b7: {  	_ =	swait.ge [sflag:s8], $0x8000  }
0x1b8: {  	[sflag:s8] =	ssyncset.done $0x0  }
0x1b9: {  	s21 =	simm.s32 $0x0;
	[sflag:s8] =	ssyncadd.s32 $0xFFFF8000  }
0x1ba: {  	s16 =	sand.u32 $0x40, s21;
	s15 =	sand.u32 $0x1F80, s21;
	_ =	swait.ge [sflag:s9], $0x2000  }
0x1bb: {  	s15 =	sor.u32 $0x10000, s15;
	s18 =	sor.u32 $0x30, s16;
	[sflag:s9] =	ssyncset.done $0x0  }
0x1bc: {  	s23 =	sor.u32 $0x10, s16;
	s22 =	sor.u32 s18, s15;
	[sflag:s9] =	ssyncadd.s32 $0xFFFFE000  }
0x1bd: {  	s24 =	sor.u32 s23, s15;
	v7 =	vld [tilespmem:s22+$0x0]  }
0x1be: {  	s21 =	sor.u32 $0x20, s16;
	v8 =	vld [tilespmem:s24+$0x0]  }
0x1bf: {  	s15 =	sor.u32 s21, s15  }
0x1c0: {  	s25 =	simm.s32 $0x0;
	v9 =	vld [tilespmem:s15+$0x0]  }
0x1c1: {  	s14 =	sand.u32 $0x7E00, s29;
	v10 =	vld [tilespmem:s25+$0x10000]  }
0x1c2: {  	s26 =	sor.u32 s18, s14;
	v7 =	vshll.u32 v7, $0x4  }
0x1c3: {  	s28 =	sor.u32 s23, s14;
	v11 =	vld [tilespmem:s26+$0x0];
	v8 =	vshll.u32 v8, $0x4;
	v12 =	vor.u32 v0, v7  }
0x1c4: {  	v13 =	vld [tilespmem:s28+$0x0];
	v14 =	vor.u32 v0, v8  }
0x1c5: {  	s29 =	sor.u32 s21, s14;
	v9 =	vshll.u32 v9, $0x4  }
0x1c6: {  	s14 =	sor.u32 s16, s14;
	v15 =	vld [tilespmem:s29+$0x0];
	v10 =	vshll.u32 v10, $0x4;
	v16 =	vor.u32 v0, v9  }
0x1c7: {  	v17 =	vld [tilespmem:s14+$0x0];
	v18 =	vor.u32 v0, v10  }
0x1c8: {  	[tilespmem:v12+s10+$0x0] =	vst.idx.add.f32.msk $0xffff, v11  }
0x1c9: {  	[tilespmem:v14+s10+$0x0] =	vst.idx.add.f32.msk $0xffff, v13  }
0x1ca: {  	p0 =	por $0x0, $0x0;
	s15 =	simm.s32 $0x1;
	v12 =	vadd.s32 v3, v7;
	v11 =	vld [tilespmem:s26+$0x80]  }
0x1cb: {  	s15 =	simm.s32 @!p0 $0x0;
	[tilespmem:v16+s10+$0x0] =	vst.idx.add.f32.msk $0xffff, v15  }
0x1cc: {  	s15 =	sshll.u32 s15, $0x6;
	[tilespmem:v18+s10+$0x0] =	vst.idx.add.f32.msk $0xffff, v17  }
0x1cd: {  	s15 =	sadd.s32 $0x0, s15;
	v14 =	vadd.s32 v3, v8;
	v13 =	vld [tilespmem:s28+$0x80]  }
0x1ce: {  	s18 =	sadd.s32 $0x30, s15;
	v16 =	vadd.s32 v3, v9;
	v15 =	vld [tilespmem:s29+$0x80]  }
0x1cf: {  	s16 =	sor.u32 $0x100, s18;
	[tilespmem:v12+s10+$0x0] =	vst.idx.add.f32.msk $0xffff, v11  }
0x1d0: {  	v12 =	vadd.s32 v4, v7;
	v11 =	vld [tilespmem:s16+$0x0]  }
0x1d1: {  	v17 =	vld [tilespmem:s14+$0x80];
	v7 =	vadd.s32 v5, v7  }
0x1d2: {  	s19 =	sadd.s32 $0x10, s15;
	[tilespmem:v14+s10+$0x0] =	vst.idx.add.f32.msk $0xffff, v13  }
0x1d3: {  	s20 =	sor.u32 $0x100, s19;
	v61 =	vadd.s32 v3, v10;
	[tilespmem:v16+s10+$0x0] =	vst.idx.add.f32.msk $0xffff, v15  }
0x1d4: {  	v13 =	vld [tilespmem:s20+$0x0]  }
0x1d5: {  	s21 =	sadd.s32 $0x20, s15;
	[tilespmem:v12+s10+$0x0] =	vst.idx.add.f32.msk $0xffff, v11;
	v11 =	vadd.s32 v4, v8  }
0x1d6: {  	s14 =	sor.u32 $0x100, s21;
	[tilespmem:v7+s10+$0x0] =	vst.idx.add.f32.msk $0xffff, v6  }
0x1d7: {  	v7 =	vadd.s32 v5, v8;
	v8 =	vld [tilespmem:s14+$0x0];
	s14 =	simm.s32 $0x40  }
0x1d8: {  	s15 =	sor.u32 $0x100, s15;
	[tilespmem:v61+s10+$0x0] =	vst.idx.add.f32.msk $0xffff, v17;
	s16 =	sand.u32 $0x40, s14;
	s22 =	sand.u32 $0x1F80, s14  }
0x1d9: {  	v12 =	vld [tilespmem:s15+$0x0];
	s15 =	sor.u32 $0x10000, s22;
	s24 =	sor.u32 $0x10, s16  }
0x1da: {  	v14 =	vadd.s32 v4, v9;
	s26 =	sor.u32 s24, s15;
	[tilespmem:v11+s10+$0x0] =	vst.idx.add.f32.msk $0xffff, v13  }
0x1db: {  	v9 =	vadd.s32 v5, v9;
	s23 =	sor.u32 $0x30, s16;
	v11 =	vld [tilespmem:s26+$0x0]  }
0x1dc: {  	s22 =	sor.u32 $0x20, s16;
	s25 =	sor.u32 s23, s15;
	[tilespmem:v7+s10+$0x0] =	vst.idx.add.f32.msk $0xffff, v6  }
0x1dd: {  	s15 =	sor.u32 s22, s15;
	v7 =	vld [tilespmem:s25+$0x0]  }
0x1de: {  	v13 =	vld [tilespmem:s15+$0x0]  }
0x1df: {  	s15 =	simm.s32 $0x100;
	[tilespmem:v14+s10+$0x0] =	vst.idx.add.f32.msk $0xffff, v8  }
0x1e0: {  	s28 =	simm.s32 $0x40;
	s29 =	sand.u32 $0x7E00, s15;
	[tilespmem:v9+s10+$0x0] =	vst.idx.add.f32.msk $0xffff, v6  }
0x1e1: {  	v8 =	vadd.s32 v4, v10;
	v9 =	vld [tilespmem:s28+$0x10000];
	s19 =	sor.u32 s24, s29;
	v16 =	vshll.u32 v11, $0x4  }
0x1e2: {  	s18 =	sor.u32 s23, s29;
	v11 =	vld [tilespmem:s19+$0x0];
	v7 =	vshll.u32 v7, $0x4;
	v17 =	vor.u32 v0, v16  }
0x1e3: {  	s23 =	sor.u32 s22, s29;
	v14 =	vld [tilespmem:s18+$0x0];
	v15 =	vor.u32 v0, v7  }
0x1e4: {  	s16 =	sor.u32 s16, s29;
	v62 =	vld [tilespmem:s23+$0x0];
	v13 =	vshll.u32 v13, $0x4  }
0x1e5: {  	v20 =	vld [tilespmem:s16+$0x0];
	v19 =	vor.u32 v0, v13  }
0x1e6: {  	[tilespmem:v8+s10+$0x0] =	vst.idx.add.f32.msk $0xffff, v12;
	v21 =	vshll.u32 v9, $0x4  }
0x1e7: {  	v8 =	vor.u32 v0, v21;
	[tilespmem:v17+s10+$0x0] =	vst.idx.add.f32.msk $0xffff, v11  }
0x1e8: {  	[tilespmem:v15+s10+$0x0] =	vst.idx.add.f32.msk $0xffff, v14  }
0x1e9: {  	v12 =	vadd.s32 v3, v7;
	v9 =	vld [tilespmem:s18+$0x80]  }
0x1ea: {  	p0 =	por !p0, !p0;
	[tilespmem:v19+s10+$0x0] =	vst.idx.add.f32.msk $0xffff, v62;
	s18 =	simm.s32 $0x1  }
0x1eb: {  	v11 =	vld [tilespmem:s19+$0x80];
	s18 =	simm.s32 @!p0 $0x0  }
0x1ec: {  	v14 =	vadd.s32 v3, v16;
	[tilespmem:v8+s10+$0x0] =	vst.idx.add.f32.msk $0xffff, v20;
	s18 =	sshll.u32 s18, $0x6  }
0x1ed: {  	v17 =	vld [tilespmem:s16+$0x80];
	s18 =	sadd.s32 $0x100, s18  }
0x1ee: {  	v63 =	vadd.s32 v3, v21;
	s24 =	sadd.s32 $0x30, s18;
	[tilespmem:v12+s10+$0x0] =	vst.idx.add.f32.msk $0xffff, v9  }
0x1ef: {  	v15 =	vadd.s32 v3, v13;
	s19 =	sor.u32 $0x100, s24;
	v12 =	vld [tilespmem:s23+$0x80]  }
0x1f0: {  	s25 =	sadd.s32 $0x10, s18;
	v9 =	vadd.s32 v4, v7;
	v8 =	vld [tilespmem:s19+$0x0]  }
0x1f1: {  	[tilespmem:v14+s10+$0x0] =	vst.idx.add.f32.msk $0xffff, v11;
	v7 =	vadd.s32 v5, v7;
	s26 =	sor.u32 $0x100, s25  }
0x1f2: {  	v14 =	vld [tilespmem:s26+$0x0]  }
0x1f3: {  	[tilespmem:v63+s10+$0x0] =	vst.idx.add.f32.msk $0xffff, v17  }
0x1f4: {  	v11 =	vadd.s32 v4, v16;
	[tilespmem:v15+s10+$0x0] =	vst.idx.add.f32.msk $0xffff, v12  }
0x1f5: {  	s28 =	sadd.s32 $0x20, s18;
	v12 =	vadd.s32 v5, v16;
	[tilespmem:v9+s10+$0x0] =	vst.idx.add.f32.msk $0xffff, v8  }
0x1f6: {  	s29 =	sor.u32 $0x100, s28;
	v9 =	vadd.s32 v5, v13;
	[tilespmem:v7+s10+$0x0] =	vst.idx.add.f32.msk $0xffff, v6;
	v7 =	vadd.s32 v5, v10  }
0x1f7: {  	s16 =	sor.u32 $0x100, s18;
	v8 =	vadd.s32 v4, v21;
	v15 =	vld [tilespmem:s29+$0x0];
	v10 =	vadd.s32 v4, v13;
	v13 =	vadd.s32 v5, v21  }
.LBB2_12:
0x1f8: {  	s14 =	sadd.s32 $0x40, s14;
	v16 =	vld [tilespmem:s16+$0x0]  }
0x1f9: {  	s16 =	sand.u32 $0x40, s14;
	s18 =	sand.u32 $0x1F80, s14;
	p1 =	slt.u32 s14, $0x1FC0;
	[tilespmem:v11+s10+$0x0] =	vst.idx.add.f32.msk $0xffff, v14  }
0x1fa: {  	s19 =	sor.u32 $0x10, s16;
	s18 =	sor.u32 $0x10000, s18;
	s20 =	sor.u32 $0x30, s16;
	[tilespmem:v12+s10+$0x0] =	vst.idx.add.f32.msk $0xffff, v6  }
0x1fb: {  	s22 =	sor.u32 $0x20, s16;
	s21 =	sor.u32 s19, s18;
	s23 =	sor.u32 s20, s18;
	[tilespmem:v7+s10+$0x0] =	vst.idx.add.f32.msk $0xffff, v6;
	v7 =	vmov v13  }
0x1fc: {  	s18 =	sor.u32 s22, s18;
	v11 =	vld [tilespmem:s23+$0x0]  }
0x1fd: {  	v12 =	vld [tilespmem:s21+$0x0]  }
0x1fe: {  	v13 =	vld [tilespmem:s18+$0x0]  }
0x1ff: {  	s15 =	sadd.s32 $0x100, s15;
	[tilespmem:v10+s10+$0x0] =	vst.idx.add.f32.msk $0xffff, v15  }
0x200: {  	s21 =	sand.u32 $0x7E00, s15;
	s18 =	sshra.s32 s15, $0x2;
	[tilespmem:v9+s10+$0x0] =	vst.idx.add.f32.msk $0xffff, v6  }
0x201: {  	s20 =	sor.u32 s20, s21;
	v14 =	vld [tilespmem:s18+$0x10000];
	s18 =	sor.u32 s19, s21;
	s19 =	sor.u32 s22, s21;
	v15 =	vshll.u32 v11, $0x4  }
0x202: {  	s21 =	sor.u32 s16, s21;
	v9 =	vshll.u32 v12, $0x4;
	v17 =	vld [tilespmem:s20+$0x0];
	v18 =	vor.u32 v0, v15  }
0x203: {  	v19 =	vld [tilespmem:s18+$0x0];
	v20 =	vor.u32 v0, v9;
	v21 =	vadd.s32 v3, v9;
	v13 =	vshll.u32 v13, $0x4  }
0x204: {  	v11 =	vadd.s32 v4, v9;
	v22 =	vld [tilespmem:s19+$0x0];
	v23 =	vor.u32 v0, v13;
	v24 =	vadd.s32 v3, v13  }
0x205: {  	v12 =	vadd.s32 v5, v9;
	v10 =	vadd.s32 v4, v13;
	v9 =	vadd.s32 v5, v13;
	v25 =	vld [tilespmem:s21+$0x0]  }
0x206: {  	v13 =	vshll.u32 v14, $0x4;
	[tilespmem:v8+s10+$0x0] =	vst.idx.add.f32.msk $0xffff, v16  }
0x207: {  	v14 =	vor.u32 v0, v13;
	v16 =	vadd.s32 v3, v13;
	[tilespmem:v18+s10+$0x0] =	vst.idx.add.f32.msk $0xffff, v17  }
0x208: {  	p0 =	por !p0, !p0;
	s16 =	simm.s32 $0x1;
	v8 =	vadd.s32 v4, v13;
	v13 =	vadd.s32 v5, v13;
	v18 =	vadd.s32 v3, v15;
	v17 =	vld [tilespmem:s20+$0x80]  }
0x209: {  	s16 =	simm.s32 @!p0 $0x0;
	[tilespmem:v20+s10+$0x0] =	vst.idx.add.f32.msk $0xffff, v19  }
0x20a: {  	s16 =	sshll.u32 s16, $0x6;
	[tilespmem:v23+s10+$0x0] =	vst.idx.add.f32.msk $0xffff, v22  }
0x20b: {  	s16 =	sadd.s32 s16, s15;
	v19 =	vld [tilespmem:s18+$0x80]  }
0x20c: {  	s22 =	sadd.s32 $0x30, s16;
	s20 =	sadd.s32 $0x20, s16;
	s18 =	sadd.s32 $0x10, s16;
	[tilespmem:v14+s10+$0x0] =	vst.idx.add.f32.msk $0xffff, v25  }
0x20d: {  	s22 =	sor.u32 $0x100, s22;
	s20 =	sor.u32 $0x100, s20;
	s18 =	sor.u32 $0x100, s18;
	[tilespmem:v18+s10+$0x0] =	vst.idx.add.f32.msk $0xffff, v17  }
0x20e: {  	s16 =	sor.u32 $0x100, s16;
	v18 =	vadd.s32 v4, v15;
	v17 =	vld [tilespmem:s22+$0x0]  }
0x20f: {  	v15 =	vadd.s32 v5, v15;
	v20 =	vld [tilespmem:s19+$0x80]  }
0x210: {  	v22 =	vld [tilespmem:s21+$0x80]  }
0x211: {  	[tilespmem:v21+s10+$0x0] =	vst.idx.add.f32.msk $0xffff, v19  }
0x212: {  	v14 =	vld [tilespmem:s18+$0x0]  }
.Ltmp5:
0x213: {  	[tilespmem:v18+s10+$0x0] =	vst.idx.add.f32.msk $0xffff, v17;
	(pc) =	sbr.rel @p1 .LBB2_12-.Ltmp5, $4  }
0x214: {  	[tilespmem:v15+s10+$0x0] =	vst.idx.add.f32.msk $0xffff, v6  }
0x215: {  	[tilespmem:v24+s10+$0x0] =	vst.idx.add.f32.msk $0xffff, v20  }
0x216: {  	[tilespmem:v16+s10+$0x0] =	vst.idx.add.f32.msk $0xffff, v22  }
0x217: {  	v15 =	vld [tilespmem:s20+$0x0]  }
0x218: {  	_ =	sdelay $0x2  }
0x219: {  	v16 =	vld [tilespmem:s16+$0x0]  }
0x21a: {  	[tilespmem:v11+s10+$0x0] =	vst.idx.add.f32.msk $0xffff, v14  }
0x21b: {  	[tilespmem:v7+s10+$0x0] =	vst.idx.add.f32.msk $0xffff, v6  }
0x21c: {  	[tilespmem:v12+s10+$0x0] =	vst.idx.add.f32.msk $0xffff, v6  }
0x21d: {  	[tilespmem:v10+s10+$0x0] =	vst.idx.add.f32.msk $0xffff, v15  }
0x21e: {  	[tilespmem:v9+s10+$0x0] =	vst.idx.add.f32.msk $0xffff, v6  }
0x21f: {  	[tilespmem:v8+s10+$0x0] =	vst.idx.add.f32.msk $0xffff, v16  }
0x220: {  	[tilespmem:v13+s10+$0x0] =	vst.idx.add.f32.msk $0xffff, v6  }
0x221: {  	s15 =	simm.s32 $0x0;
	s14 =	rddreg [dreg:$0xa]  }
0x222: {  	[tilespmem:s15], [sflag:$0x1] =	stream.linear.gather [hbm4b:s14+s15], $0x8000, $0x38;
	[tilespmem:$0x15000] =	vst v63  }
0x223: {  	s24 =	rddreg [dreg:$0x1a]  }
0x224: {  	[tilespmem:s5], [sflag:$0x3] =	stream.linear.gather [hbm4b:s24+s15], $0x2000, $0x38;
	[tilespmem:$0x15000] =	vst v63  }
0x225: {  	_ =	swait.ge [sflag:s11], $0x8000  }
0x226: {  	[sflag:s11] =	ssyncset.done $0x0  }
0x227: {  	[sflag:s11] =	ssyncadd.s32 $0xFFFF8000  }
0x228: {  	_ =	swait.ge [sflag:s12], $0x2000  }
0x229: {  	[sflag:s12] =	ssyncset.done $0x0  }
0x22a: {  	s25 =	simm.s32 $0x0;
	s14 =	simm.s32 $0x0;
	[sflag:s12] =	ssyncadd.s32 $0xFFFFE000  }
0x22b: {  	s26 =	sand.u32 $0x40, s14;
	s18 =	sand.u32 $0x1F80, s14;
	v7 =	vld [tilespmem:s25+$0x12000]  }
0x22c: {  	s19 =	sor.u32 $0x10, s26;
	s18 =	sor.u32 $0x12000, s18  }
0x22d: {  	s21 =	sor.u32 $0x20, s26;
	s20 =	sor.u32 s19, s18  }
0x22e: {  	s15 =	sand.u32 $0x7E00, s15;
	s16 =	sor.u32 $0x30, s26;
	s22 =	sor.u32 s21, s18;
	v8 =	vld [tilespmem:s20+$0x0]  }
0x22f: {  	s15 =	sor.u32 $0x8000, s15;
	s18 =	sor.u32 s16, s18;
	v9 =	vld [tilespmem:s22+$0x0]  }
0x230: {  	s28 =	sor.u32 s26, s15;
	v13 =	vld [tilespmem:s18+$0x0];
	v10 =	vshll.u32 v7, $0x4  }
0x231: {  	v11 =	vld [tilespmem:s28+$0x0];
	v12 =	vor.u32 v0, v10;
	_ =	sdelay $0x1  }
0x232: {  	s19 =	sor.u32 s19, s15  }
0x233: {  	s29 =	sor.u32 s21, s15;
	s15 =	sor.u32 s16, s15;
	v14 =	vld [tilespmem:s19+$0x0];
	v7 =	vshll.u32 v8, $0x4  }
0x234: {  	v8 =	vshll.u32 v9, $0x4;
	v9 =	vshll.u32 v13, $0x4;
	v13 =	vld [tilespmem:s15+$0x0];
	v16 =	vor.u32 v0, v7  }
0x235: {  	v18 =	vor.u32 v0, v9;
	[tilespmem:v12+s10+$0x0] =	vst.idx.add.f32.msk $0xffff, v11  }
0x236: {  	v17 =	vadd.s32 v3, v10;
	v12 =	vld [tilespmem:s28+$0x80]  }
0x237: {  	p0 =	por $0x0, $0x0;
	s16 =	simm.s32 $0x1  }
0x238: {  	s16 =	simm.s32 @!p0 $0x0;
	v15 =	vld [tilespmem:s29+$0x0]  }
0x239: {  	s16 =	sshll.u32 s16, $0x6;
	v11 =	vor.u32 v0, v8;
	[tilespmem:v16+s10+$0x0] =	vst.idx.add.f32.msk $0xffff, v14  }
0x23a: {  	s20 =	sadd.s32 $0x0, s16;
	[tilespmem:v18+s10+$0x0] =	vst.idx.add.f32.msk $0xffff, v13  }
0x23b: {  	s16 =	sor.u32 $0x100, s20;
	[tilespmem:v17+s10+$0x0] =	vst.idx.add.f32.msk $0xffff, v12  }
0x23c: {  	v19 =	vadd.s32 v4, v10;
	v17 =	vld [tilespmem:s16+$0x8000]  }
0x23d: {  	v10 =	vadd.s32 v5, v10;
	v14 =	vld [tilespmem:s19+$0x80]  }
0x23e: {  	[tilespmem:v11+s10+$0x0] =	vst.idx.add.f32.msk $0xffff, v15;
	v15 =	vadd.s32 v3, v7  }
0x23f: {  	v16 =	vadd.s32 v3, v8;
	v13 =	vld [tilespmem:s29+$0x80]  }
0x240: {  	p0 =	por !p0, !p0;
	v11 =	vld [tilespmem:s15+$0x80];
	v12 =	vadd.s32 v3, v9  }
0x241: {  	s23 =	sadd.s32 $0x10, s20;
	s19 =	sadd.s32 $0x30, s20;
	s15 =	simm.s32 $0x100;
	[tilespmem:v19+s10+$0x0] =	vst.idx.add.f32.msk $0xffff, v17  }
.LBB2_14:
0x242: {  	s14 =	sadd.s32 $0x40, s14;
	s24 =	sshra.s32 s15, $0x2;
	s16 =	sand.u32 $0x7E00, s15;
	[tilespmem:v10+s10+$0x0] =	vst.idx.add.f32.msk $0xffff, v6  }
0x243: {  	s25 =	sand.u32 $0x40, s14;
	s21 =	sor.u32 $0x8000, s16;
	s16 =	sand.u32 $0x1F80, s14;
	[tilespmem:v15+s10+$0x0] =	vst.idx.add.f32.msk $0xffff, v14  }
0x244: {  	s18 =	sor.u32 $0x10, s25;
	s26 =	sor.u32 $0x12000, s16;
	s22 =	sor.u32 $0x30, s25;
	[tilespmem:v16+s10+$0x0] =	vst.idx.add.f32.msk $0xffff, v13  }
0x245: {  	s28 =	sor.u32 s18, s26;
	s16 =	sor.u32 s18, s21;
	s18 =	sor.u32 $0x20, s25;
	[tilespmem:v12+s10+$0x0] =	vst.idx.add.f32.msk $0xffff, v11  }
0x246: {  	v10 =	vld [tilespmem:s16+$0x0];
	s29 =	sor.u32 s18, s26;
	s18 =	sor.u32 s18, s21;
	s26 =	sor.u32 s22, s26  }
0x247: {  	s23 =	sor.u32 $0x100, s23;
	s20 =	sadd.s32 $0x20, s20;
	p1 =	slt.u32 s14, $0x1FC0;
	v11 =	vld [tilespmem:s18+$0x0]  }
0x248: {  	s20 =	sor.u32 $0x100, s20;
	s25 =	sor.u32 s25, s21;
	v12 =	vld [tilespmem:s23+$0x8000]  }
0x249: {  	v13 =	vadd.s32 v4, v7;
	v14 =	vld [tilespmem:s20+$0x8000]  }
0x24a: {  	v15 =	vld [tilespmem:s24+$0x12000]  }
0x24b: {  	v17 =	vadd.s32 v4, v8;
	s19 =	sor.u32 $0x100, s19;
	v16 =	vld [tilespmem:s25+$0x0]  }
0x24c: {  	v18 =	vld [tilespmem:s19+$0x8000]  }
0x24d: {  	v8 =	vadd.s32 v5, v8;
	v19 =	vld [tilespmem:s28+$0x0]  }
0x24e: {  	[tilespmem:v13+s10+$0x0] =	vst.idx.add.f32.msk $0xffff, v12;
	v12 =	vadd.s32 v4, v9  }
0x24f: {  	v9 =	vadd.s32 v5, v9;
	v13 =	vshll.u32 v15, $0x4;
	v15 =	vld [tilespmem:s29+$0x0]  }
0x250: {  	v20 =	vor.u32 v0, v13;
	[tilespmem:v17+s10+$0x0] =	vst.idx.add.f32.msk $0xffff, v14  }
0x251: {  	v17 =	vadd.s32 v5, v7;
	v14 =	vld [tilespmem:s26+$0x0]  }
0x252: {  	[tilespmem:v8+s10+$0x0] =	vst.idx.add.f32.msk $0xffff, v6  }
0x253: {  	v7 =	vshll.u32 v19, $0x4;
	[tilespmem:v12+s10+$0x0] =	vst.idx.add.f32.msk $0xffff, v18  }
0x254: {  	v12 =	vor.u32 v0, v7;
	v8 =	vshll.u32 v15, $0x4;
	[tilespmem:v9+s10+$0x0] =	vst.idx.add.f32.msk $0xffff, v6  }
0x255: {  	[tilespmem:v20+s10+$0x0] =	vst.idx.add.f32.msk $0xffff, v16;
	v15 =	vor.u32 v0, v8  }
0x256: {  	v18 =	vadd.s32 v3, v13;
	v16 =	vld [tilespmem:s25+$0x80]  }
0x257: {  	s21 =	sor.u32 s22, s21;
	s19 =	simm.s32 $0x1;
	v9 =	vshll.u32 v14, $0x4;
	[tilespmem:v17+s10+$0x0] =	vst.idx.add.f32.msk $0xffff, v6  }
0x258: {  	s19 =	simm.s32 @!p0 $0x0;
	v17 =	vor.u32 v0, v9;
	v14 =	vld [tilespmem:s21+$0x0]  }
0x259: {  	s19 =	sshll.u32 s19, $0x6;
	[tilespmem:v12+s10+$0x0] =	vst.idx.add.f32.msk $0xffff, v10  }
0x25a: {  	s20 =	sadd.s32 s19, s15;
	[tilespmem:v15+s10+$0x0] =	vst.idx.add.f32.msk $0xffff, v11  }
0x25b: {  	s22 =	sor.u32 $0x100, s20;
	s23 =	sadd.s32 $0x10, s20;
	s19 =	sadd.s32 $0x30, s20;
	[tilespmem:v18+s10+$0x0] =	vst.idx.add.f32.msk $0xffff, v16  }
0x25c: {  	v19 =	vadd.s32 v4, v13;
	v18 =	vld [tilespmem:s22+$0x8000]  }
.Ltmp6:
0x25d: {  	v10 =	vadd.s32 v5, v13;
	[tilespmem:v17+s10+$0x0] =	vst.idx.add.f32.msk $0xffff, v14;
	(pc) =	sbr.rel @p1 .LBB2_14-.Ltmp6, $4  }
0x25e: {  	v15 =	vadd.s32 v3, v7;
	v14 =	vld [tilespmem:s16+$0x80]  }
0x25f: {  	v16 =	vadd.s32 v3, v8;
	v13 =	vld [tilespmem:s18+$0x80]  }
0x260: {  	v12 =	vadd.s32 v3, v9;
	v11 =	vld [tilespmem:s21+$0x80]  }
0x261: {  	p0 =	por !p0, !p0;
	s15 =	sadd.s32 $0x100, s15;
	[tilespmem:v19+s10+$0x0] =	vst.idx.add.f32.msk $0xffff, v18  }
0x262: {  	_ =	sdelay $0x3  }
0x263: {  	[tilespmem:v15+s10+$0x0] =	vst.idx.add.f32.msk $0xffff, v14  }
0x264: {  	s14 =	sor.u32 $0x100, s23;
	s15 =	sadd.s32 $0x20, s20;
	[tilespmem:v16+s10+$0x0] =	vst.idx.add.f32.msk $0xffff, v13  }
0x265: {  	s26 =	sor.u32 $0x100, s15;
	v14 =	vadd.s32 v4, v7;
	v13 =	vld [tilespmem:s14+$0x8000]  }
0x266: {  	v16 =	vadd.s32 v4, v8;
	v15 =	vld [tilespmem:s26+$0x8000]  }
0x267: {  	[tilespmem:v10+s10+$0x0] =	vst.idx.add.f32.msk $0xffff, v6;
	v7 =	vadd.s32 v5, v7  }
0x268: {  	s28 =	sor.u32 $0x100, s19;
	v8 =	vadd.s32 v5, v8;
	[tilespmem:v12+s10+$0x0] =	vst.idx.add.f32.msk $0xffff, v11  }
0x269: {  	v12 =	vadd.s32 v4, v9;
	v11 =	vld [tilespmem:s28+$0x8000]  }
0x26a: {  	v9 =	vadd.s32 v5, v9;
	[tilespmem:v14+s10+$0x0] =	vst.idx.add.f32.msk $0xffff, v13  }
0x26b: {  	[tilespmem:v16+s10+$0x0] =	vst.idx.add.f32.msk $0xffff, v15  }
0x26c: {  	[tilespmem:v7+s10+$0x0] =	vst.idx.add.f32.msk $0xffff, v6  }
0x26d: {  	[tilespmem:v8+s10+$0x0] =	vst.idx.add.f32.msk $0xffff, v6  }
0x26e: {  	[tilespmem:v12+s10+$0x0] =	vst.idx.add.f32.msk $0xffff, v11  }
0x26f: {  	[tilespmem:v9+s10+$0x0] =	vst.idx.add.f32.msk $0xffff, v6  }
0x270: {  	s29 =	simm.s32 $0x0;
	s19 =	rddreg [dreg:$0xb]  }
0x271: {  	[tilespmem:s6], [sflag:$0x2] =	stream.linear.gather [hbm4b:s19+s29], $0x8000, $0x38;
	[tilespmem:$0x15000] =	vst v63  }
0x272: {  	s20 =	rddreg [dreg:$0x1b]  }
0x273: {  	[tilespmem:s7], [sflag:$0x4] =	stream.linear.gather [hbm4b:s20+s29], $0x2000, $0x38;
	[tilespmem:$0x15000] =	vst v63  }
0x274: {  	_ =	swait.ge [sflag:s8], $0x8000  }
0x275: {  	[sflag:s8] =	ssyncset.done $0x0  }
0x276: {  	s21 =	simm.s32 $0x0;
	[sflag:s8] =	ssyncadd.s32 $0xFFFF8000  }
0x277: {  	s16 =	sand.u32 $0x40, s21;
	s15 =	sand.u32 $0x1F80, s21;
	_ =	swait.ge [sflag:s9], $0x2000  }
0x278: {  	s15 =	sor.u32 $0x10000, s15;
	s18 =	sor.u32 $0x30, s16;
	[sflag:s9] =	ssyncset.done $0x0  }
0x279: {  	s23 =	sor.u32 $0x10, s16;
	s22 =	sor.u32 s18, s15;
	[sflag:s9] =	ssyncadd.s32 $0xFFFFE000  }
0x27a: {  	s24 =	sor.u32 s23, s15;
	v7 =	vld [tilespmem:s22+$0x0]  }
0x27b: {  	s21 =	sor.u32 $0x20, s16;
	v8 =	vld [tilespmem:s24+$0x0]  }
0x27c: {  	s15 =	sor.u32 s21, s15  }
0x27d: {  	s25 =	simm.s32 $0x0;
	v9 =	vld [tilespmem:s15+$0x0]  }
0x27e: {  	s14 =	sand.u32 $0x7E00, s29;
	v10 =	vld [tilespmem:s25+$0x10000]  }
0x27f: {  	s26 =	sor.u32 s18, s14;
	v7 =	vshll.u32 v7, $0x4  }
0x280: {  	s28 =	sor.u32 s23, s14;
	v11 =	vld [tilespmem:s26+$0x0];
	v8 =	vshll.u32 v8, $0x4;
	v12 =	vor.u32 v0, v7  }
0x281: {  	v13 =	vld [tilespmem:s28+$0x0];
	v14 =	vor.u32 v0, v8  }
0x282: {  	s29 =	sor.u32 s21, s14;
	v9 =	vshll.u32 v9, $0x4  }
0x283: {  	s14 =	sor.u32 s16, s14;
	v15 =	vld [tilespmem:s29+$0x0];
	v10 =	vshll.u32 v10, $0x4;
	v16 =	vor.u32 v0, v9  }
0x284: {  	v17 =	vld [tilespmem:s14+$0x0];
	v18 =	vor.u32 v0, v10  }
0x285: {  	[tilespmem:v12+s10+$0x0] =	vst.idx.add.f32.msk $0xffff, v11  }
0x286: {  	[tilespmem:v14+s10+$0x0] =	vst.idx.add.f32.msk $0xffff, v13  }
0x287: {  	p0 =	por $0x0, $0x0;
	s15 =	simm.s32 $0x1;
	v12 =	vadd.s32 v3, v7;
	v11 =	vld [tilespmem:s26+$0x80]  }
0x288: {  	s15 =	simm.s32 @!p0 $0x0;
	[tilespmem:v16+s10+$0x0] =	vst.idx.add.f32.msk $0xffff, v15  }
0x289: {  	s15 =	sshll.u32 s15, $0x6;
	[tilespmem:v18+s10+$0x0] =	vst.idx.add.f32.msk $0xffff, v17  }
0x28a: {  	s15 =	sadd.s32 $0x0, s15;
	v14 =	vadd.s32 v3, v8;
	v13 =	vld [tilespmem:s28+$0x80]  }
0x28b: {  	s18 =	sadd.s32 $0x30, s15;
	v16 =	vadd.s32 v3, v9;
	v15 =	vld [tilespmem:s29+$0x80]  }
0x28c: {  	s16 =	sor.u32 $0x100, s18;
	[tilespmem:v12+s10+$0x0] =	vst.idx.add.f32.msk $0xffff, v11  }
0x28d: {  	v12 =	vadd.s32 v4, v7;
	v11 =	vld [tilespmem:s16+$0x0]  }
0x28e: {  	v17 =	vld [tilespmem:s14+$0x80];
	v7 =	vadd.s32 v5, v7  }
0x28f: {  	s19 =	sadd.s32 $0x10, s15;
	[tilespmem:v14+s10+$0x0] =	vst.idx.add.f32.msk $0xffff, v13  }
0x290: {  	s20 =	sor.u32 $0x100, s19;
	v61 =	vadd.s32 v3, v10;
	[tilespmem:v16+s10+$0x0] =	vst.idx.add.f32.msk $0xffff, v15  }
0x291: {  	v13 =	vld [tilespmem:s20+$0x0]  }
0x292: {  	s21 =	sadd.s32 $0x20, s15;
	[tilespmem:v12+s10+$0x0] =	vst.idx.add.f32.msk $0xffff, v11;
	v11 =	vadd.s32 v4, v8  }
0x293: {  	s14 =	sor.u32 $0x100, s21;
	[tilespmem:v7+s10+$0x0] =	vst.idx.add.f32.msk $0xffff, v6  }
0x294: {  	v7 =	vadd.s32 v5, v8;
	v8 =	vld [tilespmem:s14+$0x0];
	s14 =	simm.s32 $0x40  }
0x295: {  	s15 =	sor.u32 $0x100, s15;
	[tilespmem:v61+s10+$0x0] =	vst.idx.add.f32.msk $0xffff, v17;
	s16 =	sand.u32 $0x40, s14;
	s22 =	sand.u32 $0x1F80, s14  }
0x296: {  	v12 =	vld [tilespmem:s15+$0x0];
	s15 =	sor.u32 $0x10000, s22;
	s24 =	sor.u32 $0x10, s16  }
0x297: {  	v14 =	vadd.s32 v4, v9;
	s26 =	sor.u32 s24, s15;
	[tilespmem:v11+s10+$0x0] =	vst.idx.add.f32.msk $0xffff, v13  }
0x298: {  	v9 =	vadd.s32 v5, v9;
	s23 =	sor.u32 $0x30, s16;
	v11 =	vld [tilespmem:s26+$0x0]  }
0x299: {  	s22 =	sor.u32 $0x20, s16;
	s25 =	sor.u32 s23, s15;
	[tilespmem:v7+s10+$0x0] =	vst.idx.add.f32.msk $0xffff, v6  }
0x29a: {  	s15 =	sor.u32 s22, s15;
	v7 =	vld [tilespmem:s25+$0x0]  }
0x29b: {  	v13 =	vld [tilespmem:s15+$0x0]  }
0x29c: {  	s15 =	simm.s32 $0x100;
	[tilespmem:v14+s10+$0x0] =	vst.idx.add.f32.msk $0xffff, v8  }
0x29d: {  	s28 =	simm.s32 $0x40;
	s29 =	sand.u32 $0x7E00, s15;
	[tilespmem:v9+s10+$0x0] =	vst.idx.add.f32.msk $0xffff, v6  }
0x29e: {  	v8 =	vadd.s32 v4, v10;
	v9 =	vld [tilespmem:s28+$0x10000];
	s19 =	sor.u32 s24, s29;
	v16 =	vshll.u32 v11, $0x4  }
0x29f: {  	s18 =	sor.u32 s23, s29;
	v11 =	vld [tilespmem:s19+$0x0];
	v7 =	vshll.u32 v7, $0x4;
	v17 =	vor.u32 v0, v16  }
0x2a0: {  	s23 =	sor.u32 s22, s29;
	v14 =	vld [tilespmem:s18+$0x0];
	v15 =	vor.u32 v0, v7  }
0x2a1: {  	s16 =	sor.u32 s16, s29;
	v62 =	vld [tilespmem:s23+$0x0];
	v13 =	vshll.u32 v13, $0x4  }
0x2a2: {  	v20 =	vld [tilespmem:s16+$0x0];
	v19 =	vor.u32 v0, v13  }
0x2a3: {  	[tilespmem:v8+s10+$0x0] =	vst.idx.add.f32.msk $0xffff, v12;
	v21 =	vshll.u32 v9, $0x4  }
0x2a4: {  	v8 =	vor.u32 v0, v21;
	[tilespmem:v17+s10+$0x0] =	vst.idx.add.f32.msk $0xffff, v11  }
0x2a5: {  	[tilespmem:v15+s10+$0x0] =	vst.idx.add.f32.msk $0xffff, v14  }
0x2a6: {  	v12 =	vadd.s32 v3, v7;
	v9 =	vld [tilespmem:s18+$0x80]  }
0x2a7: {  	p0 =	por !p0, !p0;
	[tilespmem:v19+s10+$0x0] =	vst.idx.add.f32.msk $0xffff, v62;
	s18 =	simm.s32 $0x1  }
0x2a8: {  	v11 =	vld [tilespmem:s19+$0x80];
	s18 =	simm.s32 @!p0 $0x0  }
0x2a9: {  	v14 =	vadd.s32 v3, v16;
	[tilespmem:v8+s10+$0x0] =	vst.idx.add.f32.msk $0xffff, v20;
	s18 =	sshll.u32 s18, $0x6  }
0x2aa: {  	v17 =	vld [tilespmem:s16+$0x80];
	s18 =	sadd.s32 $0x100, s18  }
0x2ab: {  	v63 =	vadd.s32 v3, v21;
	s24 =	sadd.s32 $0x30, s18;
	[tilespmem:v12+s10+$0x0] =	vst.idx.add.f32.msk $0xffff, v9  }
0x2ac: {  	v15 =	vadd.s32 v3, v13;
	s19 =	sor.u32 $0x100, s24;
	v12 =	vld [tilespmem:s23+$0x80]  }
0x2ad: {  	s25 =	sadd.s32 $0x10, s18;
	v9 =	vadd.s32 v4, v7;
	v8 =	vld [tilespmem:s19+$0x0]  }
0x2ae: {  	[tilespmem:v14+s10+$0x0] =	vst.idx.add.f32.msk $0xffff, v11;
	v7 =	vadd.s32 v5, v7;
	s26 =	sor.u32 $0x100, s25  }
0x2af: {  	v14 =	vld [tilespmem:s26+$0x0]  }
0x2b0: {  	[tilespmem:v63+s10+$0x0] =	vst.idx.add.f32.msk $0xffff, v17  }
0x2b1: {  	v11 =	vadd.s32 v4, v16;
	[tilespmem:v15+s10+$0x0] =	vst.idx.add.f32.msk $0xffff, v12  }
0x2b2: {  	s28 =	sadd.s32 $0x20, s18;
	v12 =	vadd.s32 v5, v16;
	[tilespmem:v9+s10+$0x0] =	vst.idx.add.f32.msk $0xffff, v8  }
0x2b3: {  	s29 =	sor.u32 $0x100, s28;
	v9 =	vadd.s32 v5, v13;
	[tilespmem:v7+s10+$0x0] =	vst.idx.add.f32.msk $0xffff, v6;
	v7 =	vadd.s32 v5, v10  }
0x2b4: {  	s16 =	sor.u32 $0x100, s18;
	v8 =	vadd.s32 v4, v21;
	v15 =	vld [tilespmem:s29+$0x0];
	v10 =	vadd.s32 v4, v13;
	v13 =	vadd.s32 v5, v21  }
.LBB2_16:
0x2b5: {  	s14 =	sadd.s32 $0x40, s14;
	v16 =	vld [tilespmem:s16+$0x0]  }
0x2b6: {  	s16 =	sand.u32 $0x40, s14;
	s18 =	sand.u32 $0x1F80, s14;
	p1 =	slt.u32 s14, $0x1FC0;
	[tilespmem:v11+s10+$0x0] =	vst.idx.add.f32.msk $0xffff, v14  }
0x2b7: {  	s19 =	sor.u32 $0x10, s16;
	s18 =	sor.u32 $0x10000, s18;
	s20 =	sor.u32 $0x30, s16;
	[tilespmem:v12+s10+$0x0] =	vst.idx.add.f32.msk $0xffff, v6  }
0x2b8: {  	s22 =	sor.u32 $0x20, s16;
	s21 =	sor.u32 s19, s18;
	s23 =	sor.u32 s20, s18;
	[tilespmem:v7+s10+$0x0] =	vst.idx.add.f32.msk $0xffff, v6;
	v7 =	vmov v13  }
0x2b9: {  	s18 =	sor.u32 s22, s18;
	v11 =	vld [tilespmem:s23+$0x0]  }
0x2ba: {  	v12 =	vld [tilespmem:s21+$0x0]  }
0x2bb: {  	v13 =	vld [tilespmem:s18+$0x0]  }
0x2bc: {  	s15 =	sadd.s32 $0x100, s15;
	[tilespmem:v10+s10+$0x0] =	vst.idx.add.f32.msk $0xffff, v15  }
0x2bd: {  	s21 =	sand.u32 $0x7E00, s15;
	s18 =	sshra.s32 s15, $0x2;
	[tilespmem:v9+s10+$0x0] =	vst.idx.add.f32.msk $0xffff, v6  }
0x2be: {  	s20 =	sor.u32 s20, s21;
	v14 =	vld [tilespmem:s18+$0x10000];
	s18 =	sor.u32 s19, s21;
	s19 =	sor.u32 s22, s21;
	v15 =	vshll.u32 v11, $0x4  }
0x2bf: {  	s21 =	sor.u32 s16, s21;
	v9 =	vshll.u32 v12, $0x4;
	v17 =	vld [tilespmem:s20+$0x0];
	v18 =	vor.u32 v0, v15  }
0x2c0: {  	v19 =	vld [tilespmem:s18+$0x0];
	v20 =	vor.u32 v0, v9;
	v21 =	vadd.s32 v3, v9;
	v13 =	vshll.u32 v13, $0x4  }
0x2c1: {  	v11 =	vadd.s32 v4, v9;
	v22 =	vld [tilespmem:s19+$0x0];
	v23 =	vor.u32 v0, v13;
	v24 =	vadd.s32 v3, v13  }
0x2c2: {  	v12 =	vadd.s32 v5, v9;
	v10 =	vadd.s32 v4, v13;
	v9 =	vadd.s32 v5, v13;
	v25 =	vld [tilespmem:s21+$0x0]  }
0x2c3: {  	v13 =	vshll.u32 v14, $0x4;
	[tilespmem:v8+s10+$0x0] =	vst.idx.add.f32.msk $0xffff, v16  }
0x2c4: {  	v14 =	vor.u32 v0, v13;
	v16 =	vadd.s32 v3, v13;
	[tilespmem:v18+s10+$0x0] =	vst.idx.add.f32.msk $0xffff, v17  }
0x2c5: {  	p0 =	por !p0, !p0;
	s16 =	simm.s32 $0x1;
	v8 =	vadd.s32 v4, v13;
	v13 =	vadd.s32 v5, v13;
	v18 =	vadd.s32 v3, v15;
	v17 =	vld [tilespmem:s20+$0x80]  }
0x2c6: {  	s16 =	simm.s32 @!p0 $0x0;
	[tilespmem:v20+s10+$0x0] =	vst.idx.add.f32.msk $0xffff, v19  }
0x2c7: {  	s16 =	sshll.u32 s16, $0x6;
	[tilespmem:v23+s10+$0x0] =	vst.idx.add.f32.msk $0xffff, v22  }
0x2c8: {  	s16 =	sadd.s32 s16, s15;
	v19 =	vld [tilespmem:s18+$0x80]  }
0x2c9: {  	s22 =	sadd.s32 $0x30, s16;
	s20 =	sadd.s32 $0x20, s16;
	s18 =	sadd.s32 $0x10, s16;
	[tilespmem:v14+s10+$0x0] =	vst.idx.add.f32.msk $0xffff, v25  }
0x2ca: {  	s22 =	sor.u32 $0x100, s22;
	s20 =	sor.u32 $0x100, s20;
	s18 =	sor.u32 $0x100, s18;
	[tilespmem:v18+s10+$0x0] =	vst.idx.add.f32.msk $0xffff, v17  }
0x2cb: {  	s16 =	sor.u32 $0x100, s16;
	v18 =	vadd.s32 v4, v15;
	v17 =	vld [tilespmem:s22+$0x0]  }
0x2cc: {  	v15 =	vadd.s32 v5, v15;
	v20 =	vld [tilespmem:s19+$0x80]  }
0x2cd: {  	v22 =	vld [tilespmem:s21+$0x80]  }
0x2ce: {  	[tilespmem:v21+s10+$0x0] =	vst.idx.add.f32.msk $0xffff, v19  }
0x2cf: {  	v14 =	vld [tilespmem:s18+$0x0]  }
.Ltmp7:
0x2d0: {  	[tilespmem:v18+s10+$0x0] =	vst.idx.add.f32.msk $0xffff, v17;
	(pc) =	sbr.rel @p1 .LBB2_16-.Ltmp7, $4  }
0x2d1: {  	[tilespmem:v15+s10+$0x0] =	vst.idx.add.f32.msk $0xffff, v6  }
0x2d2: {  	[tilespmem:v24+s10+$0x0] =	vst.idx.add.f32.msk $0xffff, v20  }
0x2d3: {  	[tilespmem:v16+s10+$0x0] =	vst.idx.add.f32.msk $0xffff, v22  }
0x2d4: {  	v15 =	vld [tilespmem:s20+$0x0]  }
0x2d5: {  	_ =	sdelay $0x2  }
0x2d6: {  	v16 =	vld [tilespmem:s16+$0x0]  }
0x2d7: {  	[tilespmem:v11+s10+$0x0] =	vst.idx.add.f32.msk $0xffff, v14  }
0x2d8: {  	[tilespmem:v7+s10+$0x0] =	vst.idx.add.f32.msk $0xffff, v6  }
0x2d9: {  	[tilespmem:v12+s10+$0x0] =	vst.idx.add.f32.msk $0xffff, v6  }
0x2da: {  	[tilespmem:v10+s10+$0x0] =	vst.idx.add.f32.msk $0xffff, v15  }
0x2db: {  	[tilespmem:v9+s10+$0x0] =	vst.idx.add.f32.msk $0xffff, v6  }
0x2dc: {  	[tilespmem:v8+s10+$0x0] =	vst.idx.add.f32.msk $0xffff, v16  }
0x2dd: {  	[tilespmem:v13+s10+$0x0] =	vst.idx.add.f32.msk $0xffff, v6  }
0x2de: {  	s15 =	simm.s32 $0x0;
	s14 =	rddreg [dreg:$0xc]  }
0x2df: {  	[tilespmem:s15], [sflag:$0x1] =	stream.linear.gather [hbm4b:s14+s15], $0x8000, $0x38;
	[tilespmem:$0x15000] =	vst v63  }
0x2e0: {  	s24 =	rddreg [dreg:$0x1c]  }
0x2e1: {  	[tilespmem:s5], [sflag:$0x3] =	stream.linear.gather [hbm4b:s24+s15], $0x2000, $0x38;
	[tilespmem:$0x15000] =	vst v63  }
0x2e2: {  	_ =	swait.ge [sflag:s11], $0x8000  }
0x2e3: {  	[sflag:s11] =	ssyncset.done $0x0  }
0x2e4: {  	[sflag:s11] =	ssyncadd.s32 $0xFFFF8000  }
0x2e5: {  	_ =	swait.ge [sflag:s12], $0x2000  }
0x2e6: {  	[sflag:s12] =	ssyncset.done $0x0  }
0x2e7: {  	s25 =	simm.s32 $0x0;
	s14 =	simm.s32 $0x0;
	[sflag:s12] =	ssyncadd.s32 $0xFFFFE000  }
0x2e8: {  	s26 =	sand.u32 $0x40, s14;
	s18 =	sand.u32 $0x1F80, s14;
	v7 =	vld [tilespmem:s25+$0x12000]  }
0x2e9: {  	s19 =	sor.u32 $0x10, s26;
	s18 =	sor.u32 $0x12000, s18  }
0x2ea: {  	s21 =	sor.u32 $0x20, s26;
	s20 =	sor.u32 s19, s18  }
0x2eb: {  	s15 =	sand.u32 $0x7E00, s15;
	s16 =	sor.u32 $0x30, s26;
	s22 =	sor.u32 s21, s18;
	v8 =	vld [tilespmem:s20+$0x0]  }
0x2ec: {  	s15 =	sor.u32 $0x8000, s15;
	s18 =	sor.u32 s16, s18;
	v9 =	vld [tilespmem:s22+$0x0]  }
0x2ed: {  	s28 =	sor.u32 s26, s15;
	v13 =	vld [tilespmem:s18+$0x0];
	v10 =	vshll.u32 v7, $0x4  }
0x2ee: {  	v11 =	vld [tilespmem:s28+$0x0];
	v12 =	vor.u32 v0, v10;
	_ =	sdelay $0x1  }
0x2ef: {  	s19 =	sor.u32 s19, s15  }
0x2f0: {  	s29 =	sor.u32 s21, s15;
	s15 =	sor.u32 s16, s15;
	v14 =	vld [tilespmem:s19+$0x0];
	v7 =	vshll.u32 v8, $0x4  }
0x2f1: {  	v8 =	vshll.u32 v9, $0x4;
	v9 =	vshll.u32 v13, $0x4;
	v13 =	vld [tilespmem:s15+$0x0];
	v16 =	vor.u32 v0, v7  }
0x2f2: {  	v18 =	vor.u32 v0, v9;
	[tilespmem:v12+s10+$0x0] =	vst.idx.add.f32.msk $0xffff, v11  }
0x2f3: {  	v17 =	vadd.s32 v3, v10;
	v12 =	vld [tilespmem:s28+$0x80]  }
0x2f4: {  	p0 =	por $0x0, $0x0;
	s16 =	simm.s32 $0x1  }
0x2f5: {  	s16 =	simm.s32 @!p0 $0x0;
	v15 =	vld [tilespmem:s29+$0x0]  }
0x2f6: {  	s16 =	sshll.u32 s16, $0x6;
	v11 =	vor.u32 v0, v8;
	[tilespmem:v16+s10+$0x0] =	vst.idx.add.f32.msk $0xffff, v14  }
0x2f7: {  	s20 =	sadd.s32 $0x0, s16;
	[tilespmem:v18+s10+$0x0] =	vst.idx.add.f32.msk $0xffff, v13  }
0x2f8: {  	s16 =	sor.u32 $0x100, s20;
	[tilespmem:v17+s10+$0x0] =	vst.idx.add.f32.msk $0xffff, v12  }
0x2f9: {  	v19 =	vadd.s32 v4, v10;
	v17 =	vld [tilespmem:s16+$0x8000]  }
0x2fa: {  	v10 =	vadd.s32 v5, v10;
	v14 =	vld [tilespmem:s19+$0x80]  }
0x2fb: {  	[tilespmem:v11+s10+$0x0] =	vst.idx.add.f32.msk $0xffff, v15;
	v15 =	vadd.s32 v3, v7  }
0x2fc: {  	v16 =	vadd.s32 v3, v8;
	v13 =	vld [tilespmem:s29+$0x80]  }
0x2fd: {  	p0 =	por !p0, !p0;
	v11 =	vld [tilespmem:s15+$0x80];
	v12 =	vadd.s32 v3, v9  }
0x2fe: {  	s23 =	sadd.s32 $0x10, s20;
	s19 =	sadd.s32 $0x30, s20;
	s15 =	simm.s32 $0x100;
	[tilespmem:v19+s10+$0x0] =	vst.idx.add.f32.msk $0xffff, v17  }
.LBB2_18:
0x2ff: {  	s14 =	sadd.s32 $0x40, s14;
	s24 =	sshra.s32 s15, $0x2;
	s16 =	sand.u32 $0x7E00, s15;
	[tilespmem:v10+s10+$0x0] =	vst.idx.add.f32.msk $0xffff, v6  }
0x300: {  	s25 =	sand.u32 $0x40, s14;
	s21 =	sor.u32 $0x8000, s16;
	s16 =	sand.u32 $0x1F80, s14;
	[tilespmem:v15+s10+$0x0] =	vst.idx.add.f32.msk $0xffff, v14  }
0x301: {  	s18 =	sor.u32 $0x10, s25;
	s26 =	sor.u32 $0x12000, s16;
	s22 =	sor.u32 $0x30, s25;
	[tilespmem:v16+s10+$0x0] =	vst.idx.add.f32.msk $0xffff, v13  }
0x302: {  	s28 =	sor.u32 s18, s26;
	s16 =	sor.u32 s18, s21;
	s18 =	sor.u32 $0x20, s25;
	[tilespmem:v12+s10+$0x0] =	vst.idx.add.f32.msk $0xffff, v11  }
0x303: {  	v10 =	vld [tilespmem:s16+$0x0];
	s29 =	sor.u32 s18, s26;
	s18 =	sor.u32 s18, s21;
	s26 =	sor.u32 s22, s26  }
0x304: {  	s23 =	sor.u32 $0x100, s23;
	s20 =	sadd.s32 $0x20, s20;
	p1 =	slt.u32 s14, $0x1FC0;
	v11 =	vld [tilespmem:s18+$0x0]  }
0x305: {  	s20 =	sor.u32 $0x100, s20;
	s25 =	sor.u32 s25, s21;
	v12 =	vld [tilespmem:s23+$0x8000]  }
0x306: {  	v13 =	vadd.s32 v4, v7;
	v14 =	vld [tilespmem:s20+$0x8000]  }
0x307: {  	v15 =	vld [tilespmem:s24+$0x12000]  }
0x308: {  	v17 =	vadd.s32 v4, v8;
	s19 =	sor.u32 $0x100, s19;
	v16 =	vld [tilespmem:s25+$0x0]  }
0x309: {  	v18 =	vld [tilespmem:s19+$0x8000]  }
0x30a: {  	v8 =	vadd.s32 v5, v8;
	v19 =	vld [tilespmem:s28+$0x0]  }
0x30b: {  	[tilespmem:v13+s10+$0x0] =	vst.idx.add.f32.msk $0xffff, v12;
	v12 =	vadd.s32 v4, v9  }
0x30c: {  	v9 =	vadd.s32 v5, v9;
	v13 =	vshll.u32 v15, $0x4;
	v15 =	vld [tilespmem:s29+$0x0]  }
0x30d: {  	v20 =	vor.u32 v0, v13;
	[tilespmem:v17+s10+$0x0] =	vst.idx.add.f32.msk $0xffff, v14  }
0x30e: {  	v17 =	vadd.s32 v5, v7;
	v14 =	vld [tilespmem:s26+$0x0]  }
0x30f: {  	[tilespmem:v8+s10+$0x0] =	vst.idx.add.f32.msk $0xffff, v6  }
0x310: {  	v7 =	vshll.u32 v19, $0x4;
	[tilespmem:v12+s10+$0x0] =	vst.idx.add.f32.msk $0xffff, v18  }
0x311: {  	v12 =	vor.u32 v0, v7;
	v8 =	vshll.u32 v15, $0x4;
	[tilespmem:v9+s10+$0x0] =	vst.idx.add.f32.msk $0xffff, v6  }
0x312: {  	[tilespmem:v20+s10+$0x0] =	vst.idx.add.f32.msk $0xffff, v16;
	v15 =	vor.u32 v0, v8  }
0x313: {  	v18 =	vadd.s32 v3, v13;
	v16 =	vld [tilespmem:s25+$0x80]  }
0x314: {  	s21 =	sor.u32 s22, s21;
	s19 =	simm.s32 $0x1;
	v9 =	vshll.u32 v14, $0x4;
	[tilespmem:v17+s10+$0x0] =	vst.idx.add.f32.msk $0xffff, v6  }
0x315: {  	s19 =	simm.s32 @!p0 $0x0;
	v17 =	vor.u32 v0, v9;
	v14 =	vld [tilespmem:s21+$0x0]  }
0x316: {  	s19 =	sshll.u32 s19, $0x6;
	[tilespmem:v12+s10+$0x0] =	vst.idx.add.f32.msk $0xffff, v10  }
0x317: {  	s20 =	sadd.s32 s19, s15;
	[tilespmem:v15+s10+$0x0] =	vst.idx.add.f32.msk $0xffff, v11  }
0x318: {  	s22 =	sor.u32 $0x100, s20;
	s23 =	sadd.s32 $0x10, s20;
	s19 =	sadd.s32 $0x30, s20;
	[tilespmem:v18+s10+$0x0] =	vst.idx.add.f32.msk $0xffff, v16  }
0x319: {  	v19 =	vadd.s32 v4, v13;
	v18 =	vld [tilespmem:s22+$0x8000]  }
.Ltmp8:
0x31a: {  	v10 =	vadd.s32 v5, v13;
	[tilespmem:v17+s10+$0x0] =	vst.idx.add.f32.msk $0xffff, v14;
	(pc) =	sbr.rel @p1 .LBB2_18-.Ltmp8, $4  }
0x31b: {  	v15 =	vadd.s32 v3, v7;
	v14 =	vld [tilespmem:s16+$0x80]  }
0x31c: {  	v16 =	vadd.s32 v3, v8;
	v13 =	vld [tilespmem:s18+$0x80]  }
0x31d: {  	v12 =	vadd.s32 v3, v9;
	v11 =	vld [tilespmem:s21+$0x80]  }
0x31e: {  	p0 =	por !p0, !p0;
	s15 =	sadd.s32 $0x100, s15;
	[tilespmem:v19+s10+$0x0] =	vst.idx.add.f32.msk $0xffff, v18  }
0x31f: {  	_ =	sdelay $0x3  }
0x320: {  	[tilespmem:v15+s10+$0x0] =	vst.idx.add.f32.msk $0xffff, v14  }
0x321: {  	s14 =	sor.u32 $0x100, s23;
	s15 =	sadd.s32 $0x20, s20;
	[tilespmem:v16+s10+$0x0] =	vst.idx.add.f32.msk $0xffff, v13  }
0x322: {  	s26 =	sor.u32 $0x100, s15;
	v14 =	vadd.s32 v4, v7;
	v13 =	vld [tilespmem:s14+$0x8000]  }
0x323: {  	v16 =	vadd.s32 v4, v8;
	v15 =	vld [tilespmem:s26+$0x8000]  }
0x324: {  	[tilespmem:v10+s10+$0x0] =	vst.idx.add.f32.msk $0xffff, v6;
	v7 =	vadd.s32 v5, v7  }
0x325: {  	s28 =	sor.u32 $0x100, s19;
	v8 =	vadd.s32 v5, v8;
	[tilespmem:v12+s10+$0x0] =	vst.idx.add.f32.msk $0xffff, v11  }
0x326: {  	v12 =	vadd.s32 v4, v9;
	v11 =	vld [tilespmem:s28+$0x8000]  }
0x327: {  	v9 =	vadd.s32 v5, v9;
	[tilespmem:v14+s10+$0x0] =	vst.idx.add.f32.msk $0xffff, v13  }
0x328: {  	[tilespmem:v16+s10+$0x0] =	vst.idx.add.f32.msk $0xffff, v15  }
0x329: {  	[tilespmem:v7+s10+$0x0] =	vst.idx.add.f32.msk $0xffff, v6  }
0x32a: {  	[tilespmem:v8+s10+$0x0] =	vst.idx.add.f32.msk $0xffff, v6  }
0x32b: {  	[tilespmem:v12+s10+$0x0] =	vst.idx.add.f32.msk $0xffff, v11  }
0x32c: {  	[tilespmem:v9+s10+$0x0] =	vst.idx.add.f32.msk $0xffff, v6  }
0x32d: {  	s29 =	simm.s32 $0x0;
	s19 =	rddreg [dreg:$0xd]  }
0x32e: {  	[tilespmem:s6], [sflag:$0x2] =	stream.linear.gather [hbm4b:s19+s29], $0x8000, $0x38;
	[tilespmem:$0x15000] =	vst v63  }
0x32f: {  	s20 =	rddreg [dreg:$0x1d]  }
0x330: {  	[tilespmem:s7], [sflag:$0x4] =	stream.linear.gather [hbm4b:s20+s29], $0x2000, $0x38;
	[tilespmem:$0x15000] =	vst v63  }
0x331: {  	_ =	swait.ge [sflag:s8], $0x8000  }
0x332: {  	[sflag:s8] =	ssyncset.done $0x0  }
0x333: {  	s21 =	simm.s32 $0x0;
	[sflag:s8] =	ssyncadd.s32 $0xFFFF8000  }
0x334: {  	s16 =	sand.u32 $0x40, s21;
	s15 =	sand.u32 $0x1F80, s21;
	_ =	swait.ge [sflag:s9], $0x2000  }
0x335: {  	s15 =	sor.u32 $0x10000, s15;
	s18 =	sor.u32 $0x30, s16;
	[sflag:s9] =	ssyncset.done $0x0  }
0x336: {  	s23 =	sor.u32 $0x10, s16;
	s22 =	sor.u32 s18, s15;
	[sflag:s9] =	ssyncadd.s32 $0xFFFFE000  }
0x337: {  	s24 =	sor.u32 s23, s15;
	v7 =	vld [tilespmem:s22+$0x0]  }
0x338: {  	s21 =	sor.u32 $0x20, s16;
	v8 =	vld [tilespmem:s24+$0x0]  }
0x339: {  	s15 =	sor.u32 s21, s15  }
0x33a: {  	s25 =	simm.s32 $0x0;
	v9 =	vld [tilespmem:s15+$0x0]  }
0x33b: {  	s14 =	sand.u32 $0x7E00, s29;
	v10 =	vld [tilespmem:s25+$0x10000]  }
0x33c: {  	s26 =	sor.u32 s18, s14;
	v7 =	vshll.u32 v7, $0x4  }
0x33d: {  	s28 =	sor.u32 s23, s14;
	v11 =	vld [tilespmem:s26+$0x0];
	v8 =	vshll.u32 v8, $0x4;
	v12 =	vor.u32 v0, v7  }
0x33e: {  	v13 =	vld [tilespmem:s28+$0x0];
	v14 =	vor.u32 v0, v8  }
0x33f: {  	s29 =	sor.u32 s21, s14;
	v9 =	vshll.u32 v9, $0x4  }
0x340: {  	s14 =	sor.u32 s16, s14;
	v15 =	vld [tilespmem:s29+$0x0];
	v10 =	vshll.u32 v10, $0x4;
	v16 =	vor.u32 v0, v9  }
0x341: {  	v17 =	vld [tilespmem:s14+$0x0];
	v18 =	vor.u32 v0, v10  }
0x342: {  	[tilespmem:v12+s10+$0x0] =	vst.idx.add.f32.msk $0xffff, v11  }
0x343: {  	[tilespmem:v14+s10+$0x0] =	vst.idx.add.f32.msk $0xffff, v13  }
0x344: {  	p0 =	por $0x0, $0x0;
	s15 =	simm.s32 $0x1;
	v12 =	vadd.s32 v3, v7;
	v11 =	vld [tilespmem:s26+$0x80]  }
0x345: {  	s15 =	simm.s32 @!p0 $0x0;
	[tilespmem:v16+s10+$0x0] =	vst.idx.add.f32.msk $0xffff, v15  }
0x346: {  	s15 =	sshll.u32 s15, $0x6;
	[tilespmem:v18+s10+$0x0] =	vst.idx.add.f32.msk $0xffff, v17  }
0x347: {  	s15 =	sadd.s32 $0x0, s15;
	v14 =	vadd.s32 v3, v8;
	v13 =	vld [tilespmem:s28+$0x80]  }
0x348: {  	s18 =	sadd.s32 $0x30, s15;
	v16 =	vadd.s32 v3, v9;
	v15 =	vld [tilespmem:s29+$0x80]  }
0x349: {  	s16 =	sor.u32 $0x100, s18;
	[tilespmem:v12+s10+$0x0] =	vst.idx.add.f32.msk $0xffff, v11  }
0x34a: {  	v12 =	vadd.s32 v4, v7;
	v11 =	vld [tilespmem:s16+$0x0]  }
0x34b: {  	v17 =	vld [tilespmem:s14+$0x80];
	v7 =	vadd.s32 v5, v7  }
0x34c: {  	s19 =	sadd.s32 $0x10, s15;
	[tilespmem:v14+s10+$0x0] =	vst.idx.add.f32.msk $0xffff, v13  }
0x34d: {  	s20 =	sor.u32 $0x100, s19;
	v61 =	vadd.s32 v3, v10;
	[tilespmem:v16+s10+$0x0] =	vst.idx.add.f32.msk $0xffff, v15  }
0x34e: {  	v13 =	vld [tilespmem:s20+$0x0]  }
0x34f: {  	s21 =	sadd.s32 $0x20, s15;
	[tilespmem:v12+s10+$0x0] =	vst.idx.add.f32.msk $0xffff, v11;
	v11 =	vadd.s32 v4, v8  }
0x350: {  	s14 =	sor.u32 $0x100, s21;
	[tilespmem:v7+s10+$0x0] =	vst.idx.add.f32.msk $0xffff, v6  }
0x351: {  	v7 =	vadd.s32 v5, v8;
	v8 =	vld [tilespmem:s14+$0x0];
	s14 =	simm.s32 $0x40  }
0x352: {  	s15 =	sor.u32 $0x100, s15;
	[tilespmem:v61+s10+$0x0] =	vst.idx.add.f32.msk $0xffff, v17;
	s16 =	sand.u32 $0x40, s14;
	s22 =	sand.u32 $0x1F80, s14  }
0x353: {  	v12 =	vld [tilespmem:s15+$0x0];
	s15 =	sor.u32 $0x10000, s22;
	s24 =	sor.u32 $0x10, s16  }
0x354: {  	v14 =	vadd.s32 v4, v9;
	s26 =	sor.u32 s24, s15;
	[tilespmem:v11+s10+$0x0] =	vst.idx.add.f32.msk $0xffff, v13  }
0x355: {  	v9 =	vadd.s32 v5, v9;
	s23 =	sor.u32 $0x30, s16;
	v11 =	vld [tilespmem:s26+$0x0]  }
0x356: {  	s22 =	sor.u32 $0x20, s16;
	s25 =	sor.u32 s23, s15;
	[tilespmem:v7+s10+$0x0] =	vst.idx.add.f32.msk $0xffff, v6  }
0x357: {  	s15 =	sor.u32 s22, s15;
	v7 =	vld [tilespmem:s25+$0x0]  }
0x358: {  	v13 =	vld [tilespmem:s15+$0x0]  }
0x359: {  	s15 =	simm.s32 $0x100;
	[tilespmem:v14+s10+$0x0] =	vst.idx.add.f32.msk $0xffff, v8  }
0x35a: {  	s28 =	simm.s32 $0x40;
	s29 =	sand.u32 $0x7E00, s15;
	[tilespmem:v9+s10+$0x0] =	vst.idx.add.f32.msk $0xffff, v6  }
0x35b: {  	v8 =	vadd.s32 v4, v10;
	v9 =	vld [tilespmem:s28+$0x10000];
	s19 =	sor.u32 s24, s29;
	v16 =	vshll.u32 v11, $0x4  }
0x35c: {  	s18 =	sor.u32 s23, s29;
	v11 =	vld [tilespmem:s19+$0x0];
	v7 =	vshll.u32 v7, $0x4;
	v17 =	vor.u32 v0, v16  }
0x35d: {  	s23 =	sor.u32 s22, s29;
	v14 =	vld [tilespmem:s18+$0x0];
	v15 =	vor.u32 v0, v7  }
0x35e: {  	s16 =	sor.u32 s16, s29;
	v62 =	vld [tilespmem:s23+$0x0];
	v13 =	vshll.u32 v13, $0x4  }
0x35f: {  	v20 =	vld [tilespmem:s16+$0x0];
	v19 =	vor.u32 v0, v13  }
0x360: {  	[tilespmem:v8+s10+$0x0] =	vst.idx.add.f32.msk $0xffff, v12;
	v21 =	vshll.u32 v9, $0x4  }
0x361: {  	v8 =	vor.u32 v0, v21;
	[tilespmem:v17+s10+$0x0] =	vst.idx.add.f32.msk $0xffff, v11  }
0x362: {  	[tilespmem:v15+s10+$0x0] =	vst.idx.add.f32.msk $0xffff, v14  }
0x363: {  	v12 =	vadd.s32 v3, v7;
	v9 =	vld [tilespmem:s18+$0x80]  }
0x364: {  	p0 =	por !p0, !p0;
	[tilespmem:v19+s10+$0x0] =	vst.idx.add.f32.msk $0xffff, v62;
	s18 =	simm.s32 $0x1  }
0x365: {  	v11 =	vld [tilespmem:s19+$0x80];
	s18 =	simm.s32 @!p0 $0x0  }
0x366: {  	v14 =	vadd.s32 v3, v16;
	[tilespmem:v8+s10+$0x0] =	vst.idx.add.f32.msk $0xffff, v20;
	s18 =	sshll.u32 s18, $0x6  }
0x367: {  	v17 =	vld [tilespmem:s16+$0x80];
	s18 =	sadd.s32 $0x100, s18  }
0x368: {  	v63 =	vadd.s32 v3, v21;
	s24 =	sadd.s32 $0x30, s18;
	[tilespmem:v12+s10+$0x0] =	vst.idx.add.f32.msk $0xffff, v9  }
0x369: {  	v15 =	vadd.s32 v3, v13;
	s19 =	sor.u32 $0x100, s24;
	v12 =	vld [tilespmem:s23+$0x80]  }
0x36a: {  	s25 =	sadd.s32 $0x10, s18;
	v9 =	vadd.s32 v4, v7;
	v8 =	vld [tilespmem:s19+$0x0]  }
0x36b: {  	[tilespmem:v14+s10+$0x0] =	vst.idx.add.f32.msk $0xffff, v11;
	v7 =	vadd.s32 v5, v7;
	s26 =	sor.u32 $0x100, s25  }
0x36c: {  	v14 =	vld [tilespmem:s26+$0x0]  }
0x36d: {  	[tilespmem:v63+s10+$0x0] =	vst.idx.add.f32.msk $0xffff, v17  }
0x36e: {  	v11 =	vadd.s32 v4, v16;
	[tilespmem:v15+s10+$0x0] =	vst.idx.add.f32.msk $0xffff, v12  }
0x36f: {  	s28 =	sadd.s32 $0x20, s18;
	v12 =	vadd.s32 v5, v16;
	[tilespmem:v9+s10+$0x0] =	vst.idx.add.f32.msk $0xffff, v8  }
0x370: {  	s29 =	sor.u32 $0x100, s28;
	v9 =	vadd.s32 v5, v13;
	[tilespmem:v7+s10+$0x0] =	vst.idx.add.f32.msk $0xffff, v6;
	v7 =	vadd.s32 v5, v10  }
0x371: {  	s16 =	sor.u32 $0x100, s18;
	v8 =	vadd.s32 v4, v21;
	v15 =	vld [tilespmem:s29+$0x0];
	v10 =	vadd.s32 v4, v13;
	v13 =	vadd.s32 v5, v21  }
.LBB2_20:
0x372: {  	s14 =	sadd.s32 $0x40, s14;
	v16 =	vld [tilespmem:s16+$0x0]  }
0x373: {  	s16 =	sand.u32 $0x40, s14;
	s18 =	sand.u32 $0x1F80, s14;
	p1 =	slt.u32 s14, $0x1FC0;
	[tilespmem:v11+s10+$0x0] =	vst.idx.add.f32.msk $0xffff, v14  }
0x374: {  	s19 =	sor.u32 $0x10, s16;
	s18 =	sor.u32 $0x10000, s18;
	s20 =	sor.u32 $0x30, s16;
	[tilespmem:v12+s10+$0x0] =	vst.idx.add.f32.msk $0xffff, v6  }
0x375: {  	s22 =	sor.u32 $0x20, s16;
	s21 =	sor.u32 s19, s18;
	s23 =	sor.u32 s20, s18;
	[tilespmem:v7+s10+$0x0] =	vst.idx.add.f32.msk $0xffff, v6;
	v7 =	vmov v13  }
0x376: {  	s18 =	sor.u32 s22, s18;
	v11 =	vld [tilespmem:s23+$0x0]  }
0x377: {  	v12 =	vld [tilespmem:s21+$0x0]  }
0x378: {  	v13 =	vld [tilespmem:s18+$0x0]  }
0x379: {  	s15 =	sadd.s32 $0x100, s15;
	[tilespmem:v10+s10+$0x0] =	vst.idx.add.f32.msk $0xffff, v15  }
0x37a: {  	s21 =	sand.u32 $0x7E00, s15;
	s18 =	sshra.s32 s15, $0x2;
	[tilespmem:v9+s10+$0x0] =	vst.idx.add.f32.msk $0xffff, v6  }
0x37b: {  	s20 =	sor.u32 s20, s21;
	v14 =	vld [tilespmem:s18+$0x10000];
	s18 =	sor.u32 s19, s21;
	s19 =	sor.u32 s22, s21;
	v15 =	vshll.u32 v11, $0x4  }
0x37c: {  	s21 =	sor.u32 s16, s21;
	v9 =	vshll.u32 v12, $0x4;
	v17 =	vld [tilespmem:s20+$0x0];
	v18 =	vor.u32 v0, v15  }
0x37d: {  	v19 =	vld [tilespmem:s18+$0x0];
	v20 =	vor.u32 v0, v9;
	v21 =	vadd.s32 v3, v9;
	v13 =	vshll.u32 v13, $0x4  }
0x37e: {  	v11 =	vadd.s32 v4, v9;
	v22 =	vld [tilespmem:s19+$0x0];
	v23 =	vor.u32 v0, v13;
	v24 =	vadd.s32 v3, v13  }
0x37f: {  	v12 =	vadd.s32 v5, v9;
	v10 =	vadd.s32 v4, v13;
	v9 =	vadd.s32 v5, v13;
	v25 =	vld [tilespmem:s21+$0x0]  }
0x380: {  	v13 =	vshll.u32 v14, $0x4;
	[tilespmem:v8+s10+$0x0] =	vst.idx.add.f32.msk $0xffff, v16  }
0x381: {  	v14 =	vor.u32 v0, v13;
	v16 =	vadd.s32 v3, v13;
	[tilespmem:v18+s10+$0x0] =	vst.idx.add.f32.msk $0xffff, v17  }
0x382: {  	p0 =	por !p0, !p0;
	s16 =	simm.s32 $0x1;
	v8 =	vadd.s32 v4, v13;
	v13 =	vadd.s32 v5, v13;
	v18 =	vadd.s32 v3, v15;
	v17 =	vld [tilespmem:s20+$0x80]  }
0x383: {  	s16 =	simm.s32 @!p0 $0x0;
	[tilespmem:v20+s10+$0x0] =	vst.idx.add.f32.msk $0xffff, v19  }
0x384: {  	s16 =	sshll.u32 s16, $0x6;
	[tilespmem:v23+s10+$0x0] =	vst.idx.add.f32.msk $0xffff, v22  }
0x385: {  	s16 =	sadd.s32 s16, s15;
	v19 =	vld [tilespmem:s18+$0x80]  }
0x386: {  	s22 =	sadd.s32 $0x30, s16;
	s20 =	sadd.s32 $0x20, s16;
	s18 =	sadd.s32 $0x10, s16;
	[tilespmem:v14+s10+$0x0] =	vst.idx.add.f32.msk $0xffff, v25  }
0x387: {  	s22 =	sor.u32 $0x100, s22;
	s20 =	sor.u32 $0x100, s20;
	s18 =	sor.u32 $0x100, s18;
	[tilespmem:v18+s10+$0x0] =	vst.idx.add.f32.msk $0xffff, v17  }
0x388: {  	s16 =	sor.u32 $0x100, s16;
	v18 =	vadd.s32 v4, v15;
	v17 =	vld [tilespmem:s22+$0x0]  }
0x389: {  	v15 =	vadd.s32 v5, v15;
	v20 =	vld [tilespmem:s19+$0x80]  }
0x38a: {  	v22 =	vld [tilespmem:s21+$0x80]  }
0x38b: {  	[tilespmem:v21+s10+$0x0] =	vst.idx.add.f32.msk $0xffff, v19  }
0x38c: {  	v14 =	vld [tilespmem:s18+$0x0]  }
.Ltmp9:
0x38d: {  	[tilespmem:v18+s10+$0x0] =	vst.idx.add.f32.msk $0xffff, v17;
	(pc) =	sbr.rel @p1 .LBB2_20-.Ltmp9, $4  }
0x38e: {  	[tilespmem:v15+s10+$0x0] =	vst.idx.add.f32.msk $0xffff, v6  }
0x38f: {  	[tilespmem:v24+s10+$0x0] =	vst.idx.add.f32.msk $0xffff, v20  }
0x390: {  	[tilespmem:v16+s10+$0x0] =	vst.idx.add.f32.msk $0xffff, v22  }
0x391: {  	v15 =	vld [tilespmem:s20+$0x0]  }
0x392: {  	_ =	sdelay $0x2  }
0x393: {  	v16 =	vld [tilespmem:s16+$0x0]  }
0x394: {  	[tilespmem:v11+s10+$0x0] =	vst.idx.add.f32.msk $0xffff, v14  }
0x395: {  	[tilespmem:v7+s10+$0x0] =	vst.idx.add.f32.msk $0xffff, v6  }
0x396: {  	[tilespmem:v12+s10+$0x0] =	vst.idx.add.f32.msk $0xffff, v6  }
0x397: {  	[tilespmem:v10+s10+$0x0] =	vst.idx.add.f32.msk $0xffff, v15  }
0x398: {  	[tilespmem:v9+s10+$0x0] =	vst.idx.add.f32.msk $0xffff, v6  }
0x399: {  	[tilespmem:v8+s10+$0x0] =	vst.idx.add.f32.msk $0xffff, v16  }
0x39a: {  	[tilespmem:v13+s10+$0x0] =	vst.idx.add.f32.msk $0xffff, v6  }
0x39b: {  	s15 =	simm.s32 $0x0;
	s14 =	rddreg [dreg:$0xe]  }
0x39c: {  	[tilespmem:s15], [sflag:$0x1] =	stream.linear.gather [hbm4b:s14+s15], $0x8000, $0x38;
	[tilespmem:$0x15000] =	vst v63  }
0x39d: {  	s24 =	rddreg [dreg:$0x1e]  }
0x39e: {  	[tilespmem:s5], [sflag:$0x3] =	stream.linear.gather [hbm4b:s24+s15], $0x2000, $0x38;
	[tilespmem:$0x15000] =	vst v63  }
0x39f: {  	_ =	swait.ge [sflag:s11], $0x8000  }
0x3a0: {  	[sflag:s11] =	ssyncset.done $0x0  }
0x3a1: {  	[sflag:s11] =	ssyncadd.s32 $0xFFFF8000  }
0x3a2: {  	_ =	swait.ge [sflag:s12], $0x2000  }
0x3a3: {  	[sflag:s12] =	ssyncset.done $0x0  }
0x3a4: {  	s25 =	simm.s32 $0x0;
	s14 =	simm.s32 $0x0;
	[sflag:s12] =	ssyncadd.s32 $0xFFFFE000  }
0x3a5: {  	s26 =	sand.u32 $0x40, s14;
	s18 =	sand.u32 $0x1F80, s14;
	v7 =	vld [tilespmem:s25+$0x12000]  }
0x3a6: {  	s19 =	sor.u32 $0x10, s26;
	s18 =	sor.u32 $0x12000, s18  }
0x3a7: {  	s21 =	sor.u32 $0x20, s26;
	s20 =	sor.u32 s19, s18  }
0x3a8: {  	s15 =	sand.u32 $0x7E00, s15;
	s16 =	sor.u32 $0x30, s26;
	s22 =	sor.u32 s21, s18;
	v8 =	vld [tilespmem:s20+$0x0]  }
0x3a9: {  	s15 =	sor.u32 $0x8000, s15;
	s18 =	sor.u32 s16, s18;
	v9 =	vld [tilespmem:s22+$0x0]  }
0x3aa: {  	s28 =	sor.u32 s26, s15;
	v13 =	vld [tilespmem:s18+$0x0];
	v10 =	vshll.u32 v7, $0x4  }
0x3ab: {  	v11 =	vld [tilespmem:s28+$0x0];
	v12 =	vor.u32 v0, v10;
	_ =	sdelay $0x1  }
0x3ac: {  	s19 =	sor.u32 s19, s15  }
0x3ad: {  	s29 =	sor.u32 s21, s15;
	s15 =	sor.u32 s16, s15;
	v14 =	vld [tilespmem:s19+$0x0];
	v7 =	vshll.u32 v8, $0x4  }
0x3ae: {  	v8 =	vshll.u32 v9, $0x4;
	v9 =	vshll.u32 v13, $0x4;
	v13 =	vld [tilespmem:s15+$0x0];
	v16 =	vor.u32 v0, v7  }
0x3af: {  	v18 =	vor.u32 v0, v9;
	[tilespmem:v12+s10+$0x0] =	vst.idx.add.f32.msk $0xffff, v11  }
0x3b0: {  	v17 =	vadd.s32 v3, v10;
	v12 =	vld [tilespmem:s28+$0x80]  }
0x3b1: {  	p0 =	por $0x0, $0x0;
	s16 =	simm.s32 $0x1  }
0x3b2: {  	s16 =	simm.s32 @!p0 $0x0;
	v15 =	vld [tilespmem:s29+$0x0]  }
0x3b3: {  	s16 =	sshll.u32 s16, $0x6;
	v11 =	vor.u32 v0, v8;
	[tilespmem:v16+s10+$0x0] =	vst.idx.add.f32.msk $0xffff, v14  }
0x3b4: {  	s20 =	sadd.s32 $0x0, s16;
	[tilespmem:v18+s10+$0x0] =	vst.idx.add.f32.msk $0xffff, v13  }
0x3b5: {  	s16 =	sor.u32 $0x100, s20;
	[tilespmem:v17+s10+$0x0] =	vst.idx.add.f32.msk $0xffff, v12  }
0x3b6: {  	v19 =	vadd.s32 v4, v10;
	v17 =	vld [tilespmem:s16+$0x8000]  }
0x3b7: {  	v10 =	vadd.s32 v5, v10;
	v14 =	vld [tilespmem:s19+$0x80]  }
0x3b8: {  	[tilespmem:v11+s10+$0x0] =	vst.idx.add.f32.msk $0xffff, v15;
	v15 =	vadd.s32 v3, v7  }
0x3b9: {  	v16 =	vadd.s32 v3, v8;
	v13 =	vld [tilespmem:s29+$0x80]  }
0x3ba: {  	p0 =	por !p0, !p0;
	v11 =	vld [tilespmem:s15+$0x80];
	v12 =	vadd.s32 v3, v9  }
0x3bb: {  	s23 =	sadd.s32 $0x10, s20;
	s19 =	sadd.s32 $0x30, s20;
	s15 =	simm.s32 $0x100;
	[tilespmem:v19+s10+$0x0] =	vst.idx.add.f32.msk $0xffff, v17  }
.LBB2_22:
0x3bc: {  	s14 =	sadd.s32 $0x40, s14;
	s24 =	sshra.s32 s15, $0x2;
	s16 =	sand.u32 $0x7E00, s15;
	[tilespmem:v10+s10+$0x0] =	vst.idx.add.f32.msk $0xffff, v6  }
0x3bd: {  	s25 =	sand.u32 $0x40, s14;
	s21 =	sor.u32 $0x8000, s16;
	s16 =	sand.u32 $0x1F80, s14;
	[tilespmem:v15+s10+$0x0] =	vst.idx.add.f32.msk $0xffff, v14  }
0x3be: {  	s18 =	sor.u32 $0x10, s25;
	s26 =	sor.u32 $0x12000, s16;
	s22 =	sor.u32 $0x30, s25;
	[tilespmem:v16+s10+$0x0] =	vst.idx.add.f32.msk $0xffff, v13  }
0x3bf: {  	s28 =	sor.u32 s18, s26;
	s16 =	sor.u32 s18, s21;
	s18 =	sor.u32 $0x20, s25;
	[tilespmem:v12+s10+$0x0] =	vst.idx.add.f32.msk $0xffff, v11  }
0x3c0: {  	v10 =	vld [tilespmem:s16+$0x0];
	s29 =	sor.u32 s18, s26;
	s18 =	sor.u32 s18, s21;
	s26 =	sor.u32 s22, s26  }
0x3c1: {  	s23 =	sor.u32 $0x100, s23;
	s20 =	sadd.s32 $0x20, s20;
	p1 =	slt.u32 s14, $0x1FC0;
	v11 =	vld [tilespmem:s18+$0x0]  }
0x3c2: {  	s20 =	sor.u32 $0x100, s20;
	s25 =	sor.u32 s25, s21;
	v12 =	vld [tilespmem:s23+$0x8000]  }
0x3c3: {  	v13 =	vadd.s32 v4, v7;
	v14 =	vld [tilespmem:s20+$0x8000]  }
0x3c4: {  	v15 =	vld [tilespmem:s24+$0x12000]  }
0x3c5: {  	v17 =	vadd.s32 v4, v8;
	s19 =	sor.u32 $0x100, s19;
	v16 =	vld [tilespmem:s25+$0x0]  }
0x3c6: {  	v18 =	vld [tilespmem:s19+$0x8000]  }
0x3c7: {  	v8 =	vadd.s32 v5, v8;
	v19 =	vld [tilespmem:s28+$0x0]  }
0x3c8: {  	[tilespmem:v13+s10+$0x0] =	vst.idx.add.f32.msk $0xffff, v12;
	v12 =	vadd.s32 v4, v9  }
0x3c9: {  	v9 =	vadd.s32 v5, v9;
	v13 =	vshll.u32 v15, $0x4;
	v15 =	vld [tilespmem:s29+$0x0]  }
0x3ca: {  	v20 =	vor.u32 v0, v13;
	[tilespmem:v17+s10+$0x0] =	vst.idx.add.f32.msk $0xffff, v14  }
0x3cb: {  	v17 =	vadd.s32 v5, v7;
	v14 =	vld [tilespmem:s26+$0x0]  }
0x3cc: {  	[tilespmem:v8+s10+$0x0] =	vst.idx.add.f32.msk $0xffff, v6  }
0x3cd: {  	v7 =	vshll.u32 v19, $0x4;
	[tilespmem:v12+s10+$0x0] =	vst.idx.add.f32.msk $0xffff, v18  }
0x3ce: {  	v12 =	vor.u32 v0, v7;
	v8 =	vshll.u32 v15, $0x4;
	[tilespmem:v9+s10+$0x0] =	vst.idx.add.f32.msk $0xffff, v6  }
0x3cf: {  	[tilespmem:v20+s10+$0x0] =	vst.idx.add.f32.msk $0xffff, v16;
	v15 =	vor.u32 v0, v8  }
0x3d0: {  	v18 =	vadd.s32 v3, v13;
	v16 =	vld [tilespmem:s25+$0x80]  }
0x3d1: {  	s21 =	sor.u32 s22, s21;
	s19 =	simm.s32 $0x1;
	v9 =	vshll.u32 v14, $0x4;
	[tilespmem:v17+s10+$0x0] =	vst.idx.add.f32.msk $0xffff, v6  }
0x3d2: {  	s19 =	simm.s32 @!p0 $0x0;
	v17 =	vor.u32 v0, v9;
	v14 =	vld [tilespmem:s21+$0x0]  }
0x3d3: {  	s19 =	sshll.u32 s19, $0x6;
	[tilespmem:v12+s10+$0x0] =	vst.idx.add.f32.msk $0xffff, v10  }
0x3d4: {  	s20 =	sadd.s32 s19, s15;
	[tilespmem:v15+s10+$0x0] =	vst.idx.add.f32.msk $0xffff, v11  }
0x3d5: {  	s22 =	sor.u32 $0x100, s20;
	s23 =	sadd.s32 $0x10, s20;
	s19 =	sadd.s32 $0x30, s20;
	[tilespmem:v18+s10+$0x0] =	vst.idx.add.f32.msk $0xffff, v16  }
0x3d6: {  	v19 =	vadd.s32 v4, v13;
	v18 =	vld [tilespmem:s22+$0x8000]  }
.Ltmp10:
0x3d7: {  	v10 =	vadd.s32 v5, v13;
	[tilespmem:v17+s10+$0x0] =	vst.idx.add.f32.msk $0xffff, v14;
	(pc) =	sbr.rel @p1 .LBB2_22-.Ltmp10, $4  }
0x3d8: {  	v15 =	vadd.s32 v3, v7;
	v14 =	vld [tilespmem:s16+$0x80]  }
0x3d9: {  	v16 =	vadd.s32 v3, v8;
	v13 =	vld [tilespmem:s18+$0x80]  }
0x3da: {  	v12 =	vadd.s32 v3, v9;
	v11 =	vld [tilespmem:s21+$0x80]  }
0x3db: {  	p0 =	por !p0, !p0;
	s15 =	sadd.s32 $0x100, s15;
	[tilespmem:v19+s10+$0x0] =	vst.idx.add.f32.msk $0xffff, v18  }
0x3dc: {  	_ =	sdelay $0x3  }
0x3dd: {  	[tilespmem:v15+s10+$0x0] =	vst.idx.add.f32.msk $0xffff, v14  }
0x3de: {  	s14 =	sor.u32 $0x100, s23;
	s15 =	sadd.s32 $0x20, s20;
	[tilespmem:v16+s10+$0x0] =	vst.idx.add.f32.msk $0xffff, v13  }
0x3df: {  	s26 =	sor.u32 $0x100, s15;
	v14 =	vadd.s32 v4, v7;
	v13 =	vld [tilespmem:s14+$0x8000]  }
0x3e0: {  	v16 =	vadd.s32 v4, v8;
	v15 =	vld [tilespmem:s26+$0x8000]  }
0x3e1: {  	[tilespmem:v10+s10+$0x0] =	vst.idx.add.f32.msk $0xffff, v6;
	v7 =	vadd.s32 v5, v7  }
0x3e2: {  	s28 =	sor.u32 $0x100, s19;
	v8 =	vadd.s32 v5, v8;
	[tilespmem:v12+s10+$0x0] =	vst.idx.add.f32.msk $0xffff, v11  }
0x3e3: {  	v12 =	vadd.s32 v4, v9;
	v11 =	vld [tilespmem:s28+$0x8000]  }
0x3e4: {  	v9 =	vadd.s32 v5, v9;
	[tilespmem:v14+s10+$0x0] =	vst.idx.add.f32.msk $0xffff, v13  }
0x3e5: {  	[tilespmem:v16+s10+$0x0] =	vst.idx.add.f32.msk $0xffff, v15  }
0x3e6: {  	[tilespmem:v7+s10+$0x0] =	vst.idx.add.f32.msk $0xffff, v6  }
0x3e7: {  	[tilespmem:v8+s10+$0x0] =	vst.idx.add.f32.msk $0xffff, v6  }
0x3e8: {  	[tilespmem:v12+s10+$0x0] =	vst.idx.add.f32.msk $0xffff, v11  }
0x3e9: {  	[tilespmem:v9+s10+$0x0] =	vst.idx.add.f32.msk $0xffff, v6  }
0x3ea: {  	s29 =	simm.s32 $0x0;
	s20 =	rddreg [dreg:$0xf]  }
0x3eb: {  	[tilespmem:s6], [sflag:$0x2] =	stream.linear.gather [hbm4b:s20+s29], $0x8000, $0x38;
	[tilespmem:$0x15000] =	vst v63  }
0x3ec: {  	_ = 	snop  }
0x3ed: {  	[tilespmem:s7], [sflag:$0x4] =	stream.linear.gather [hbm4b:s30+s29], $0x2000, $0x38;
	[tilespmem:$0x15000] =	vst v63  }
0x3ee: {  	_ =	swait.ge [sflag:s8], $0x8000  }
0x3ef: {  	[sflag:s8] =	ssyncset.done $0x0  }
0x3f0: {  	s21 =	simm.s32 $0x0;
	[sflag:s8] =	ssyncadd.s32 $0xFFFF8000  }
0x3f1: {  	s16 =	sand.u32 $0x40, s21;
	s15 =	sand.u32 $0x1F80, s21;
	_ =	swait.ge [sflag:s9], $0x2000  }
0x3f2: {  	s15 =	sor.u32 $0x10000, s15;
	s18 =	sor.u32 $0x30, s16;
	[sflag:s9] =	ssyncset.done $0x0  }
0x3f3: {  	s23 =	sor.u32 $0x10, s16;
	s22 =	sor.u32 s18, s15;
	[sflag:s9] =	ssyncadd.s32 $0xFFFFE000  }
0x3f4: {  	s24 =	sor.u32 s23, s15;
	v7 =	vld [tilespmem:s22+$0x0]  }
0x3f5: {  	s21 =	sor.u32 $0x20, s16;
	v8 =	vld [tilespmem:s24+$0x0]  }
0x3f6: {  	s15 =	sor.u32 s21, s15  }
0x3f7: {  	s25 =	simm.s32 $0x0;
	v9 =	vld [tilespmem:s15+$0x0]  }
0x3f8: {  	s14 =	sand.u32 $0x7E00, s29;
	v10 =	vld [tilespmem:s25+$0x10000]  }
0x3f9: {  	s26 =	sor.u32 s18, s14;
	v7 =	vshll.u32 v7, $0x4  }
0x3fa: {  	s28 =	sor.u32 s23, s14;
	v11 =	vld [tilespmem:s26+$0x0];
	v8 =	vshll.u32 v8, $0x4;
	v12 =	vor.u32 v0, v7  }
0x3fb: {  	v13 =	vld [tilespmem:s28+$0x0];
	v14 =	vor.u32 v0, v8  }
0x3fc: {  	s29 =	sor.u32 s21, s14;
	v9 =	vshll.u32 v9, $0x4  }
0x3fd: {  	s14 =	sor.u32 s16, s14;
	v15 =	vld [tilespmem:s29+$0x0];
	v10 =	vshll.u32 v10, $0x4;
	v16 =	vor.u32 v0, v9  }
0x3fe: {  	v17 =	vld [tilespmem:s14+$0x0];
	v18 =	vor.u32 v0, v10  }
0x3ff: {  	[tilespmem:v12+s10+$0x0] =	vst.idx.add.f32.msk $0xffff, v11  }
0x400: {  	[tilespmem:v14+s10+$0x0] =	vst.idx.add.f32.msk $0xffff, v13  }
0x401: {  	p0 =	por $0x0, $0x0;
	s15 =	simm.s32 $0x1;
	v12 =	vadd.s32 v3, v7;
	v11 =	vld [tilespmem:s26+$0x80]  }
0x402: {  	s15 =	simm.s32 @!p0 $0x0;
	[tilespmem:v16+s10+$0x0] =	vst.idx.add.f32.msk $0xffff, v15  }
0x403: {  	s15 =	sshll.u32 s15, $0x6;
	[tilespmem:v18+s10+$0x0] =	vst.idx.add.f32.msk $0xffff, v17  }
0x404: {  	s15 =	sadd.s32 $0x0, s15;
	v14 =	vadd.s32 v3, v8;
	v13 =	vld [tilespmem:s28+$0x80]  }
0x405: {  	s18 =	sadd.s32 $0x30, s15;
	v16 =	vadd.s32 v3, v9;
	v15 =	vld [tilespmem:s29+$0x80]  }
0x406: {  	s16 =	sor.u32 $0x100, s18;
	[tilespmem:v12+s10+$0x0] =	vst.idx.add.f32.msk $0xffff, v11  }
0x407: {  	v12 =	vadd.s32 v4, v7;
	v11 =	vld [tilespmem:s16+$0x0]  }
0x408: {  	v17 =	vld [tilespmem:s14+$0x80];
	v7 =	vadd.s32 v5, v7  }
0x409: {  	s19 =	sadd.s32 $0x10, s15;
	[tilespmem:v14+s10+$0x0] =	vst.idx.add.f32.msk $0xffff, v13  }
0x40a: {  	s20 =	sor.u32 $0x100, s19;
	v61 =	vadd.s32 v3, v10;
	[tilespmem:v16+s10+$0x0] =	vst.idx.add.f32.msk $0xffff, v15  }
0x40b: {  	v13 =	vld [tilespmem:s20+$0x0]  }
0x40c: {  	s21 =	sadd.s32 $0x20, s15;
	[tilespmem:v12+s10+$0x0] =	vst.idx.add.f32.msk $0xffff, v11;
	v11 =	vadd.s32 v4, v8  }
0x40d: {  	s14 =	sor.u32 $0x100, s21;
	[tilespmem:v7+s10+$0x0] =	vst.idx.add.f32.msk $0xffff, v6  }
0x40e: {  	v7 =	vadd.s32 v5, v8;
	v8 =	vld [tilespmem:s14+$0x0];
	s14 =	simm.s32 $0x40  }
0x40f: {  	s15 =	sor.u32 $0x100, s15;
	[tilespmem:v61+s10+$0x0] =	vst.idx.add.f32.msk $0xffff, v17;
	s16 =	sand.u32 $0x40, s14;
	s22 =	sand.u32 $0x1F80, s14  }
0x410: {  	v12 =	vld [tilespmem:s15+$0x0];
	s15 =	sor.u32 $0x10000, s22;
	s24 =	sor.u32 $0x10, s16  }
0x411: {  	v14 =	vadd.s32 v4, v9;
	s26 =	sor.u32 s24, s15;
	[tilespmem:v11+s10+$0x0] =	vst.idx.add.f32.msk $0xffff, v13  }
0x412: {  	v9 =	vadd.s32 v5, v9;
	s23 =	sor.u32 $0x30, s16;
	v11 =	vld [tilespmem:s26+$0x0]  }
0x413: {  	s22 =	sor.u32 $0x20, s16;
	s25 =	sor.u32 s23, s15;
	[tilespmem:v7+s10+$0x0] =	vst.idx.add.f32.msk $0xffff, v6  }
0x414: {  	s15 =	sor.u32 s22, s15;
	v7 =	vld [tilespmem:s25+$0x0]  }
0x415: {  	v13 =	vld [tilespmem:s15+$0x0]  }
0x416: {  	s15 =	simm.s32 $0x100;
	[tilespmem:v14+s10+$0x0] =	vst.idx.add.f32.msk $0xffff, v8  }
0x417: {  	s28 =	simm.s32 $0x40;
	s29 =	sand.u32 $0x7E00, s15;
	[tilespmem:v9+s10+$0x0] =	vst.idx.add.f32.msk $0xffff, v6  }
0x418: {  	v8 =	vadd.s32 v4, v10;
	v9 =	vld [tilespmem:s28+$0x10000];
	s19 =	sor.u32 s24, s29;
	v16 =	vshll.u32 v11, $0x4  }
0x419: {  	s18 =	sor.u32 s23, s29;
	v11 =	vld [tilespmem:s19+$0x0];
	v7 =	vshll.u32 v7, $0x4;
	v17 =	vor.u32 v0, v16  }
0x41a: {  	s23 =	sor.u32 s22, s29;
	v14 =	vld [tilespmem:s18+$0x0];
	v15 =	vor.u32 v0, v7  }
0x41b: {  	s16 =	sor.u32 s16, s29;
	v62 =	vld [tilespmem:s23+$0x0];
	v13 =	vshll.u32 v13, $0x4  }
0x41c: {  	v20 =	vld [tilespmem:s16+$0x0];
	v19 =	vor.u32 v0, v13  }
0x41d: {  	[tilespmem:v8+s10+$0x0] =	vst.idx.add.f32.msk $0xffff, v12;
	v21 =	vshll.u32 v9, $0x4  }
0x41e: {  	v8 =	vor.u32 v0, v21;
	[tilespmem:v17+s10+$0x0] =	vst.idx.add.f32.msk $0xffff, v11  }
0x41f: {  	[tilespmem:v15+s10+$0x0] =	vst.idx.add.f32.msk $0xffff, v14  }
0x420: {  	v12 =	vadd.s32 v3, v7;
	v9 =	vld [tilespmem:s18+$0x80]  }
0x421: {  	p0 =	por !p0, !p0;
	[tilespmem:v19+s10+$0x0] =	vst.idx.add.f32.msk $0xffff, v62;
	s18 =	simm.s32 $0x1  }
0x422: {  	v11 =	vld [tilespmem:s19+$0x80];
	s18 =	simm.s32 @!p0 $0x0  }
0x423: {  	v14 =	vadd.s32 v3, v16;
	[tilespmem:v8+s10+$0x0] =	vst.idx.add.f32.msk $0xffff, v20;
	s18 =	sshll.u32 s18, $0x6  }
0x424: {  	v17 =	vld [tilespmem:s16+$0x80];
	s18 =	sadd.s32 $0x100, s18  }
0x425: {  	v63 =	vadd.s32 v3, v21;
	s24 =	sadd.s32 $0x30, s18;
	[tilespmem:v12+s10+$0x0] =	vst.idx.add.f32.msk $0xffff, v9  }
0x426: {  	v15 =	vadd.s32 v3, v13;
	s19 =	sor.u32 $0x100, s24;
	v12 =	vld [tilespmem:s23+$0x80]  }
0x427: {  	s25 =	sadd.s32 $0x10, s18;
	v9 =	vadd.s32 v4, v7;
	v8 =	vld [tilespmem:s19+$0x0]  }
0x428: {  	[tilespmem:v14+s10+$0x0] =	vst.idx.add.f32.msk $0xffff, v11;
	v7 =	vadd.s32 v5, v7;
	s26 =	sor.u32 $0x100, s25  }
0x429: {  	v14 =	vld [tilespmem:s26+$0x0]  }
0x42a: {  	[tilespmem:v63+s10+$0x0] =	vst.idx.add.f32.msk $0xffff, v17  }
0x42b: {  	v11 =	vadd.s32 v4, v16;
	[tilespmem:v15+s10+$0x0] =	vst.idx.add.f32.msk $0xffff, v12  }
0x42c: {  	s28 =	sadd.s32 $0x20, s18;
	v12 =	vadd.s32 v5, v16;
	[tilespmem:v9+s10+$0x0] =	vst.idx.add.f32.msk $0xffff, v8  }
0x42d: {  	s29 =	sor.u32 $0x100, s28;
	v9 =	vadd.s32 v5, v13;
	[tilespmem:v7+s10+$0x0] =	vst.idx.add.f32.msk $0xffff, v6;
	v7 =	vadd.s32 v5, v10  }
0x42e: {  	s16 =	sor.u32 $0x100, s18;
	v8 =	vadd.s32 v4, v21;
	v15 =	vld [tilespmem:s29+$0x0];
	v10 =	vadd.s32 v4, v13;
	v13 =	vadd.s32 v5, v21  }
.LBB2_24:
0x42f: {  	s14 =	sadd.s32 $0x40, s14;
	v16 =	vld [tilespmem:s16+$0x0]  }
0x430: {  	s16 =	sand.u32 $0x40, s14;
	s18 =	sand.u32 $0x1F80, s14;
	p1 =	slt.u32 s14, $0x1FC0;
	[tilespmem:v11+s10+$0x0] =	vst.idx.add.f32.msk $0xffff, v14  }
0x431: {  	s19 =	sor.u32 $0x10, s16;
	s18 =	sor.u32 $0x10000, s18;
	s20 =	sor.u32 $0x30, s16;
	[tilespmem:v12+s10+$0x0] =	vst.idx.add.f32.msk $0xffff, v6  }
0x432: {  	s22 =	sor.u32 $0x20, s16;
	s21 =	sor.u32 s19, s18;
	s23 =	sor.u32 s20, s18;
	[tilespmem:v7+s10+$0x0] =	vst.idx.add.f32.msk $0xffff, v6;
	v7 =	vmov v13  }
0x433: {  	s18 =	sor.u32 s22, s18;
	v11 =	vld [tilespmem:s23+$0x0]  }
0x434: {  	v12 =	vld [tilespmem:s21+$0x0]  }
0x435: {  	v13 =	vld [tilespmem:s18+$0x0]  }
0x436: {  	s15 =	sadd.s32 $0x100, s15;
	[tilespmem:v10+s10+$0x0] =	vst.idx.add.f32.msk $0xffff, v15  }
0x437: {  	s21 =	sand.u32 $0x7E00, s15;
	s18 =	sshra.s32 s15, $0x2;
	[tilespmem:v9+s10+$0x0] =	vst.idx.add.f32.msk $0xffff, v6  }
0x438: {  	s20 =	sor.u32 s20, s21;
	v14 =	vld [tilespmem:s18+$0x10000];
	s18 =	sor.u32 s19, s21;
	s19 =	sor.u32 s22, s21;
	v15 =	vshll.u32 v11, $0x4  }
0x439: {  	s21 =	sor.u32 s16, s21;
	v9 =	vshll.u32 v12, $0x4;
	v17 =	vld [tilespmem:s20+$0x0];
	v18 =	vor.u32 v0, v15  }
0x43a: {  	v19 =	vld [tilespmem:s18+$0x0];
	v20 =	vor.u32 v0, v9;
	v21 =	vadd.s32 v3, v9;
	v13 =	vshll.u32 v13, $0x4  }
0x43b: {  	v11 =	vadd.s32 v4, v9;
	v22 =	vld [tilespmem:s19+$0x0];
	v23 =	vor.u32 v0, v13;
	v24 =	vadd.s32 v3, v13  }
0x43c: {  	v12 =	vadd.s32 v5, v9;
	v10 =	vadd.s32 v4, v13;
	v9 =	vadd.s32 v5, v13;
	v25 =	vld [tilespmem:s21+$0x0]  }
0x43d: {  	v13 =	vshll.u32 v14, $0x4;
	[tilespmem:v8+s10+$0x0] =	vst.idx.add.f32.msk $0xffff, v16  }
0x43e: {  	v14 =	vor.u32 v0, v13;
	v16 =	vadd.s32 v3, v13;
	[tilespmem:v18+s10+$0x0] =	vst.idx.add.f32.msk $0xffff, v17  }
0x43f: {  	p0 =	por !p0, !p0;
	s16 =	simm.s32 $0x1;
	v8 =	vadd.s32 v4, v13;
	v13 =	vadd.s32 v5, v13;
	v18 =	vadd.s32 v3, v15;
	v17 =	vld [tilespmem:s20+$0x80]  }
0x440: {  	s16 =	simm.s32 @!p0 $0x0;
	[tilespmem:v20+s10+$0x0] =	vst.idx.add.f32.msk $0xffff, v19  }
0x441: {  	s16 =	sshll.u32 s16, $0x6;
	[tilespmem:v23+s10+$0x0] =	vst.idx.add.f32.msk $0xffff, v22  }
0x442: {  	s16 =	sadd.s32 s16, s15;
	v19 =	vld [tilespmem:s18+$0x80]  }
0x443: {  	s22 =	sadd.s32 $0x30, s16;
	s20 =	sadd.s32 $0x20, s16;
	s18 =	sadd.s32 $0x10, s16;
	[tilespmem:v14+s10+$0x0] =	vst.idx.add.f32.msk $0xffff, v25  }
0x444: {  	s22 =	sor.u32 $0x100, s22;
	s20 =	sor.u32 $0x100, s20;
	s18 =	sor.u32 $0x100, s18;
	[tilespmem:v18+s10+$0x0] =	vst.idx.add.f32.msk $0xffff, v17  }
0x445: {  	s16 =	sor.u32 $0x100, s16;
	v18 =	vadd.s32 v4, v15;
	v17 =	vld [tilespmem:s22+$0x0]  }
0x446: {  	v15 =	vadd.s32 v5, v15;
	v20 =	vld [tilespmem:s19+$0x80]  }
0x447: {  	v22 =	vld [tilespmem:s21+$0x80]  }
0x448: {  	[tilespmem:v21+s10+$0x0] =	vst.idx.add.f32.msk $0xffff, v19  }
0x449: {  	v14 =	vld [tilespmem:s18+$0x0]  }
.Ltmp11:
0x44a: {  	[tilespmem:v18+s10+$0x0] =	vst.idx.add.f32.msk $0xffff, v17;
	(pc) =	sbr.rel @p1 .LBB2_24-.Ltmp11, $4  }
0x44b: {  	[tilespmem:v15+s10+$0x0] =	vst.idx.add.f32.msk $0xffff, v6  }
0x44c: {  	[tilespmem:v24+s10+$0x0] =	vst.idx.add.f32.msk $0xffff, v20  }
0x44d: {  	[tilespmem:v16+s10+$0x0] =	vst.idx.add.f32.msk $0xffff, v22  }
0x44e: {  	v15 =	vld [tilespmem:s20+$0x0]  }
0x44f: {  	_ =	sdelay $0x2  }
0x450: {  	v16 =	vld [tilespmem:s16+$0x0]  }
0x451: {  	[tilespmem:v11+s10+$0x0] =	vst.idx.add.f32.msk $0xffff, v14  }
0x452: {  	[tilespmem:v7+s10+$0x0] =	vst.idx.add.f32.msk $0xffff, v6  }
0x453: {  	[tilespmem:v12+s10+$0x0] =	vst.idx.add.f32.msk $0xffff, v6  }
0x454: {  	[tilespmem:v10+s10+$0x0] =	vst.idx.add.f32.msk $0xffff, v15  }
0x455: {  	[tilespmem:v9+s10+$0x0] =	vst.idx.add.f32.msk $0xffff, v6  }
0x456: {  	[tilespmem:v8+s10+$0x0] =	vst.idx.add.f32.msk $0xffff, v16  }
0x457: {  	[tilespmem:v13+s10+$0x0] =	vst.idx.add.f32.msk $0xffff, v6  }
0x458: {  	s15 =	simm.s32 $0x0;
	s14 =	rddreg [dreg:$0x10]  }
0x459: {  	[tilespmem:s15], [sflag:$0x1] =	stream.linear.gather [hbm4b:s14+s15], $0x8000, $0x38;
	[tilespmem:$0x15000] =	vst v63  }
0x45a: {  	_ = 	snop  }
0x45b: {  	[tilespmem:s5], [sflag:$0x3] =	stream.linear.gather [hbm4b:s31+s15], $0x2000, $0x38;
	[tilespmem:$0x15000] =	vst v63  }
0x45c: {  	_ =	swait.ge [sflag:s11], $0x8000  }
0x45d: {  	[sflag:s11] =	ssyncset.done $0x0  }
0x45e: {  	[sflag:s11] =	ssyncadd.s32 $0xFFFF8000  }
0x45f: {  	_ =	swait.ge [sflag:s12], $0x2000  }
0x460: {  	[sflag:s12] =	ssyncset.done $0x0  }
0x461: {  	s25 =	simm.s32 $0x0;
	s14 =	simm.s32 $0x0;
	[sflag:s12] =	ssyncadd.s32 $0xFFFFE000  }
0x462: {  	s26 =	sand.u32 $0x40, s14;
	s18 =	sand.u32 $0x1F80, s14;
	v7 =	vld [tilespmem:s25+$0x12000]  }
0x463: {  	s19 =	sor.u32 $0x10, s26;
	s18 =	sor.u32 $0x12000, s18  }
0x464: {  	s21 =	sor.u32 $0x20, s26;
	s20 =	sor.u32 s19, s18  }
0x465: {  	s15 =	sand.u32 $0x7E00, s15;
	s16 =	sor.u32 $0x30, s26;
	s22 =	sor.u32 s21, s18;
	v8 =	vld [tilespmem:s20+$0x0]  }
0x466: {  	s15 =	sor.u32 $0x8000, s15;
	s18 =	sor.u32 s16, s18;
	v9 =	vld [tilespmem:s22+$0x0]  }
0x467: {  	s28 =	sor.u32 s26, s15;
	v13 =	vld [tilespmem:s18+$0x0];
	v10 =	vshll.u32 v7, $0x4  }
0x468: {  	v11 =	vld [tilespmem:s28+$0x0];
	v12 =	vor.u32 v0, v10;
	_ =	sdelay $0x1  }
0x469: {  	s19 =	sor.u32 s19, s15  }
0x46a: {  	s29 =	sor.u32 s21, s15;
	s15 =	sor.u32 s16, s15;
	v14 =	vld [tilespmem:s19+$0x0];
	v7 =	vshll.u32 v8, $0x4  }
0x46b: {  	v8 =	vshll.u32 v9, $0x4;
	v9 =	vshll.u32 v13, $0x4;
	v13 =	vld [tilespmem:s15+$0x0];
	v16 =	vor.u32 v0, v7  }
0x46c: {  	v18 =	vor.u32 v0, v9;
	[tilespmem:v12+s10+$0x0] =	vst.idx.add.f32.msk $0xffff, v11  }
0x46d: {  	v17 =	vadd.s32 v3, v10;
	v12 =	vld [tilespmem:s28+$0x80]  }
0x46e: {  	p0 =	por $0x0, $0x0;
	s16 =	simm.s32 $0x1  }
0x46f: {  	s16 =	simm.s32 @!p0 $0x0;
	v15 =	vld [tilespmem:s29+$0x0]  }
0x470: {  	s16 =	sshll.u32 s16, $0x6;
	v11 =	vor.u32 v0, v8;
	[tilespmem:v16+s10+$0x0] =	vst.idx.add.f32.msk $0xffff, v14  }
0x471: {  	s20 =	sadd.s32 $0x0, s16;
	[tilespmem:v18+s10+$0x0] =	vst.idx.add.f32.msk $0xffff, v13  }
0x472: {  	s16 =	sor.u32 $0x100, s20;
	[tilespmem:v17+s10+$0x0] =	vst.idx.add.f32.msk $0xffff, v12  }
0x473: {  	v19 =	vadd.s32 v4, v10;
	v17 =	vld [tilespmem:s16+$0x8000]  }
0x474: {  	v10 =	vadd.s32 v5, v10;
	v14 =	vld [tilespmem:s19+$0x80]  }
0x475: {  	[tilespmem:v11+s10+$0x0] =	vst.idx.add.f32.msk $0xffff, v15;
	v15 =	vadd.s32 v3, v7  }
0x476: {  	v16 =	vadd.s32 v3, v8;
	v13 =	vld [tilespmem:s29+$0x80]  }
0x477: {  	p0 =	por !p0, !p0;
	v11 =	vld [tilespmem:s15+$0x80];
	v12 =	vadd.s32 v3, v9  }
0x478: {  	s23 =	sadd.s32 $0x10, s20;
	s19 =	sadd.s32 $0x30, s20;
	s15 =	simm.s32 $0x100;
	[tilespmem:v19+s10+$0x0] =	vst.idx.add.f32.msk $0xffff, v17  }
.LBB2_26:
0x479: {  	s14 =	sadd.s32 $0x40, s14;
	s24 =	sshra.s32 s15, $0x2;
	s16 =	sand.u32 $0x7E00, s15;
	[tilespmem:v10+s10+$0x0] =	vst.idx.add.f32.msk $0xffff, v6  }
0x47a: {  	s25 =	sand.u32 $0x40, s14;
	s21 =	sor.u32 $0x8000, s16;
	s16 =	sand.u32 $0x1F80, s14;
	[tilespmem:v15+s10+$0x0] =	vst.idx.add.f32.msk $0xffff, v14  }
0x47b: {  	s18 =	sor.u32 $0x10, s25;
	s26 =	sor.u32 $0x12000, s16;
	s22 =	sor.u32 $0x30, s25;
	[tilespmem:v16+s10+$0x0] =	vst.idx.add.f32.msk $0xffff, v13  }
0x47c: {  	s28 =	sor.u32 s18, s26;
	s16 =	sor.u32 s18, s21;
	s18 =	sor.u32 $0x20, s25;
	[tilespmem:v12+s10+$0x0] =	vst.idx.add.f32.msk $0xffff, v11  }
0x47d: {  	v10 =	vld [tilespmem:s16+$0x0];
	s29 =	sor.u32 s18, s26;
	s18 =	sor.u32 s18, s21;
	s26 =	sor.u32 s22, s26  }
0x47e: {  	s23 =	sor.u32 $0x100, s23;
	s20 =	sadd.s32 $0x20, s20;
	p1 =	slt.u32 s14, $0x1FC0;
	v11 =	vld [tilespmem:s18+$0x0]  }
0x47f: {  	s20 =	sor.u32 $0x100, s20;
	s25 =	sor.u32 s25, s21;
	v12 =	vld [tilespmem:s23+$0x8000]  }
0x480: {  	v13 =	vadd.s32 v4, v7;
	v14 =	vld [tilespmem:s20+$0x8000]  }
0x481: {  	v15 =	vld [tilespmem:s24+$0x12000]  }
0x482: {  	v17 =	vadd.s32 v4, v8;
	s19 =	sor.u32 $0x100, s19;
	v16 =	vld [tilespmem:s25+$0x0]  }
0x483: {  	v18 =	vld [tilespmem:s19+$0x8000]  }
0x484: {  	v8 =	vadd.s32 v5, v8;
	v19 =	vld [tilespmem:s28+$0x0]  }
0x485: {  	[tilespmem:v13+s10+$0x0] =	vst.idx.add.f32.msk $0xffff, v12;
	v12 =	vadd.s32 v4, v9  }
0x486: {  	v9 =	vadd.s32 v5, v9;
	v13 =	vshll.u32 v15, $0x4;
	v15 =	vld [tilespmem:s29+$0x0]  }
0x487: {  	v20 =	vor.u32 v0, v13;
	[tilespmem:v17+s10+$0x0] =	vst.idx.add.f32.msk $0xffff, v14  }
0x488: {  	v17 =	vadd.s32 v5, v7;
	v14 =	vld [tilespmem:s26+$0x0]  }
0x489: {  	[tilespmem:v8+s10+$0x0] =	vst.idx.add.f32.msk $0xffff, v6  }
0x48a: {  	v7 =	vshll.u32 v19, $0x4;
	[tilespmem:v12+s10+$0x0] =	vst.idx.add.f32.msk $0xffff, v18  }
0x48b: {  	v12 =	vor.u32 v0, v7;
	v8 =	vshll.u32 v15, $0x4;
	[tilespmem:v9+s10+$0x0] =	vst.idx.add.f32.msk $0xffff, v6  }
0x48c: {  	[tilespmem:v20+s10+$0x0] =	vst.idx.add.f32.msk $0xffff, v16;
	v15 =	vor.u32 v0, v8  }
0x48d: {  	v18 =	vadd.s32 v3, v13;
	v16 =	vld [tilespmem:s25+$0x80]  }
0x48e: {  	s21 =	sor.u32 s22, s21;
	s19 =	simm.s32 $0x1;
	v9 =	vshll.u32 v14, $0x4;
	[tilespmem:v17+s10+$0x0] =	vst.idx.add.f32.msk $0xffff, v6  }
0x48f: {  	s19 =	simm.s32 @!p0 $0x0;
	v17 =	vor.u32 v0, v9;
	v14 =	vld [tilespmem:s21+$0x0]  }
0x490: {  	s19 =	sshll.u32 s19, $0x6;
	[tilespmem:v12+s10+$0x0] =	vst.idx.add.f32.msk $0xffff, v10  }
0x491: {  	s20 =	sadd.s32 s19, s15;
	[tilespmem:v15+s10+$0x0] =	vst.idx.add.f32.msk $0xffff, v11  }
0x492: {  	s22 =	sor.u32 $0x100, s20;
	s23 =	sadd.s32 $0x10, s20;
	s19 =	sadd.s32 $0x30, s20;
	[tilespmem:v18+s10+$0x0] =	vst.idx.add.f32.msk $0xffff, v16  }
0x493: {  	v19 =	vadd.s32 v4, v13;
	v18 =	vld [tilespmem:s22+$0x8000]  }
.Ltmp12:
0x494: {  	v10 =	vadd.s32 v5, v13;
	[tilespmem:v17+s10+$0x0] =	vst.idx.add.f32.msk $0xffff, v14;
	(pc) =	sbr.rel @p1 .LBB2_26-.Ltmp12, $4  }
0x495: {  	v15 =	vadd.s32 v3, v7;
	v14 =	vld [tilespmem:s16+$0x80]  }
0x496: {  	v16 =	vadd.s32 v3, v8;
	v13 =	vld [tilespmem:s18+$0x80]  }
0x497: {  	v12 =	vadd.s32 v3, v9;
	v11 =	vld [tilespmem:s21+$0x80]  }
0x498: {  	p0 =	por !p0, !p0;
	s15 =	sadd.s32 $0x100, s15;
	[tilespmem:v19+s10+$0x0] =	vst.idx.add.f32.msk $0xffff, v18  }
0x499: {  	_ =	sdelay $0x3  }
0x49a: {  	[tilespmem:v15+s10+$0x0] =	vst.idx.add.f32.msk $0xffff, v14  }
0x49b: {  	s14 =	sor.u32 $0x100, s23;
	s15 =	sadd.s32 $0x20, s20;
	[tilespmem:v16+s10+$0x0] =	vst.idx.add.f32.msk $0xffff, v13  }
0x49c: {  	s26 =	sor.u32 $0x100, s15;
	v14 =	vadd.s32 v4, v7;
	v13 =	vld [tilespmem:s14+$0x8000]  }
0x49d: {  	v16 =	vadd.s32 v4, v8;
	v15 =	vld [tilespmem:s26+$0x8000]  }
0x49e: {  	[tilespmem:v10+s10+$0x0] =	vst.idx.add.f32.msk $0xffff, v6;
	v7 =	vadd.s32 v5, v7  }
0x49f: {  	s28 =	sor.u32 $0x100, s19;
	v8 =	vadd.s32 v5, v8;
	[tilespmem:v12+s10+$0x0] =	vst.idx.add.f32.msk $0xffff, v11  }
0x4a0: {  	v12 =	vadd.s32 v4, v9;
	v11 =	vld [tilespmem:s28+$0x8000]  }
0x4a1: {  	v9 =	vadd.s32 v5, v9;
	[tilespmem:v14+s10+$0x0] =	vst.idx.add.f32.msk $0xffff, v13  }
0x4a2: {  	[tilespmem:v16+s10+$0x0] =	vst.idx.add.f32.msk $0xffff, v15  }
0x4a3: {  	[tilespmem:v7+s10+$0x0] =	vst.idx.add.f32.msk $0xffff, v6  }
0x4a4: {  	[tilespmem:v8+s10+$0x0] =	vst.idx.add.f32.msk $0xffff, v6  }
0x4a5: {  	[tilespmem:v12+s10+$0x0] =	vst.idx.add.f32.msk $0xffff, v11  }
0x4a6: {  	[tilespmem:v9+s10+$0x0] =	vst.idx.add.f32.msk $0xffff, v6  }
0x4a7: {  	s29 =	simm.s32 $0x0;
	s20 =	rddreg [dreg:$0x11]  }
0x4a8: {  	[tilespmem:s6], [sflag:$0x2] =	stream.linear.gather [hbm4b:s20+s29], $0x8000, $0x38;
	[tilespmem:$0x15000] =	vst v63  }
0x4a9: {  	_ = 	snop  }
0x4aa: {  	[tilespmem:s7], [sflag:$0x4] =	stream.linear.gather [hbm4b:s0+s29], $0x2000, $0x38;
	[tilespmem:$0x15000] =	vst v63  }
0x4ab: {  	_ =	swait.ge [sflag:s8], $0x8000  }
0x4ac: {  	[sflag:s8] =	ssyncset.done $0x0  }
0x4ad: {  	s21 =	simm.s32 $0x0;
	[sflag:s8] =	ssyncadd.s32 $0xFFFF8000  }
0x4ae: {  	s16 =	sand.u32 $0x40, s21;
	s15 =	sand.u32 $0x1F80, s21;
	_ =	swait.ge [sflag:s9], $0x2000  }
0x4af: {  	s15 =	sor.u32 $0x10000, s15;
	s18 =	sor.u32 $0x30, s16;
	[sflag:s9] =	ssyncset.done $0x0  }
0x4b0: {  	s23 =	sor.u32 $0x10, s16;
	s22 =	sor.u32 s18, s15;
	[sflag:s9] =	ssyncadd.s32 $0xFFFFE000  }
0x4b1: {  	s24 =	sor.u32 s23, s15;
	v7 =	vld [tilespmem:s22+$0x0]  }
0x4b2: {  	s21 =	sor.u32 $0x20, s16;
	v8 =	vld [tilespmem:s24+$0x0]  }
0x4b3: {  	s15 =	sor.u32 s21, s15  }
0x4b4: {  	s25 =	simm.s32 $0x0;
	v9 =	vld [tilespmem:s15+$0x0]  }
0x4b5: {  	s14 =	sand.u32 $0x7E00, s29;
	v10 =	vld [tilespmem:s25+$0x10000]  }
0x4b6: {  	s26 =	sor.u32 s18, s14;
	v7 =	vshll.u32 v7, $0x4  }
0x4b7: {  	s28 =	sor.u32 s23, s14;
	v11 =	vld [tilespmem:s26+$0x0];
	v8 =	vshll.u32 v8, $0x4;
	v12 =	vor.u32 v0, v7  }
0x4b8: {  	v13 =	vld [tilespmem:s28+$0x0];
	v14 =	vor.u32 v0, v8  }
0x4b9: {  	s29 =	sor.u32 s21, s14;
	v9 =	vshll.u32 v9, $0x4  }
0x4ba: {  	s14 =	sor.u32 s16, s14;
	v15 =	vld [tilespmem:s29+$0x0];
	v10 =	vshll.u32 v10, $0x4;
	v16 =	vor.u32 v0, v9  }
0x4bb: {  	v17 =	vld [tilespmem:s14+$0x0];
	v18 =	vor.u32 v0, v10  }
0x4bc: {  	[tilespmem:v12+s10+$0x0] =	vst.idx.add.f32.msk $0xffff, v11  }
0x4bd: {  	[tilespmem:v14+s10+$0x0] =	vst.idx.add.f32.msk $0xffff, v13  }
0x4be: {  	p0 =	por $0x0, $0x0;
	s15 =	simm.s32 $0x1;
	v12 =	vadd.s32 v3, v7;
	v11 =	vld [tilespmem:s26+$0x80]  }
0x4bf: {  	s15 =	simm.s32 @!p0 $0x0;
	[tilespmem:v16+s10+$0x0] =	vst.idx.add.f32.msk $0xffff, v15  }
0x4c0: {  	s15 =	sshll.u32 s15, $0x6;
	[tilespmem:v18+s10+$0x0] =	vst.idx.add.f32.msk $0xffff, v17  }
0x4c1: {  	s15 =	sadd.s32 $0x0, s15;
	v14 =	vadd.s32 v3, v8;
	v13 =	vld [tilespmem:s28+$0x80]  }
0x4c2: {  	s18 =	sadd.s32 $0x30, s15;
	v16 =	vadd.s32 v3, v9;
	v15 =	vld [tilespmem:s29+$0x80]  }
0x4c3: {  	s16 =	sor.u32 $0x100, s18;
	[tilespmem:v12+s10+$0x0] =	vst.idx.add.f32.msk $0xffff, v11  }
0x4c4: {  	v12 =	vadd.s32 v4, v7;
	v11 =	vld [tilespmem:s16+$0x0]  }
0x4c5: {  	v17 =	vld [tilespmem:s14+$0x80];
	v7 =	vadd.s32 v5, v7  }
0x4c6: {  	s19 =	sadd.s32 $0x10, s15;
	[tilespmem:v14+s10+$0x0] =	vst.idx.add.f32.msk $0xffff, v13  }
0x4c7: {  	s20 =	sor.u32 $0x100, s19;
	v61 =	vadd.s32 v3, v10;
	[tilespmem:v16+s10+$0x0] =	vst.idx.add.f32.msk $0xffff, v15  }
0x4c8: {  	v13 =	vld [tilespmem:s20+$0x0]  }
0x4c9: {  	s21 =	sadd.s32 $0x20, s15;
	[tilespmem:v12+s10+$0x0] =	vst.idx.add.f32.msk $0xffff, v11;
	v11 =	vadd.s32 v4, v8  }
0x4ca: {  	s14 =	sor.u32 $0x100, s21;
	[tilespmem:v7+s10+$0x0] =	vst.idx.add.f32.msk $0xffff, v6  }
0x4cb: {  	v7 =	vadd.s32 v5, v8;
	v8 =	vld [tilespmem:s14+$0x0];
	s14 =	simm.s32 $0x40  }
0x4cc: {  	s15 =	sor.u32 $0x100, s15;
	[tilespmem:v61+s10+$0x0] =	vst.idx.add.f32.msk $0xffff, v17;
	s16 =	sand.u32 $0x40, s14;
	s22 =	sand.u32 $0x1F80, s14  }
0x4cd: {  	v12 =	vld [tilespmem:s15+$0x0];
	s15 =	sor.u32 $0x10000, s22;
	s24 =	sor.u32 $0x10, s16  }
0x4ce: {  	v14 =	vadd.s32 v4, v9;
	s26 =	sor.u32 s24, s15;
	[tilespmem:v11+s10+$0x0] =	vst.idx.add.f32.msk $0xffff, v13  }
0x4cf: {  	v9 =	vadd.s32 v5, v9;
	s23 =	sor.u32 $0x30, s16;
	v11 =	vld [tilespmem:s26+$0x0]  }
0x4d0: {  	s22 =	sor.u32 $0x20, s16;
	s25 =	sor.u32 s23, s15;
	[tilespmem:v7+s10+$0x0] =	vst.idx.add.f32.msk $0xffff, v6  }
0x4d1: {  	s15 =	sor.u32 s22, s15;
	v7 =	vld [tilespmem:s25+$0x0]  }
0x4d2: {  	v13 =	vld [tilespmem:s15+$0x0]  }
0x4d3: {  	s15 =	simm.s32 $0x100;
	[tilespmem:v14+s10+$0x0] =	vst.idx.add.f32.msk $0xffff, v8  }
0x4d4: {  	s28 =	simm.s32 $0x40;
	s29 =	sand.u32 $0x7E00, s15;
	[tilespmem:v9+s10+$0x0] =	vst.idx.add.f32.msk $0xffff, v6  }
0x4d5: {  	v8 =	vadd.s32 v4, v10;
	v9 =	vld [tilespmem:s28+$0x10000];
	s19 =	sor.u32 s24, s29;
	v16 =	vshll.u32 v11, $0x4  }
0x4d6: {  	s18 =	sor.u32 s23, s29;
	v11 =	vld [tilespmem:s19+$0x0];
	v7 =	vshll.u32 v7, $0x4;
	v17 =	vor.u32 v0, v16  }
0x4d7: {  	s23 =	sor.u32 s22, s29;
	v14 =	vld [tilespmem:s18+$0x0];
	v15 =	vor.u32 v0, v7  }
0x4d8: {  	s16 =	sor.u32 s16, s29;
	v62 =	vld [tilespmem:s23+$0x0];
	v13 =	vshll.u32 v13, $0x4  }
0x4d9: {  	v20 =	vld [tilespmem:s16+$0x0];
	v19 =	vor.u32 v0, v13  }
0x4da: {  	[tilespmem:v8+s10+$0x0] =	vst.idx.add.f32.msk $0xffff, v12;
	v21 =	vshll.u32 v9, $0x4  }
0x4db: {  	v8 =	vor.u32 v0, v21;
	[tilespmem:v17+s10+$0x0] =	vst.idx.add.f32.msk $0xffff, v11  }
0x4dc: {  	[tilespmem:v15+s10+$0x0] =	vst.idx.add.f32.msk $0xffff, v14  }
0x4dd: {  	v12 =	vadd.s32 v3, v7;
	v9 =	vld [tilespmem:s18+$0x80]  }
0x4de: {  	p0 =	por !p0, !p0;
	[tilespmem:v19+s10+$0x0] =	vst.idx.add.f32.msk $0xffff, v62;
	s18 =	simm.s32 $0x1  }
0x4df: {  	v11 =	vld [tilespmem:s19+$0x80];
	s18 =	simm.s32 @!p0 $0x0  }
0x4e0: {  	v14 =	vadd.s32 v3, v16;
	[tilespmem:v8+s10+$0x0] =	vst.idx.add.f32.msk $0xffff, v20;
	s18 =	sshll.u32 s18, $0x6  }
0x4e1: {  	v17 =	vld [tilespmem:s16+$0x80];
	s18 =	sadd.s32 $0x100, s18  }
0x4e2: {  	v63 =	vadd.s32 v3, v21;
	s24 =	sadd.s32 $0x30, s18;
	[tilespmem:v12+s10+$0x0] =	vst.idx.add.f32.msk $0xffff, v9  }
0x4e3: {  	v15 =	vadd.s32 v3, v13;
	s19 =	sor.u32 $0x100, s24;
	v12 =	vld [tilespmem:s23+$0x80]  }
0x4e4: {  	s25 =	sadd.s32 $0x10, s18;
	v9 =	vadd.s32 v4, v7;
	v8 =	vld [tilespmem:s19+$0x0]  }
0x4e5: {  	[tilespmem:v14+s10+$0x0] =	vst.idx.add.f32.msk $0xffff, v11;
	v7 =	vadd.s32 v5, v7;
	s26 =	sor.u32 $0x100, s25  }
0x4e6: {  	v14 =	vld [tilespmem:s26+$0x0]  }
0x4e7: {  	[tilespmem:v63+s10+$0x0] =	vst.idx.add.f32.msk $0xffff, v17  }
0x4e8: {  	v11 =	vadd.s32 v4, v16;
	[tilespmem:v15+s10+$0x0] =	vst.idx.add.f32.msk $0xffff, v12  }
0x4e9: {  	s28 =	sadd.s32 $0x20, s18;
	v12 =	vadd.s32 v5, v16;
	[tilespmem:v9+s10+$0x0] =	vst.idx.add.f32.msk $0xffff, v8  }
0x4ea: {  	s29 =	sor.u32 $0x100, s28;
	v9 =	vadd.s32 v5, v13;
	[tilespmem:v7+s10+$0x0] =	vst.idx.add.f32.msk $0xffff, v6;
	v7 =	vadd.s32 v5, v10  }
0x4eb: {  	s16 =	sor.u32 $0x100, s18;
	v8 =	vadd.s32 v4, v21;
	v15 =	vld [tilespmem:s29+$0x0];
	v10 =	vadd.s32 v4, v13;
	v13 =	vadd.s32 v5, v21  }
.LBB2_28:
0x4ec: {  	s14 =	sadd.s32 $0x40, s14;
	v16 =	vld [tilespmem:s16+$0x0]  }
0x4ed: {  	s16 =	sand.u32 $0x40, s14;
	s18 =	sand.u32 $0x1F80, s14;
	p1 =	slt.u32 s14, $0x1FC0;
	[tilespmem:v11+s10+$0x0] =	vst.idx.add.f32.msk $0xffff, v14  }
0x4ee: {  	s19 =	sor.u32 $0x10, s16;
	s18 =	sor.u32 $0x10000, s18;
	s20 =	sor.u32 $0x30, s16;
	[tilespmem:v12+s10+$0x0] =	vst.idx.add.f32.msk $0xffff, v6  }
0x4ef: {  	s22 =	sor.u32 $0x20, s16;
	s21 =	sor.u32 s19, s18;
	s23 =	sor.u32 s20, s18;
	[tilespmem:v7+s10+$0x0] =	vst.idx.add.f32.msk $0xffff, v6;
	v7 =	vmov v13  }
0x4f0: {  	s18 =	sor.u32 s22, s18;
	v11 =	vld [tilespmem:s23+$0x0]  }
0x4f1: {  	v12 =	vld [tilespmem:s21+$0x0]  }
0x4f2: {  	v13 =	vld [tilespmem:s18+$0x0]  }
0x4f3: {  	s15 =	sadd.s32 $0x100, s15;
	[tilespmem:v10+s10+$0x0] =	vst.idx.add.f32.msk $0xffff, v15  }
0x4f4: {  	s21 =	sand.u32 $0x7E00, s15;
	s18 =	sshra.s32 s15, $0x2;
	[tilespmem:v9+s10+$0x0] =	vst.idx.add.f32.msk $0xffff, v6  }
0x4f5: {  	s20 =	sor.u32 s20, s21;
	v14 =	vld [tilespmem:s18+$0x10000];
	s18 =	sor.u32 s19, s21;
	s19 =	sor.u32 s22, s21;
	v15 =	vshll.u32 v11, $0x4  }
0x4f6: {  	s21 =	sor.u32 s16, s21;
	v9 =	vshll.u32 v12, $0x4;
	v17 =	vld [tilespmem:s20+$0x0];
	v18 =	vor.u32 v0, v15  }
0x4f7: {  	v19 =	vld [tilespmem:s18+$0x0];
	v20 =	vor.u32 v0, v9;
	v21 =	vadd.s32 v3, v9;
	v13 =	vshll.u32 v13, $0x4  }
0x4f8: {  	v11 =	vadd.s32 v4, v9;
	v22 =	vld [tilespmem:s19+$0x0];
	v23 =	vor.u32 v0, v13;
	v24 =	vadd.s32 v3, v13  }
0x4f9: {  	v12 =	vadd.s32 v5, v9;
	v10 =	vadd.s32 v4, v13;
	v9 =	vadd.s32 v5, v13;
	v25 =	vld [tilespmem:s21+$0x0]  }
0x4fa: {  	v13 =	vshll.u32 v14, $0x4;
	[tilespmem:v8+s10+$0x0] =	vst.idx.add.f32.msk $0xffff, v16  }
0x4fb: {  	v14 =	vor.u32 v0, v13;
	v16 =	vadd.s32 v3, v13;
	[tilespmem:v18+s10+$0x0] =	vst.idx.add.f32.msk $0xffff, v17  }
0x4fc: {  	p0 =	por !p0, !p0;
	s16 =	simm.s32 $0x1;
	v8 =	vadd.s32 v4, v13;
	v13 =	vadd.s32 v5, v13;
	v18 =	vadd.s32 v3, v15;
	v17 =	vld [tilespmem:s20+$0x80]  }
0x4fd: {  	s16 =	simm.s32 @!p0 $0x0;
	[tilespmem:v20+s10+$0x0] =	vst.idx.add.f32.msk $0xffff, v19  }
0x4fe: {  	s16 =	sshll.u32 s16, $0x6;
	[tilespmem:v23+s10+$0x0] =	vst.idx.add.f32.msk $0xffff, v22  }
0x4ff: {  	s16 =	sadd.s32 s16, s15;
	v19 =	vld [tilespmem:s18+$0x80]  }
0x500: {  	s22 =	sadd.s32 $0x30, s16;
	s20 =	sadd.s32 $0x20, s16;
	s18 =	sadd.s32 $0x10, s16;
	[tilespmem:v14+s10+$0x0] =	vst.idx.add.f32.msk $0xffff, v25  }
0x501: {  	s22 =	sor.u32 $0x100, s22;
	s20 =	sor.u32 $0x100, s20;
	s18 =	sor.u32 $0x100, s18;
	[tilespmem:v18+s10+$0x0] =	vst.idx.add.f32.msk $0xffff, v17  }
0x502: {  	s16 =	sor.u32 $0x100, s16;
	v18 =	vadd.s32 v4, v15;
	v17 =	vld [tilespmem:s22+$0x0]  }
0x503: {  	v15 =	vadd.s32 v5, v15;
	v20 =	vld [tilespmem:s19+$0x80]  }
0x504: {  	v22 =	vld [tilespmem:s21+$0x80]  }
0x505: {  	[tilespmem:v21+s10+$0x0] =	vst.idx.add.f32.msk $0xffff, v19  }
0x506: {  	v14 =	vld [tilespmem:s18+$0x0]  }
.Ltmp13:
0x507: {  	[tilespmem:v18+s10+$0x0] =	vst.idx.add.f32.msk $0xffff, v17;
	(pc) =	sbr.rel @p1 .LBB2_28-.Ltmp13, $4  }
0x508: {  	[tilespmem:v15+s10+$0x0] =	vst.idx.add.f32.msk $0xffff, v6  }
0x509: {  	[tilespmem:v24+s10+$0x0] =	vst.idx.add.f32.msk $0xffff, v20  }
0x50a: {  	[tilespmem:v16+s10+$0x0] =	vst.idx.add.f32.msk $0xffff, v22  }
0x50b: {  	v15 =	vld [tilespmem:s20+$0x0]  }
0x50c: {  	_ =	sdelay $0x2  }
0x50d: {  	v16 =	vld [tilespmem:s16+$0x0]  }
0x50e: {  	[tilespmem:v11+s10+$0x0] =	vst.idx.add.f32.msk $0xffff, v14  }
0x50f: {  	[tilespmem:v7+s10+$0x0] =	vst.idx.add.f32.msk $0xffff, v6  }
0x510: {  	[tilespmem:v12+s10+$0x0] =	vst.idx.add.f32.msk $0xffff, v6  }
0x511: {  	[tilespmem:v10+s10+$0x0] =	vst.idx.add.f32.msk $0xffff, v15  }
0x512: {  	[tilespmem:v9+s10+$0x0] =	vst.idx.add.f32.msk $0xffff, v6  }
0x513: {  	[tilespmem:v8+s10+$0x0] =	vst.idx.add.f32.msk $0xffff, v16  }
0x514: {  	[tilespmem:v13+s10+$0x0] =	vst.idx.add.f32.msk $0xffff, v6  }
0x515: {  	s15 =	simm.s32 $0x0;
	s14 =	rddreg [dreg:$0x12]  }
0x516: {  	[tilespmem:s15], [sflag:$0x1] =	stream.linear.gather [hbm4b:s14+s15], $0x8000, $0x38;
	[tilespmem:$0x15000] =	vst v63  }
0x517: {  	_ = 	snop  }
0x518: {  	[tilespmem:s5], [sflag:$0x3] =	stream.linear.gather [hbm4b:s1+s15], $0x2000, $0x38;
	[tilespmem:$0x15000] =	vst v63  }
0x519: {  	_ =	swait.ge [sflag:s11], $0x8000  }
0x51a: {  	[sflag:s11] =	ssyncset.done $0x0  }
0x51b: {  	[sflag:s11] =	ssyncadd.s32 $0xFFFF8000  }
0x51c: {  	_ =	swait.ge [sflag:s12], $0x2000  }
0x51d: {  	[sflag:s12] =	ssyncset.done $0x0  }
0x51e: {  	s25 =	simm.s32 $0x0;
	s14 =	simm.s32 $0x0;
	[sflag:s12] =	ssyncadd.s32 $0xFFFFE000  }
0x51f: {  	s26 =	sand.u32 $0x40, s14;
	s18 =	sand.u32 $0x1F80, s14;
	v7 =	vld [tilespmem:s25+$0x12000]  }
0x520: {  	s19 =	sor.u32 $0x10, s26;
	s18 =	sor.u32 $0x12000, s18  }
0x521: {  	s21 =	sor.u32 $0x20, s26;
	s20 =	sor.u32 s19, s18  }
0x522: {  	s15 =	sand.u32 $0x7E00, s15;
	s16 =	sor.u32 $0x30, s26;
	s22 =	sor.u32 s21, s18;
	v8 =	vld [tilespmem:s20+$0x0]  }
0x523: {  	s15 =	sor.u32 $0x8000, s15;
	s18 =	sor.u32 s16, s18;
	v9 =	vld [tilespmem:s22+$0x0]  }
0x524: {  	s28 =	sor.u32 s26, s15;
	v13 =	vld [tilespmem:s18+$0x0];
	v10 =	vshll.u32 v7, $0x4  }
0x525: {  	v11 =	vld [tilespmem:s28+$0x0];
	v12 =	vor.u32 v0, v10;
	_ =	sdelay $0x1  }
0x526: {  	s19 =	sor.u32 s19, s15  }
0x527: {  	s29 =	sor.u32 s21, s15;
	s15 =	sor.u32 s16, s15;
	v14 =	vld [tilespmem:s19+$0x0];
	v7 =	vshll.u32 v8, $0x4  }
0x528: {  	v8 =	vshll.u32 v9, $0x4;
	v9 =	vshll.u32 v13, $0x4;
	v13 =	vld [tilespmem:s15+$0x0];
	v16 =	vor.u32 v0, v7  }
0x529: {  	v18 =	vor.u32 v0, v9;
	[tilespmem:v12+s10+$0x0] =	vst.idx.add.f32.msk $0xffff, v11  }
0x52a: {  	v17 =	vadd.s32 v3, v10;
	v12 =	vld [tilespmem:s28+$0x80]  }
0x52b: {  	p0 =	por $0x0, $0x0;
	s16 =	simm.s32 $0x1  }
0x52c: {  	s16 =	simm.s32 @!p0 $0x0;
	v15 =	vld [tilespmem:s29+$0x0]  }
0x52d: {  	s16 =	sshll.u32 s16, $0x6;
	v11 =	vor.u32 v0, v8;
	[tilespmem:v16+s10+$0x0] =	vst.idx.add.f32.msk $0xffff, v14  }
0x52e: {  	s20 =	sadd.s32 $0x0, s16;
	[tilespmem:v18+s10+$0x0] =	vst.idx.add.f32.msk $0xffff, v13  }
0x52f: {  	s16 =	sor.u32 $0x100, s20;
	[tilespmem:v17+s10+$0x0] =	vst.idx.add.f32.msk $0xffff, v12  }
0x530: {  	v19 =	vadd.s32 v4, v10;
	v17 =	vld [tilespmem:s16+$0x8000]  }
0x531: {  	v10 =	vadd.s32 v5, v10;
	v14 =	vld [tilespmem:s19+$0x80]  }
0x532: {  	[tilespmem:v11+s10+$0x0] =	vst.idx.add.f32.msk $0xffff, v15;
	v15 =	vadd.s32 v3, v7  }
0x533: {  	v16 =	vadd.s32 v3, v8;
	v13 =	vld [tilespmem:s29+$0x80]  }
0x534: {  	p0 =	por !p0, !p0;
	v11 =	vld [tilespmem:s15+$0x80];
	v12 =	vadd.s32 v3, v9  }
0x535: {  	s23 =	sadd.s32 $0x10, s20;
	s19 =	sadd.s32 $0x30, s20;
	s15 =	simm.s32 $0x100;
	[tilespmem:v19+s10+$0x0] =	vst.idx.add.f32.msk $0xffff, v17  }
.LBB2_30:
0x536: {  	s14 =	sadd.s32 $0x40, s14;
	s24 =	sshra.s32 s15, $0x2;
	s16 =	sand.u32 $0x7E00, s15;
	[tilespmem:v10+s10+$0x0] =	vst.idx.add.f32.msk $0xffff, v6  }
0x537: {  	s25 =	sand.u32 $0x40, s14;
	s21 =	sor.u32 $0x8000, s16;
	s16 =	sand.u32 $0x1F80, s14;
	[tilespmem:v15+s10+$0x0] =	vst.idx.add.f32.msk $0xffff, v14  }
0x538: {  	s18 =	sor.u32 $0x10, s25;
	s26 =	sor.u32 $0x12000, s16;
	s22 =	sor.u32 $0x30, s25;
	[tilespmem:v16+s10+$0x0] =	vst.idx.add.f32.msk $0xffff, v13  }
0x539: {  	s28 =	sor.u32 s18, s26;
	s16 =	sor.u32 s18, s21;
	s18 =	sor.u32 $0x20, s25;
	[tilespmem:v12+s10+$0x0] =	vst.idx.add.f32.msk $0xffff, v11  }
0x53a: {  	v10 =	vld [tilespmem:s16+$0x0];
	s29 =	sor.u32 s18, s26;
	s18 =	sor.u32 s18, s21;
	s26 =	sor.u32 s22, s26  }
0x53b: {  	s23 =	sor.u32 $0x100, s23;
	s20 =	sadd.s32 $0x20, s20;
	p1 =	slt.u32 s14, $0x1FC0;
	v11 =	vld [tilespmem:s18+$0x0]  }
0x53c: {  	s20 =	sor.u32 $0x100, s20;
	s25 =	sor.u32 s25, s21;
	v12 =	vld [tilespmem:s23+$0x8000]  }
0x53d: {  	v13 =	vadd.s32 v4, v7;
	v14 =	vld [tilespmem:s20+$0x8000]  }
0x53e: {  	v15 =	vld [tilespmem:s24+$0x12000]  }
0x53f: {  	v17 =	vadd.s32 v4, v8;
	s19 =	sor.u32 $0x100, s19;
	v16 =	vld [tilespmem:s25+$0x0]  }
0x540: {  	v18 =	vld [tilespmem:s19+$0x8000]  }
0x541: {  	v8 =	vadd.s32 v5, v8;
	v19 =	vld [tilespmem:s28+$0x0]  }
0x542: {  	[tilespmem:v13+s10+$0x0] =	vst.idx.add.f32.msk $0xffff, v12;
	v12 =	vadd.s32 v4, v9  }
0x543: {  	v9 =	vadd.s32 v5, v9;
	v13 =	vshll.u32 v15, $0x4;
	v15 =	vld [tilespmem:s29+$0x0]  }
0x544: {  	v20 =	vor.u32 v0, v13;
	[tilespmem:v17+s10+$0x0] =	vst.idx.add.f32.msk $0xffff, v14  }
0x545: {  	v17 =	vadd.s32 v5, v7;
	v14 =	vld [tilespmem:s26+$0x0]  }
0x546: {  	[tilespmem:v8+s10+$0x0] =	vst.idx.add.f32.msk $0xffff, v6  }
0x547: {  	v7 =	vshll.u32 v19, $0x4;
	[tilespmem:v12+s10+$0x0] =	vst.idx.add.f32.msk $0xffff, v18  }
0x548: {  	v12 =	vor.u32 v0, v7;
	v8 =	vshll.u32 v15, $0x4;
	[tilespmem:v9+s10+$0x0] =	vst.idx.add.f32.msk $0xffff, v6  }
0x549: {  	[tilespmem:v20+s10+$0x0] =	vst.idx.add.f32.msk $0xffff, v16;
	v15 =	vor.u32 v0, v8  }
0x54a: {  	v18 =	vadd.s32 v3, v13;
	v16 =	vld [tilespmem:s25+$0x80]  }
0x54b: {  	s21 =	sor.u32 s22, s21;
	s19 =	simm.s32 $0x1;
	v9 =	vshll.u32 v14, $0x4;
	[tilespmem:v17+s10+$0x0] =	vst.idx.add.f32.msk $0xffff, v6  }
0x54c: {  	s19 =	simm.s32 @!p0 $0x0;
	v17 =	vor.u32 v0, v9;
	v14 =	vld [tilespmem:s21+$0x0]  }
0x54d: {  	s19 =	sshll.u32 s19, $0x6;
	[tilespmem:v12+s10+$0x0] =	vst.idx.add.f32.msk $0xffff, v10  }
0x54e: {  	s20 =	sadd.s32 s19, s15;
	[tilespmem:v15+s10+$0x0] =	vst.idx.add.f32.msk $0xffff, v11  }
0x54f: {  	s22 =	sor.u32 $0x100, s20;
	s23 =	sadd.s32 $0x10, s20;
	s19 =	sadd.s32 $0x30, s20;
	[tilespmem:v18+s10+$0x0] =	vst.idx.add.f32.msk $0xffff, v16  }
0x550: {  	v19 =	vadd.s32 v4, v13;
	v18 =	vld [tilespmem:s22+$0x8000]  }
.Ltmp14:
0x551: {  	v10 =	vadd.s32 v5, v13;
	[tilespmem:v17+s10+$0x0] =	vst.idx.add.f32.msk $0xffff, v14;
	(pc) =	sbr.rel @p1 .LBB2_30-.Ltmp14, $4  }
0x552: {  	v15 =	vadd.s32 v3, v7;
	v14 =	vld [tilespmem:s16+$0x80]  }
0x553: {  	v16 =	vadd.s32 v3, v8;
	v13 =	vld [tilespmem:s18+$0x80]  }
0x554: {  	v12 =	vadd.s32 v3, v9;
	v11 =	vld [tilespmem:s21+$0x80]  }
0x555: {  	p0 =	por !p0, !p0;
	s15 =	sadd.s32 $0x100, s15;
	[tilespmem:v19+s10+$0x0] =	vst.idx.add.f32.msk $0xffff, v18  }
0x556: {  	_ =	sdelay $0x3  }
0x557: {  	[tilespmem:v15+s10+$0x0] =	vst.idx.add.f32.msk $0xffff, v14  }
0x558: {  	s14 =	sor.u32 $0x100, s23;
	s15 =	sadd.s32 $0x20, s20;
	[tilespmem:v16+s10+$0x0] =	vst.idx.add.f32.msk $0xffff, v13  }
0x559: {  	s26 =	sor.u32 $0x100, s15;
	v14 =	vadd.s32 v4, v7;
	v13 =	vld [tilespmem:s14+$0x8000]  }
0x55a: {  	v16 =	vadd.s32 v4, v8;
	v15 =	vld [tilespmem:s26+$0x8000]  }
0x55b: {  	[tilespmem:v10+s10+$0x0] =	vst.idx.add.f32.msk $0xffff, v6;
	v7 =	vadd.s32 v5, v7  }
0x55c: {  	s28 =	sor.u32 $0x100, s19;
	v8 =	vadd.s32 v5, v8;
	[tilespmem:v12+s10+$0x0] =	vst.idx.add.f32.msk $0xffff, v11  }
0x55d: {  	v12 =	vadd.s32 v4, v9;
	v11 =	vld [tilespmem:s28+$0x8000]  }
0x55e: {  	v9 =	vadd.s32 v5, v9;
	[tilespmem:v14+s10+$0x0] =	vst.idx.add.f32.msk $0xffff, v13  }
0x55f: {  	[tilespmem:v16+s10+$0x0] =	vst.idx.add.f32.msk $0xffff, v15  }
0x560: {  	[tilespmem:v7+s10+$0x0] =	vst.idx.add.f32.msk $0xffff, v6  }
0x561: {  	[tilespmem:v8+s10+$0x0] =	vst.idx.add.f32.msk $0xffff, v6  }
0x562: {  	[tilespmem:v12+s10+$0x0] =	vst.idx.add.f32.msk $0xffff, v11  }
0x563: {  	[tilespmem:v9+s10+$0x0] =	vst.idx.add.f32.msk $0xffff, v6  }
0x564: {  	s29 =	simm.s32 $0x0;
	s20 =	rddreg [dreg:$0x13]  }
0x565: {  	[tilespmem:s6], [sflag:$0x2] =	stream.linear.gather [hbm4b:s20+s29], $0x8000, $0x38;
	[tilespmem:$0x15000] =	vst v63  }
0x566: {  	_ = 	snop  }
0x567: {  	[tilespmem:s7], [sflag:$0x4] =	stream.linear.gather [hbm4b:s2+s29], $0x2000, $0x38;
	[tilespmem:$0x15000] =	vst v63  }
0x568: {  	_ =	swait.ge [sflag:s8], $0x8000  }
0x569: {  	[sflag:s8] =	ssyncset.done $0x0  }
0x56a: {  	s21 =	simm.s32 $0x0;
	[sflag:s8] =	ssyncadd.s32 $0xFFFF8000  }
0x56b: {  	s16 =	sand.u32 $0x40, s21;
	s15 =	sand.u32 $0x1F80, s21;
	_ =	swait.ge [sflag:s9], $0x2000  }
0x56c: {  	s15 =	sor.u32 $0x10000, s15;
	s18 =	sor.u32 $0x30, s16;
	[sflag:s9] =	ssyncset.done $0x0  }
0x56d: {  	s23 =	sor.u32 $0x10, s16;
	s22 =	sor.u32 s18, s15;
	[sflag:s9] =	ssyncadd.s32 $0xFFFFE000  }
0x56e: {  	s24 =	sor.u32 s23, s15;
	v7 =	vld [tilespmem:s22+$0x0]  }
0x56f: {  	s21 =	sor.u32 $0x20, s16;
	v8 =	vld [tilespmem:s24+$0x0]  }
0x570: {  	s15 =	sor.u32 s21, s15  }
0x571: {  	s25 =	simm.s32 $0x0;
	v9 =	vld [tilespmem:s15+$0x0]  }
0x572: {  	s14 =	sand.u32 $0x7E00, s29;
	v10 =	vld [tilespmem:s25+$0x10000]  }
0x573: {  	s26 =	sor.u32 s18, s14;
	v7 =	vshll.u32 v7, $0x4  }
0x574: {  	s28 =	sor.u32 s23, s14;
	v11 =	vld [tilespmem:s26+$0x0];
	v8 =	vshll.u32 v8, $0x4;
	v12 =	vor.u32 v0, v7  }
0x575: {  	v13 =	vld [tilespmem:s28+$0x0];
	v14 =	vor.u32 v0, v8  }
0x576: {  	s29 =	sor.u32 s21, s14;
	v9 =	vshll.u32 v9, $0x4  }
0x577: {  	s14 =	sor.u32 s16, s14;
	v15 =	vld [tilespmem:s29+$0x0];
	v10 =	vshll.u32 v10, $0x4;
	v16 =	vor.u32 v0, v9  }
0x578: {  	v17 =	vld [tilespmem:s14+$0x0];
	v18 =	vor.u32 v0, v10  }
0x579: {  	[tilespmem:v12+s10+$0x0] =	vst.idx.add.f32.msk $0xffff, v11  }
0x57a: {  	[tilespmem:v14+s10+$0x0] =	vst.idx.add.f32.msk $0xffff, v13  }
0x57b: {  	p0 =	por $0x0, $0x0;
	s15 =	simm.s32 $0x1;
	v12 =	vadd.s32 v3, v7;
	v11 =	vld [tilespmem:s26+$0x80]  }
0x57c: {  	s15 =	simm.s32 @!p0 $0x0;
	[tilespmem:v16+s10+$0x0] =	vst.idx.add.f32.msk $0xffff, v15  }
0x57d: {  	s15 =	sshll.u32 s15, $0x6;
	[tilespmem:v18+s10+$0x0] =	vst.idx.add.f32.msk $0xffff, v17  }
0x57e: {  	s15 =	sadd.s32 $0x0, s15;
	v14 =	vadd.s32 v3, v8;
	v13 =	vld [tilespmem:s28+$0x80]  }
0x57f: {  	s18 =	sadd.s32 $0x30, s15;
	v16 =	vadd.s32 v3, v9;
	v15 =	vld [tilespmem:s29+$0x80]  }
0x580: {  	s16 =	sor.u32 $0x100, s18;
	[tilespmem:v12+s10+$0x0] =	vst.idx.add.f32.msk $0xffff, v11  }
0x581: {  	v12 =	vadd.s32 v4, v7;
	v11 =	vld [tilespmem:s16+$0x0]  }
0x582: {  	v17 =	vld [tilespmem:s14+$0x80];
	v7 =	vadd.s32 v5, v7  }
0x583: {  	s19 =	sadd.s32 $0x10, s15;
	[tilespmem:v14+s10+$0x0] =	vst.idx.add.f32.msk $0xffff, v13  }
0x584: {  	s20 =	sor.u32 $0x100, s19;
	v61 =	vadd.s32 v3, v10;
	[tilespmem:v16+s10+$0x0] =	vst.idx.add.f32.msk $0xffff, v15  }
0x585: {  	v13 =	vld [tilespmem:s20+$0x0]  }
0x586: {  	s21 =	sadd.s32 $0x20, s15;
	[tilespmem:v12+s10+$0x0] =	vst.idx.add.f32.msk $0xffff, v11;
	v11 =	vadd.s32 v4, v8  }
0x587: {  	s14 =	sor.u32 $0x100, s21;
	[tilespmem:v7+s10+$0x0] =	vst.idx.add.f32.msk $0xffff, v6  }
0x588: {  	v7 =	vadd.s32 v5, v8;
	v8 =	vld [tilespmem:s14+$0x0];
	s14 =	simm.s32 $0x40  }
0x589: {  	s15 =	sor.u32 $0x100, s15;
	[tilespmem:v61+s10+$0x0] =	vst.idx.add.f32.msk $0xffff, v17;
	s16 =	sand.u32 $0x40, s14;
	s22 =	sand.u32 $0x1F80, s14  }
0x58a: {  	v12 =	vld [tilespmem:s15+$0x0];
	s15 =	sor.u32 $0x10000, s22;
	s24 =	sor.u32 $0x10, s16  }
0x58b: {  	v14 =	vadd.s32 v4, v9;
	s26 =	sor.u32 s24, s15;
	[tilespmem:v11+s10+$0x0] =	vst.idx.add.f32.msk $0xffff, v13  }
0x58c: {  	v9 =	vadd.s32 v5, v9;
	s23 =	sor.u32 $0x30, s16;
	v11 =	vld [tilespmem:s26+$0x0]  }
0x58d: {  	s22 =	sor.u32 $0x20, s16;
	s25 =	sor.u32 s23, s15;
	[tilespmem:v7+s10+$0x0] =	vst.idx.add.f32.msk $0xffff, v6  }
0x58e: {  	s15 =	sor.u32 s22, s15;
	v7 =	vld [tilespmem:s25+$0x0]  }
0x58f: {  	v13 =	vld [tilespmem:s15+$0x0]  }
0x590: {  	s15 =	simm.s32 $0x100;
	[tilespmem:v14+s10+$0x0] =	vst.idx.add.f32.msk $0xffff, v8  }
0x591: {  	s28 =	simm.s32 $0x40;
	s29 =	sand.u32 $0x7E00, s15;
	[tilespmem:v9+s10+$0x0] =	vst.idx.add.f32.msk $0xffff, v6  }
0x592: {  	v8 =	vadd.s32 v4, v10;
	v9 =	vld [tilespmem:s28+$0x10000];
	s19 =	sor.u32 s24, s29;
	v16 =	vshll.u32 v11, $0x4  }
0x593: {  	s18 =	sor.u32 s23, s29;
	v11 =	vld [tilespmem:s19+$0x0];
	v7 =	vshll.u32 v7, $0x4;
	v17 =	vor.u32 v0, v16  }
0x594: {  	s23 =	sor.u32 s22, s29;
	v14 =	vld [tilespmem:s18+$0x0];
	v15 =	vor.u32 v0, v7  }
0x595: {  	s16 =	sor.u32 s16, s29;
	v62 =	vld [tilespmem:s23+$0x0];
	v13 =	vshll.u32 v13, $0x4  }
0x596: {  	v20 =	vld [tilespmem:s16+$0x0];
	v19 =	vor.u32 v0, v13  }
0x597: {  	[tilespmem:v8+s10+$0x0] =	vst.idx.add.f32.msk $0xffff, v12;
	v21 =	vshll.u32 v9, $0x4  }
0x598: {  	v8 =	vor.u32 v0, v21;
	[tilespmem:v17+s10+$0x0] =	vst.idx.add.f32.msk $0xffff, v11  }
0x599: {  	[tilespmem:v15+s10+$0x0] =	vst.idx.add.f32.msk $0xffff, v14  }
0x59a: {  	v12 =	vadd.s32 v3, v7;
	v9 =	vld [tilespmem:s18+$0x80]  }
0x59b: {  	p0 =	por !p0, !p0;
	[tilespmem:v19+s10+$0x0] =	vst.idx.add.f32.msk $0xffff, v62;
	s18 =	simm.s32 $0x1  }
0x59c: {  	v11 =	vld [tilespmem:s19+$0x80];
	s18 =	simm.s32 @!p0 $0x0  }
0x59d: {  	v14 =	vadd.s32 v3, v16;
	[tilespmem:v8+s10+$0x0] =	vst.idx.add.f32.msk $0xffff, v20;
	s18 =	sshll.u32 s18, $0x6  }
0x59e: {  	v17 =	vld [tilespmem:s16+$0x80];
	s18 =	sadd.s32 $0x100, s18  }
0x59f: {  	v63 =	vadd.s32 v3, v21;
	s24 =	sadd.s32 $0x30, s18;
	[tilespmem:v12+s10+$0x0] =	vst.idx.add.f32.msk $0xffff, v9  }
0x5a0: {  	v15 =	vadd.s32 v3, v13;
	s19 =	sor.u32 $0x100, s24;
	v12 =	vld [tilespmem:s23+$0x80]  }
0x5a1: {  	s25 =	sadd.s32 $0x10, s18;
	v9 =	vadd.s32 v4, v7;
	v8 =	vld [tilespmem:s19+$0x0]  }
0x5a2: {  	[tilespmem:v14+s10+$0x0] =	vst.idx.add.f32.msk $0xffff, v11;
	v7 =	vadd.s32 v5, v7;
	s26 =	sor.u32 $0x100, s25  }
0x5a3: {  	v14 =	vld [tilespmem:s26+$0x0]  }
0x5a4: {  	[tilespmem:v63+s10+$0x0] =	vst.idx.add.f32.msk $0xffff, v17  }
0x5a5: {  	v11 =	vadd.s32 v4, v16;
	[tilespmem:v15+s10+$0x0] =	vst.idx.add.f32.msk $0xffff, v12  }
0x5a6: {  	s28 =	sadd.s32 $0x20, s18;
	v12 =	vadd.s32 v5, v16;
	[tilespmem:v9+s10+$0x0] =	vst.idx.add.f32.msk $0xffff, v8  }
0x5a7: {  	s29 =	sor.u32 $0x100, s28;
	v9 =	vadd.s32 v5, v13;
	[tilespmem:v7+s10+$0x0] =	vst.idx.add.f32.msk $0xffff, v6;
	v7 =	vadd.s32 v5, v10  }
0x5a8: {  	s16 =	sor.u32 $0x100, s18;
	v8 =	vadd.s32 v4, v21;
	v15 =	vld [tilespmem:s29+$0x0];
	v10 =	vadd.s32 v4, v13;
	v13 =	vadd.s32 v5, v21  }
.LBB2_32:
0x5a9: {  	s14 =	sadd.s32 $0x40, s14;
	v16 =	vld [tilespmem:s16+$0x0]  }
0x5aa: {  	s16 =	sand.u32 $0x40, s14;
	s18 =	sand.u32 $0x1F80, s14;
	p1 =	slt.u32 s14, $0x1FC0;
	[tilespmem:v11+s10+$0x0] =	vst.idx.add.f32.msk $0xffff, v14  }
0x5ab: {  	s19 =	sor.u32 $0x10, s16;
	s18 =	sor.u32 $0x10000, s18;
	s20 =	sor.u32 $0x30, s16;
	[tilespmem:v12+s10+$0x0] =	vst.idx.add.f32.msk $0xffff, v6  }
0x5ac: {  	s22 =	sor.u32 $0x20, s16;
	s21 =	sor.u32 s19, s18;
	s23 =	sor.u32 s20, s18;
	[tilespmem:v7+s10+$0x0] =	vst.idx.add.f32.msk $0xffff, v6;
	v7 =	vmov v13  }
0x5ad: {  	s18 =	sor.u32 s22, s18;
	v11 =	vld [tilespmem:s23+$0x0]  }
0x5ae: {  	v12 =	vld [tilespmem:s21+$0x0]  }
0x5af: {  	v13 =	vld [tilespmem:s18+$0x0]  }
0x5b0: {  	s15 =	sadd.s32 $0x100, s15;
	[tilespmem:v10+s10+$0x0] =	vst.idx.add.f32.msk $0xffff, v15  }
0x5b1: {  	s21 =	sand.u32 $0x7E00, s15;
	s18 =	sshra.s32 s15, $0x2;
	[tilespmem:v9+s10+$0x0] =	vst.idx.add.f32.msk $0xffff, v6  }
0x5b2: {  	s20 =	sor.u32 s20, s21;
	v14 =	vld [tilespmem:s18+$0x10000];
	s18 =	sor.u32 s19, s21;
	s19 =	sor.u32 s22, s21;
	v15 =	vshll.u32 v11, $0x4  }
0x5b3: {  	s21 =	sor.u32 s16, s21;
	v9 =	vshll.u32 v12, $0x4;
	v17 =	vld [tilespmem:s20+$0x0];
	v18 =	vor.u32 v0, v15  }
0x5b4: {  	v19 =	vld [tilespmem:s18+$0x0];
	v20 =	vor.u32 v0, v9;
	v21 =	vadd.s32 v3, v9;
	v13 =	vshll.u32 v13, $0x4  }
0x5b5: {  	v11 =	vadd.s32 v4, v9;
	v22 =	vld [tilespmem:s19+$0x0];
	v23 =	vor.u32 v0, v13;
	v24 =	vadd.s32 v3, v13  }
0x5b6: {  	v12 =	vadd.s32 v5, v9;
	v10 =	vadd.s32 v4, v13;
	v9 =	vadd.s32 v5, v13;
	v25 =	vld [tilespmem:s21+$0x0]  }
0x5b7: {  	v13 =	vshll.u32 v14, $0x4;
	[tilespmem:v8+s10+$0x0] =	vst.idx.add.f32.msk $0xffff, v16  }
0x5b8: {  	v14 =	vor.u32 v0, v13;
	v16 =	vadd.s32 v3, v13;
	[tilespmem:v18+s10+$0x0] =	vst.idx.add.f32.msk $0xffff, v17  }
0x5b9: {  	p0 =	por !p0, !p0;
	s16 =	simm.s32 $0x1;
	v8 =	vadd.s32 v4, v13;
	v13 =	vadd.s32 v5, v13;
	v18 =	vadd.s32 v3, v15;
	v17 =	vld [tilespmem:s20+$0x80]  }
0x5ba: {  	s16 =	simm.s32 @!p0 $0x0;
	[tilespmem:v20+s10+$0x0] =	vst.idx.add.f32.msk $0xffff, v19  }
0x5bb: {  	s16 =	sshll.u32 s16, $0x6;
	[tilespmem:v23+s10+$0x0] =	vst.idx.add.f32.msk $0xffff, v22  }
0x5bc: {  	s16 =	sadd.s32 s16, s15;
	v19 =	vld [tilespmem:s18+$0x80]  }
0x5bd: {  	s22 =	sadd.s32 $0x30, s16;
	s20 =	sadd.s32 $0x20, s16;
	s18 =	sadd.s32 $0x10, s16;
	[tilespmem:v14+s10+$0x0] =	vst.idx.add.f32.msk $0xffff, v25  }
0x5be: {  	s22 =	sor.u32 $0x100, s22;
	s20 =	sor.u32 $0x100, s20;
	s18 =	sor.u32 $0x100, s18;
	[tilespmem:v18+s10+$0x0] =	vst.idx.add.f32.msk $0xffff, v17  }
0x5bf: {  	s16 =	sor.u32 $0x100, s16;
	v18 =	vadd.s32 v4, v15;
	v17 =	vld [tilespmem:s22+$0x0]  }
0x5c0: {  	v15 =	vadd.s32 v5, v15;
	v20 =	vld [tilespmem:s19+$0x80]  }
0x5c1: {  	v22 =	vld [tilespmem:s21+$0x80]  }
0x5c2: {  	[tilespmem:v21+s10+$0x0] =	vst.idx.add.f32.msk $0xffff, v19  }
0x5c3: {  	v14 =	vld [tilespmem:s18+$0x0]  }
.Ltmp15:
0x5c4: {  	[tilespmem:v18+s10+$0x0] =	vst.idx.add.f32.msk $0xffff, v17;
	(pc) =	sbr.rel @p1 .LBB2_32-.Ltmp15, $4  }
0x5c5: {  	[tilespmem:v15+s10+$0x0] =	vst.idx.add.f32.msk $0xffff, v6  }
0x5c6: {  	[tilespmem:v24+s10+$0x0] =	vst.idx.add.f32.msk $0xffff, v20  }
0x5c7: {  	[tilespmem:v16+s10+$0x0] =	vst.idx.add.f32.msk $0xffff, v22  }
0x5c8: {  	v15 =	vld [tilespmem:s20+$0x0]  }
0x5c9: {  	_ =	sdelay $0x2  }
0x5ca: {  	v16 =	vld [tilespmem:s16+$0x0]  }
0x5cb: {  	[tilespmem:v11+s10+$0x0] =	vst.idx.add.f32.msk $0xffff, v14  }
0x5cc: {  	[tilespmem:v7+s10+$0x0] =	vst.idx.add.f32.msk $0xffff, v6  }
0x5cd: {  	[tilespmem:v12+s10+$0x0] =	vst.idx.add.f32.msk $0xffff, v6  }
0x5ce: {  	[tilespmem:v10+s10+$0x0] =	vst.idx.add.f32.msk $0xffff, v15  }
0x5cf: {  	[tilespmem:v9+s10+$0x0] =	vst.idx.add.f32.msk $0xffff, v6  }
0x5d0: {  	[tilespmem:v8+s10+$0x0] =	vst.idx.add.f32.msk $0xffff, v16  }
0x5d1: {  	[tilespmem:v13+s10+$0x0] =	vst.idx.add.f32.msk $0xffff, v6  }
0x5d2: {  	_ =	swait.ge [sflag:s11], $0x8000  }
0x5d3: {  	[sflag:s11] =	ssyncset.done $0x0  }
0x5d4: {  	[sflag:s11] =	ssyncadd.s32 $0xFFFF8000  }
0x5d5: {  	_ =	swait.ge [sflag:s12], $0x2000  }
0x5d6: {  	[sflag:s12] =	ssyncset.done $0x0  }
0x5d7: {  	s15 =	simm.s32 $0x0;
	[sflag:s12] =	ssyncadd.s32 $0xFFFFE000  }
0x5d8: {  	v7 =	vld [tilespmem:s15+$0x12020]  }
0x5d9: {  	v9 =	vld [tilespmem:s15+$0x12030]  }
0x5da: {  	s14 =	simm.s32 $0x0  }
0x5db: {  	s18 =	simm.s32 $0x20;
	s20 =	sand.u32 $0x7E00, s14;
	v8 =	vld [tilespmem:s15+$0x12000]  }
0x5dc: {  	s22 =	simm.s32 $0x30;
	v11 =	vor.u32 s18, v0;
	s21 =	sand.u32 $0x60, s18;
	s16 =	sor.u32 $0x8000, s20;
	v10 =	vld [tilespmem:s15+$0x12010]  }
0x5dd: {  	s19 =	sand.u32 $0x70, s22;
	v14 =	vor.u32 s22, v0;
	vm3 =	vge.u32 v11, v1;
	s15 =	sor.u32 s21, s16;
	v11 =	vshll.u32 v7, $0x4  }
0x5de: {  	vm0 =	vge.u32 v14, v1;
	s19 =	sor.u32 s19, s16;
	v13 =	vld [tilespmem:s15+$0x0];
	v7 =	vshll.u32 v9, $0x4;
	v12 =	vor.u32 v0, v11  }
0x5df: {  	s23 =	sand.u32 $0x40, s14;
	s20 =	simm.s32 $0x10;
	v14 =	vld [tilespmem:s19+$0x0];
	v9 =	vor.u32 s14, v0;
	v15 =	vor.u32 v0, v7  }
0x5e0: {  	s18 =	sor.u32 s23, s16;
	v8 =	vshll.u32 v8, $0x4;
	vm2 =	vge.u32 v9, v1;
	v9 =	vor.u32 s20, v0;
	s20 =	sand.u32 $0x50, s20  }
0x5e1: {  	v17 =	vld [tilespmem:s18+$0x0];
	v60 =	vor.u32 v0, v8;
	vm1 =	vge.u32 v9, v1;
	v9 =	vshll.u32 v10, $0x4;
	s16 =	sor.u32 s20, s16  }
0x5e2: {  	v10 =	vld [tilespmem:s16+$0x0];
	v18 =	vor.u32 v0, v9  }
0x5e3: {  	[tilespmem:v12+s10+$0x0] =	vst.idx.add.f32.msk vm3, v13  }
0x5e4: {  	[tilespmem:v15+s10+$0x0] =	vst.idx.add.f32.msk vm0, v14  }
0x5e5: {  	v12 =	vld [tilespmem:s15+$0x80]  }
0x5e6: {  	v13 =	vadd.s32 v3, v11;
	[tilespmem:v60+s10+$0x0] =	vst.idx.add.f32.msk vm2, v17  }
0x5e7: {  	s24 =	sand.u32 $0x3, s14;
	vm0 =	vmmov vm0;
	[tilespmem:v18+s10+$0x0] =	vst.idx.add.f32.msk vm1, v10  }
0x5e8: {  	v14 =	vadd.s32 v3, v7;
	s15 =	sshll.u32 s24, $0x5;
	v10 =	vld [tilespmem:s19+$0x80]  }
0x5e9: {  	s25 =	sand.u32 $0x7, s14;
	s15 =	sadd.s32 $0x0, s15;
	v15 =	vld [tilespmem:s18+$0x80]  }
0x5ea: {  	v63 =	vadd.s32 v3, v8;
	s19 =	sshll.u32 s25, $0x4;
	s15 =	sadd.s32 $0x20, s15;
	v61 =	vld [tilespmem:s16+$0x80]  }
0x5eb: {  	v62 =	vadd.s32 v3, v9;
	s26 =	sadd.s32 $0x0, s19;
	s15 =	sor.u32 $0x100, s15;
	[tilespmem:v13+s10+$0x0] =	vst.idx.add.f32.msk vm3, v12  }
0x5ec: {  	s28 =	sadd.s32 $0x30, s26;
	v13 =	vadd.s32 v4, v11;
	v12 =	vld [tilespmem:s15+$0x8000]  }
0x5ed: {  	s16 =	sor.u32 $0x100, s28;
	v11 =	vadd.s32 v5, v11;
	[tilespmem:v14+s10+$0x0] =	vst.idx.add.f32.msk vm0, v10  }
0x5ee: {  	p0 =	por $0x0, $0x0;
	v10 =	vld [tilespmem:s16+$0x8000];
	s16 =	simm.s32 $0x1  }
0x5ef: {  	[tilespmem:v63+s10+$0x0] =	vst.idx.add.f32.msk vm2, v15;
	s16 =	simm.s32 @!p0 $0x0  }
0x5f0: {  	[tilespmem:v62+s10+$0x0] =	vst.idx.add.f32.msk vm1, v61;
	s16 =	sshll.u32 s16, $0x6  }
0x5f1: {  	s29 =	sadd.s32 $0x10, s26;
	s16 =	sadd.s32 $0x0, s16;
	[tilespmem:v13+s10+$0x0] =	vst.idx.add.f32.msk vm3, v12  }
0x5f2: {  	s18 =	simm.s32 $0x0;
	s19 =	sor.u32 $0x100, s29;
	s16 =	sor.u32 $0x100, s16;
	[tilespmem:v11+s10+$0x0] =	vst.idx.add.f32.msk vm3, v6  }
0x5f3: {  	s15 =	simm.s32 $0x40;
	p0 =	por !p0, !p0;
	v12 =	vadd.s32 v4, v8;
	v11 =	vld [tilespmem:s16+$0x8000];
	s16 =	simm.s32 $0x100  }
.LBB2_34:
0x5f4: {  	s20 =	sshra.s32 s16, $0x2;
	v13 =	vld [tilespmem:s19+$0x8000];
	s14 =	sadd.s32 $0x4, s14;
	s18 =	sadd.s32 $0x2, s18  }
0x5f5: {  	p1 =	slt.u32 s15, $0x1FC0;
	v8 =	vadd.s32 v5, v8;
	s21 =	smov.u32 s15;
	s15 =	sadd.s32 $0x40, s15;
	v14 =	vld [tilespmem:s20+$0x12030]  }
0x5f6: {  	v16 =	vadd.s32 v4, v9;
	v15 =	vld [tilespmem:s20+$0x12020]  }
0x5f7: {  	v9 =	vadd.s32 v5, v9;
	v17 =	vld [tilespmem:s20+$0x12000]  }
0x5f8: {  	s19 =	sand.u32 $0x7E00, s16;
	[tilespmem:v12+s10+$0x0] =	vst.idx.add.f32.msk vm2, v11;
	v11 =	vadd.s32 v4, v7  }
0x5f9: {  	s22 =	sand.u32 $0x40, s21;
	s23 =	sor.u32 $0x8000, s19;
	v12 =	vld [tilespmem:s20+$0x12010]  }
0x5fa: {  	s19 =	sor.u32 s22, s23;
	s20 =	sadd.s32 $0x20, s21;
	[tilespmem:v8+s10+$0x0] =	vst.idx.add.f32.msk vm2, v6  }
0x5fb: {  	v18 =	vor.u32 s20, v0;
	s20 =	sand.u32 $0x60, s20;
	[tilespmem:v16+s10+$0x0] =	vst.idx.add.f32.msk vm1, v13;
	v13 =	vadd.s32 v5, v7  }
0x5fc: {  	s22 =	sadd.s32 $0x30, s21;
	vm3 =	vge.u32 v18, v1;
	v15 =	vshll.u32 v15, $0x4;
	s20 =	sor.u32 s20, s23;
	v8 =	vshll.u32 v17, $0x4;
	[tilespmem:v9+s10+$0x0] =	vst.idx.add.f32.msk vm1, v6  }
0x5fd: {  	s24 =	sand.u32 $0x70, s22;
	v7 =	vshll.u32 v14, $0x4;
	v17 =	vor.u32 v0, v15;
	v16 =	vor.u32 v0, v8;
	[tilespmem:v11+s10+$0x0] =	vst.idx.add.f32.msk vm0, v10  }
0x5fe: {  	v9 =	vor.u32 s22, v0;
	s22 =	sor.u32 s24, s23;
	v10 =	vld [tilespmem:s20+$0x0]  }
0x5ff: {  	v18 =	vor.u32 v0, v7;
	v11 =	vor.u32 s21, v0;
	s21 =	sadd.s32 $0x10, s21;
	vm4 =	vge.u32 v9, v1;
	v14 =	vld [tilespmem:s22+$0x0]  }
0x600: {  	vm2 =	vge.u32 v11, v1;
	v9 =	vor.u32 s21, v0;
	s21 =	sand.u32 $0x50, s21;
	[tilespmem:v13+s10+$0x0] =	vst.idx.add.f32.msk vm0, v6;
	vm0 =	vmmov vm4  }
0x601: {  	vm1 =	vge.u32 v9, v1;
	v9 =	vshll.u32 v12, $0x4;
	s21 =	sor.u32 s21, s23;
	v11 =	vld [tilespmem:s19+$0x0]  }
0x602: {  	v13 =	vor.u32 v0, v9;
	v12 =	vld [tilespmem:s21+$0x0]  }
0x603: {  	[tilespmem:v17+s10+$0x0] =	vst.idx.add.f32.msk vm3, v10  }
0x604: {  	v17 =	vadd.s32 v3, v15;
	v10 =	vld [tilespmem:s20+$0x80]  }
0x605: {  	s20 =	sand.u32 $0x3, s18;
	[tilespmem:v18+s10+$0x0] =	vst.idx.add.f32.msk vm4, v14  }
0x606: {  	s20 =	sshll.u32 s20, $0x5;
	[tilespmem:v16+s10+$0x0] =	vst.idx.add.f32.msk vm2, v11  }
0x607: {  	s20 =	sadd.s32 s16, s20;
	[tilespmem:v13+s10+$0x0] =	vst.idx.add.f32.msk vm1, v12  }
0x608: {  	s20 =	sadd.s32 $0x20, s20;
	v12 =	vadd.s32 v3, v7;
	v11 =	vld [tilespmem:s22+$0x80]  }
0x609: {  	s22 =	sand.u32 $0x7, s14;
	s20 =	sor.u32 $0x100, s20;
	[tilespmem:v17+s10+$0x0] =	vst.idx.add.f32.msk vm3, v10  }
0x60a: {  	v14 =	vadd.s32 v4, v15;
	s22 =	sshll.u32 s22, $0x4;
	v13 =	vld [tilespmem:s20+$0x8000]  }
0x60b: {  	v15 =	vadd.s32 v5, v15;
	s20 =	sadd.s32 s16, s22;
	v16 =	vld [tilespmem:s19+$0x80]  }
0x60c: {  	v18 =	vadd.s32 v3, v9;
	s19 =	sadd.s32 $0x30, s20;
	s20 =	sadd.s32 $0x10, s20;
	v17 =	vld [tilespmem:s21+$0x80]  }
0x60d: {  	v19 =	vadd.s32 v3, v8;
	s19 =	sor.u32 $0x100, s19;
	[tilespmem:v12+s10+$0x0] =	vst.idx.add.f32.msk vm4, v11  }
0x60e: {  	v10 =	vld [tilespmem:s19+$0x8000];
	s19 =	simm.s32 $0x1  }
.Ltmp16:
0x60f: {  	s19 =	simm.s32 @!p0 $0x0;
	[tilespmem:v14+s10+$0x0] =	vst.idx.add.f32.msk vm3, v13;
	(pc) =	sbr.rel @p1 .LBB2_34-.Ltmp16, $4  }
0x610: {  	s19 =	sshll.u32 s19, $0x6;
	[tilespmem:v15+s10+$0x0] =	vst.idx.add.f32.msk vm3, v6  }
0x611: {  	s19 =	sadd.s32 s19, s16;
	[tilespmem:v18+s10+$0x0] =	vst.idx.add.f32.msk vm1, v17  }
0x612: {  	[tilespmem:v19+s10+$0x0] =	vst.idx.add.f32.msk vm2, v16;
	s19 =	sor.u32 $0x100, s19  }
0x613: {  	v12 =	vadd.s32 v4, v8;
	p0 =	por !p0, !p0;
	s16 =	sadd.s32 $0x100, s16;
	v11 =	vld [tilespmem:s19+$0x8000];
	s19 =	sor.u32 $0x100, s20  }
0x614: {  	_ = 	snop  }
0x615: {  	v8 =	vadd.s32 v5, v8  }
0x616: {  	v13 =	vld [tilespmem:s19+$0x8000];
	v14 =	vadd.s32 v4, v9  }
0x617: {  	v15 =	vadd.s32 v4, v7  }
0x618: {  	v63 =	vadd.s32 v5, v9  }
0x619: {  	v7 =	vadd.s32 v5, v7;
	[tilespmem:v12+s10+$0x0] =	vst.idx.add.f32.msk vm2, v11  }
0x61a: {  	[tilespmem:v8+s10+$0x0] =	vst.idx.add.f32.msk vm2, v6  }
0x61b: {  	[tilespmem:v14+s10+$0x0] =	vst.idx.add.f32.msk vm1, v13  }
0x61c: {  	s17 =	sadd.s32 $0x1, s17;
	[tilespmem:v15+s10+$0x0] =	vst.idx.add.f32.msk vm0, v10  }
0x61d: {  	p0 =	sne.s32 s17, s4;
	[tilespmem:v63+s10+$0x0] =	vst.idx.add.f32.msk vm1, v6  }
.Ltmp17:
0x61e: {  	s14 =	simm.s32 $0x80;
	s15 =	simm.s32 $0x400;
	[tilespmem:v7+s10+$0x0] =	vst.idx.add.f32.msk vm0, v6;
	(pc) =	sbr.rel @p0 .LBB2_1-.Ltmp17, $4  }
0x61f: {  	[hbm4b:s3+s14] =	stream.strided.scatter [tilespmem:s10], [sflag:$0x5], $0x1000, s15, s14, $0x38;
	[tilespmem:$0x15000] =	vst v63  }
0x620: {  	_ =	swait.ge [sflag:s13], $0x1000  }
0x621: {  	[sflag:s13] =	ssyncset.done $0x0  }
0x622: {  	[sflag:s13] =	ssyncadd.s32 $0xFFFFF000  }
0x623: {  	_ =	sfence.sel $0x180000  }
0x624: {  	[bflag:$0x0] =	sbarrier.arrive $0xFFFF  }
0x625: {  	_ =	strace $0x90000047  }
0x626: {  	s0 =	stileid.u32;
	[bflag:$0x2] =	sbarrier.arrive $0xFFFF  }
0x627: {  	p0 =	sne.s32 s0, $0x0;
	s0 =	rddreg [dreg:$0x3]  }
0x628: {  	s0 =	sadd.s32 @!p0 $0x100000, s0  }
0x629: {  	[sflag:s0] =	ssyncadd.tile.s32 @!p0 $0x1;
	_ =	shalt  }
.Lfunc_end2:
_tile_overlayer_lowered:
.L_overlay_start_2:
0x62a: {  	(tag) =	ssettag $0x2  }
0x62b: {  	s0 =	rddreg [dreg:$0x0];
	s2 =	stileid.u32  }
0x62c: {  	s1 =	rddreg [dreg:$0x1];
	p0 =	sne.s32 s2, $0x0  }
0x62d: {  	s3 =	rddreg [dreg:$0x2];
	[bflag:$0x3] =	sbarrier.arrive $0xFFFF;
	s2 =	simm.s32 @!p0 $0x1C05  }
0x62e: {  	[timem:s3], [sflag:s2] =	dma.local @!p0 [hbm:s0], s1  }
0x62f: {  	s0 =	simm.s32 @!p0 $0x5  }
0x630: {  	_ =	swait.ge @!p0 [sflag:s0], s1  }
0x631: {  	s1 =	ssub.s32 @!p0 $0x0, s1;
	[sflag:s0] =	ssyncset.done @!p0 $0x0  }
0x632: {  	[sflag:s0] =	ssyncadd.s32 @!p0 s1  }
0x633: {  	[bflag:$0x3] =	sbarrier.arrive $0xFFFF  }
0x634: {  	_ =	shalt  }

</sc_bundles>
